<compile_context>
chip_gen: v7x
topology: tpu7x:2x2x1
jax: 0.10.2.dev20260603
libtpu: 0.0.44.dev20260713+nightly
codegen_flags: <defaults>
</compile_context>

<pallas_src>
import functools

import jax
import jax.numpy as jnp
from jax import lax
from jax.experimental import pallas as pl
from jax.experimental.pallas import tpu as pltpu
from jax.experimental.pallas import tpu_sc as plsc

_B = 16384
_D = 20
_EPS = 1e-3
_NW = 32
_BPW = _B // _NW
_K = 32
_NGRP = _BPW // _K
_NSLAB = 125000


def _sc_gather_one(slab, sub, tab3):
    mesh = plsc.VectorSubcoreMesh(core_axis_name="c", subcore_axis_name="s")

    @functools.partial(
        pl.kernel,
        mesh=mesh,
        out_type=jax.ShapeDtypeStruct((_B, 1, _D), jnp.float32),
        scratch_types=[
            pltpu.MemorySpace.VMEM_SHARED((_NW, _BPW), jnp.int32),
            pltpu.MemorySpace.VMEM_SHARED((_NW, _BPW), jnp.int32),
            pltpu.SMEM((_BPW,), jnp.int32),
            pltpu.SMEM((_BPW,), jnp.int32),
            pltpu.VMEM((_BPW, 1, _D), jnp.float32),
            pltpu.SemaphoreType.DMA,
        ],
    )
    def gather_kernel(slab_hbm, sub_hbm, tab_hbm, out_hbm,
                      slab_sh, sub_sh, slab_s, sub_s, row_v, sem):
        wid = lax.axis_index("s") * 2 + lax.axis_index("c")
        base = wid * _BPW
        pltpu.sync_copy(slab_hbm.at[pl.ds(base, _BPW)], slab_sh.at[wid])
        pltpu.sync_copy(sub_hbm.at[pl.ds(base, _BPW)], sub_sh.at[wid])
        pltpu.sync_copy(slab_sh.at[wid], slab_s)
        pltpu.sync_copy(sub_sh.at[wid], sub_s)

        def body(g, carry):
            cps = []
            for b in range(_K):
                i = g * _K + b
                cps.append(pltpu.async_copy(
                    tab_hbm.at[pl.ds(slab_s[i], 1), pl.ds(sub_s[i], 1)],
                    row_v.at[pl.ds(i, 1)], sem))
            for cp in cps:
                cp.wait()
            return carry

        lax.fori_loop(0, _NGRP, body, 0)
        pltpu.sync_copy(row_v, out_hbm.at[pl.ds(base, _BPW)])

    return gather_kernel(slab, sub, tab3)


def _sc_gather_2d(idx, tab):
    mesh = plsc.VectorSubcoreMesh(core_axis_name="c", subcore_axis_name="s")

    @functools.partial(
        pl.kernel,
        mesh=mesh,
        out_type=jax.ShapeDtypeStruct((_B, _D), jnp.float32),
        scratch_types=[
            pltpu.MemorySpace.VMEM_SHARED((_NW, _BPW), jnp.int32),
            pltpu.SMEM((_BPW,), jnp.int32),
            pltpu.VMEM((_BPW, _D), jnp.float32),
            pltpu.SemaphoreType.DMA,
        ],
    )
    def gather_kernel(idx_hbm, tab_hbm, out_hbm, idx_sh, idx_s, row_v, sem):
        wid = lax.axis_index("s") * 2 + lax.axis_index("c")
        base = wid * _BPW
        pltpu.sync_copy(idx_hbm.at[pl.ds(base, _BPW)], idx_sh.at[wid])
        pltpu.sync_copy(idx_sh.at[wid], idx_s)

        def body(g, carry):
            cps = []
            for b in range(_K):
                i = g * _K + b
                cps.append(pltpu.async_copy(
                    tab_hbm.at[pl.ds(idx_s[i], 1)],
                    row_v.at[pl.ds(i, 1)], sem))
            for cp in cps:
                cp.wait()
            return carry

        lax.fori_loop(0, _NGRP, body, 0)
        pltpu.sync_copy(row_v, out_hbm.at[pl.ds(base, _BPW)])

    return gather_kernel(idx, tab)


def _mlp_body(pv_ref, cv_ref,
              pw_ref, pb_ref, pg_ref, pbb_ref, pm_ref, pvv_ref,
              cw_ref, cb_ref, cg_ref, cbb_ref, cm_ref, cvv_ref,
              w1p_ref, w1c_ref, b1_ref, g1_ref, bb1_ref, m1_ref, v1_ref,
              wo_ref, bo_ref, o_ref):
    blk = pv_ref.shape[0]
    pv = pv_ref[...].reshape(blk, _D)
    cv = cv_ref[...].reshape(blk, _D)

    psc = pg_ref[...] / jnp.sqrt(pvv_ref[...] + _EPS)
    psh = pbb_ref[...] - pm_ref[...] * psc
    csc = cg_ref[...] / jnp.sqrt(cvv_ref[...] + _EPS)
    csh = cbb_ref[...] - cm_ref[...] * csc
    s1 = g1_ref[...] / jnp.sqrt(v1_ref[...] + _EPS)
    t1 = bb1_ref[...] - m1_ref[...] * s1

    ph = jnp.maximum(
        jnp.dot(pv, pw_ref[...], preferred_element_type=jnp.float32)
        + pb_ref[...], 0.0) * psc + psh
    ch = jnp.maximum(
        jnp.dot(cv, cw_ref[...], preferred_element_type=jnp.float32)
        + cb_ref[...], 0.0) * csc + csh
    z = (jnp.dot(ph, w1p_ref[...], preferred_element_type=jnp.float32)
         + jnp.dot(ch, w1c_ref[...], preferred_element_type=jnp.float32)
         + b1_ref[...])
    h = jnp.maximum(z, 0.0) * s1 + t1
    logit = jnp.dot(h, wo_ref[...], preferred_element_type=jnp.float32) + bo_ref[...]
    o_ref[...] = 1.0 / (1.0 + jnp.exp(-logit))


def _tc_mlp(pv, cv,
            pw, pb, pg, pbb, pm, pvv, cw, cb, cg, cbb, cm, cvv,
            w1p, w1c, b1, g1, bb1, m1, v1, wo, bo):
    blk = 2048
    grid = (_B // blk,)
    row_spec3 = pl.BlockSpec((blk, 1, _D), lambda i: (i, 0, 0))
    row_spec2 = pl.BlockSpec((blk, _D), lambda i: (i, 0))

    def full(a):
        return pl.BlockSpec(a.shape, lambda i: tuple(0 for _ in a.shape))

    weights = (pw, pb, pg, pbb, pm, pvv, cw, cb, cg, cbb, cm, cvv,
               w1p, w1c, b1, g1, bb1, m1, v1, wo, bo)
    return pl.pallas_call(
        _mlp_body,
        grid=grid,
        in_specs=[row_spec3, row_spec2] + [full(w) for w in weights],
        out_specs=pl.BlockSpec((blk, 1), lambda i: (i, 0)),
        out_shape=jax.ShapeDtypeStruct((_B, 1), jnp.float32),
    )(pv, cv, *weights)


def kernel(X, prod_emb, cust_emb, prod_fc1_w, prod_fc1_b, prod_bn_g,
           prod_bn_b, prod_bn_m, prod_bn_v, cust_fc1_w, cust_fc1_b,
           cust_bn_g, cust_bn_b, cust_bn_m, cust_bn_v, fc1_w, fc1_b,
           fc1_bn_g, fc1_bn_b, fc1_bn_m, fc1_bn_v, out_w, out_b):
    pidx = X[:, 0].astype(jnp.int32)
    cidx = X[:, 1].astype(jnp.int32)
    pt3 = prod_emb.reshape(_NSLAB, 8, _D)
    pv = _sc_gather_one(pidx >> 3, pidx & 7, pt3)
    cv = _sc_gather_2d(cidx, cust_emb)

    r2 = lambda a: a.reshape(1, -1)
    return _tc_mlp(
        pv, cv,
        prod_fc1_w, r2(prod_fc1_b), r2(prod_bn_g), r2(prod_bn_b),
        r2(prod_bn_m), r2(prod_bn_v),
        cust_fc1_w, r2(cust_fc1_b), r2(cust_bn_g), r2(cust_bn_b),
        r2(cust_bn_m), r2(cust_bn_v),
        fc1_w[:10, :], fc1_w[10:, :], r2(fc1_b), r2(fc1_bn_g),
        r2(fc1_bn_b), r2(fc1_bn_m), r2(fc1_bn_v),
        out_w, r2(out_b),
    )

# --- scband reference (transcript-rebuilt; emitter-appended) ---
"""Pipeline reference for scband-simple-nn-34943853920298 (READ-ONLY COPY).

The authoritative reference and input builder live on the scoring server;
editing this copy changes nothing except your own understanding.
"""

import jax, jax.numpy as jnp
import numpy as np

B = 16384
VP = 1000000
VC = 1000000
D = 20
EPS = 1e-3  # keras BatchNormalization default epsilon


def setup_inputs(seed: int = 0) -> dict:
    key = jax.random.key(seed)
    ks = jax.random.split(key, 24)
    X = jax.random.randint(ks[0], (B, 2), 0, VP, dtype=jnp.int64 if jax.config.jax_enable_x64 else jnp.int32)
    prod_emb = jax.random.normal(ks[1], (VP, D), jnp.float32) * 0.05
    cust_emb = jax.random.normal(ks[2], (VC, D), jnp.float32) * 0.05
    prod_fc1_w = jax.random.normal(ks[3], (D, 10), jnp.float32) * 0.1
    prod_fc1_b = jnp.zeros((10,), jnp.float32)
    prod_bn_g = 1.0 + 0.1 * jax.random.normal(ks[4], (10,), jnp.float32)
    prod_bn_b = 0.1 * jax.random.normal(ks[5], (10,), jnp.float32)
    prod_bn_m = 0.1 * jax.random.normal(ks[6], (10,), jnp.float32)
    prod_bn_v = jax.random.uniform(ks[7], (10,), jnp.float32, 0.5, 1.5)
    cust_fc1_w = jax.random.normal(ks[8], (D, 10), jnp.float32) * 0.1
    cust_fc1_b = jnp.zeros((10,), jnp.float32)
    cust_bn_g = 1.0 + 0.1 * jax.random.normal(ks[9], (10,), jnp.float32)
    cust_bn_b = 0.1 * jax.random.normal(ks[10], (10,), jnp.float32)
    cust_bn_m = 0.1 * jax.random.normal(ks[11], (10,), jnp.float32)
    cust_bn_v = jax.random.uniform(ks[12], (10,), jnp.float32, 0.5, 1.5)
    fc1_w = jax.random.normal(ks[13], (20, 20), jnp.float32) * 0.1
    fc1_b = jnp.zeros((20,), jnp.float32)
    fc1_bn_g = 1.0 + 0.1 * jax.random.normal(ks[14], (20,), jnp.float32)
    fc1_bn_b = 0.1 * jax.random.normal(ks[15], (20,), jnp.float32)
    fc1_bn_m = 0.1 * jax.random.normal(ks[16], (20,), jnp.float32)
    fc1_bn_v = jax.random.uniform(ks[17], (20,), jnp.float32, 0.5, 1.5)
    out_w = jax.random.normal(ks[18], (20, 1), jnp.float32) * 0.1
    out_b = jnp.zeros((1,), jnp.float32)
    return {
        "X": X,
        "prod_emb": prod_emb, "cust_emb": cust_emb,
        "prod_fc1_w": prod_fc1_w, "prod_fc1_b": prod_fc1_b,
        "prod_bn_g": prod_bn_g, "prod_bn_b": prod_bn_b, "prod_bn_m": prod_bn_m, "prod_bn_v": prod_bn_v,
        "cust_fc1_w": cust_fc1_w, "cust_fc1_b": cust_fc1_b,
        "cust_bn_g": cust_bn_g, "cust_bn_b": cust_bn_b, "cust_bn_m": cust_bn_m, "cust_bn_v": cust_bn_v,
        "fc1_w": fc1_w, "fc1_b": fc1_b,
        "fc1_bn_g": fc1_bn_g, "fc1_bn_b": fc1_bn_b, "fc1_bn_m": fc1_bn_m, "fc1_bn_v": fc1_bn_v,
        "out_w": out_w, "out_b": out_b,
    }


def _bn(x, g, b, m, v):
    return (x - m) / jnp.sqrt(v + EPS) * g + b


def reference(X, prod_emb, cust_emb,
              prod_fc1_w, prod_fc1_b, prod_bn_g, prod_bn_b, prod_bn_m, prod_bn_v,
              cust_fc1_w, cust_fc1_b, cust_bn_g, cust_bn_b, cust_bn_m, cust_bn_v,
              fc1_w, fc1_b, fc1_bn_g, fc1_bn_b, fc1_bn_m, fc1_bn_v,
              out_w, out_b):
    # Inference-mode keras call: BN uses moving stats, dropout is identity.
    product_vec = jnp.take(prod_emb, X[:, 0], axis=0)
    customer_vec = jnp.take(cust_emb, X[:, 1], axis=0)
    p_hid1 = jax.nn.relu(product_vec @ prod_fc1_w + prod_fc1_b)
    p_hid1 = _bn(p_hid1, prod_bn_g, prod_bn_b, prod_bn_m, prod_bn_v)
    c_hid1 = jax.nn.relu(customer_vec @ cust_fc1_w + cust_fc1_b)
    c_hid1 = _bn(c_hid1, cust_bn_g, cust_bn_b, cust_bn_m, cust_bn_v)
    concatted = jnp.concatenate([p_hid1, c_hid1], axis=-1)
    hid1 = jax.nn.relu(concatted @ fc1_w + fc1_b)
    hid1 = _bn(hid1, fc1_bn_g, fc1_bn_b, fc1_bn_m, fc1_bn_v)
    out = jax.nn.sigmoid(hid1 @ out_w + out_b)
    return out

if __name__ == "__main__":
    import jax
    _d = setup_inputs()
    print(jax.jit(kernel)(*tuple(_d.values())))

</pallas_src>

<mosaic_0001>
#map = affine_map<(d0, d1) -> (0)>
#map1 = affine_map<(d0, d1) -> (0, 0, 0)>
module attributes {stable_mosaic.version = 14 : i64} {
  func.func @gather_kernel(%arg0: i32, %arg1: i32, %arg2: memref<16384xi32, #tpu.memory_space<hbm>>, %arg3: memref<16384xi32, #tpu.memory_space<hbm>>, %arg4: memref<125000x8x20xf32, #tpu.memory_space<hbm>>, %arg5: memref<16384x1x20xf32, #tpu.memory_space<hbm>>, %arg6: memref<32x512xi32, #tpu.memory_space<vmem_shared>>, %arg7: memref<32x512xi32, #tpu.memory_space<vmem_shared>>, %arg8: memref<512xi32, #tpu.memory_space<smem>>, %arg9: memref<512xi32, #tpu.memory_space<smem>>, %arg10: memref<512x1x20xf32, #tpu.memory_space<vmem>>, %arg11: memref<!tpu.dma_semaphore, #tpu.memory_space<semaphore_mem>>) attributes {dimension_semantics = [#tpu.dimension_semantics<core_parallel>, #tpu.dimension_semantics<subcore_parallel>], iteration_bounds = array<i64: 2, 16>, scalar_prefetch = 0 : i64, scratch_operands = 6 : i64, tpu.core_type = #tpu.core_type<sc_vector_subcore>, window_params = [{transform_indices = #map}, {transform_indices = #map}, {transform_indices = #map1}, {transform_indices = #map1}]} {
    %mul3A = arith.constant 2 : i32
    %mul3A_0 = arith.muli %arg1, %mul3A : i32
    %add3A = arith.addi %mul3A_0, %arg0 : i32
    %mul3A_1 = arith.constant 512 : i32
    %mul3A_2 = arith.muli %add3A, %mul3A_1 : i32
    "tpu.region"() ({
      %run_scoped3A = tpu.sem_alloc : memref<!tpu.dma_semaphore, #tpu.memory_space<semaphore_mem>>
      %dma_start3A = arith.constant 0 : i32
      %dma_start3A_8 = tpu.memref_slice %arg6[%add3A, %dma_start3A] : memref<32x512xi32, #tpu.memory_space<vmem_shared>> -> memref<1x512xi32, #tpu.memory_space<vmem_shared>>
      %dma_start3A_9 = tpu.memref_squeeze %dma_start3A_8 : memref<1x512xi32, #tpu.memory_space<vmem_shared>> -> memref<512xi32, #tpu.memory_space<vmem_shared>>
      %dma_start3A_10 = tpu.memref_slice %arg2[%mul3A_2] : memref<16384xi32, #tpu.memory_space<hbm>> -> memref<512xi32, #tpu.memory_space<hbm>>
      tpu.enqueue_dma source(%dma_start3A_10 : memref<512xi32, #tpu.memory_space<hbm>>) target(%dma_start3A_9 : memref<512xi32, #tpu.memory_space<vmem_shared>>) target_semaphore(%run_scoped3A : memref<!tpu.dma_semaphore, #tpu.memory_space<semaphore_mem>>)
      %dma_wait3A = arith.constant 0 : i32
      %dma_wait3A_11 = tpu.memref_slice %arg6[%add3A, %dma_wait3A] : memref<32x512xi32, #tpu.memory_space<vmem_shared>> -> memref<1x512xi32, #tpu.memory_space<vmem_shared>>
      %dma_wait3A_12 = tpu.memref_squeeze %dma_wait3A_11 : memref<1x512xi32, #tpu.memory_space<vmem_shared>> -> memref<512xi32, #tpu.memory_space<vmem_shared>>
      %dma_wait3A_13 = tpu.memref_slice %arg2[%mul3A_2] : memref<16384xi32, #tpu.memory_space<hbm>> -> memref<512xi32, #tpu.memory_space<hbm>>
      tpu.wait_dma2 semaphore(%run_scoped3A : memref<!tpu.dma_semaphore, #tpu.memory_space<semaphore_mem>>) src(%dma_wait3A_13 : memref<512xi32, #tpu.memory_space<hbm>>) dst(%dma_wait3A_12 : memref<512xi32, #tpu.memory_space<vmem_shared>>)
      tpu.yield
    }) : () -> ()
    "tpu.region"() ({
      %run_scoped3A = tpu.sem_alloc : memref<!tpu.dma_semaphore, #tpu.memory_space<semaphore_mem>>
      %dma_start3A = arith.constant 0 : i32
      %dma_start3A_8 = tpu.memref_slice %arg7[%add3A, %dma_start3A] : memref<32x512xi32, #tpu.memory_space<vmem_shared>> -> memref<1x512xi32, #tpu.memory_space<vmem_shared>>
      %dma_start3A_9 = tpu.memref_squeeze %dma_start3A_8 : memref<1x512xi32, #tpu.memory_space<vmem_shared>> -> memref<512xi32, #tpu.memory_space<vmem_shared>>
      %dma_start3A_10 = tpu.memref_slice %arg3[%mul3A_2] : memref<16384xi32, #tpu.memory_space<hbm>> -> memref<512xi32, #tpu.memory_space<hbm>>
      tpu.enqueue_dma source(%dma_start3A_10 : memref<512xi32, #tpu.memory_space<hbm>>) target(%dma_start3A_9 : memref<512xi32, #tpu.memory_space<vmem_shared>>) target_semaphore(%run_scoped3A : memref<!tpu.dma_semaphore, #tpu.memory_space<semaphore_mem>>)
      %dma_wait3A = arith.constant 0 : i32
      %dma_wait3A_11 = tpu.memref_slice %arg7[%add3A, %dma_wait3A] : memref<32x512xi32, #tpu.memory_space<vmem_shared>> -> memref<1x512xi32, #tpu.memory_space<vmem_shared>>
      %dma_wait3A_12 = tpu.memref_squeeze %dma_wait3A_11 : memref<1x512xi32, #tpu.memory_space<vmem_shared>> -> memref<512xi32, #tpu.memory_space<vmem_shared>>
      %dma_wait3A_13 = tpu.memref_slice %arg3[%mul3A_2] : memref<16384xi32, #tpu.memory_space<hbm>> -> memref<512xi32, #tpu.memory_space<hbm>>
      tpu.wait_dma2 semaphore(%run_scoped3A : memref<!tpu.dma_semaphore, #tpu.memory_space<semaphore_mem>>) src(%dma_wait3A_13 : memref<512xi32, #tpu.memory_space<hbm>>) dst(%dma_wait3A_12 : memref<512xi32, #tpu.memory_space<vmem_shared>>)
      tpu.yield
    }) : () -> ()
    "tpu.region"() ({
      %run_scoped3A = tpu.sem_alloc : memref<!tpu.dma_semaphore, #tpu.memory_space<semaphore_mem>>
      %dma_start3A = arith.constant 0 : i32
      %dma_start3A_8 = tpu.memref_slice %arg6[%add3A, %dma_start3A] : memref<32x512xi32, #tpu.memory_space<vmem_shared>> -> memref<1x512xi32, #tpu.memory_space<vmem_shared>>
      %dma_start3A_9 = tpu.memref_squeeze %dma_start3A_8 : memref<1x512xi32, #tpu.memory_space<vmem_shared>> -> memref<512xi32, #tpu.memory_space<vmem_shared>>
      tpu.enqueue_dma source(%dma_start3A_9 : memref<512xi32, #tpu.memory_space<vmem_shared>>) target(%arg8 : memref<512xi32, #tpu.memory_space<smem>>) target_semaphore(%run_scoped3A : memref<!tpu.dma_semaphore, #tpu.memory_space<semaphore_mem>>)
      %dma_wait3A = arith.constant 0 : i32
      %dma_wait3A_10 = tpu.memref_slice %arg6[%add3A, %dma_wait3A] : memref<32x512xi32, #tpu.memory_space<vmem_shared>> -> memref<1x512xi32, #tpu.memory_space<vmem_shared>>
      %dma_wait3A_11 = tpu.memref_squeeze %dma_wait3A_10 : memref<1x512xi32, #tpu.memory_space<vmem_shared>> -> memref<512xi32, #tpu.memory_space<vmem_shared>>
      tpu.wait_dma2 semaphore(%run_scoped3A : memref<!tpu.dma_semaphore, #tpu.memory_space<semaphore_mem>>) src(%dma_wait3A_11 : memref<512xi32, #tpu.memory_space<vmem_shared>>) dst(%arg8 : memref<512xi32, #tpu.memory_space<smem>>)
      tpu.yield
    }) : () -> ()
    "tpu.region"() ({
      %run_scoped3A = tpu.sem_alloc : memref<!tpu.dma_semaphore, #tpu.memory_space<semaphore_mem>>
      %dma_start3A = arith.constant 0 : i32
      %dma_start3A_8 = tpu.memref_slice %arg7[%add3A, %dma_start3A] : memref<32x512xi32, #tpu.memory_space<vmem_shared>> -> memref<1x512xi32, #tpu.memory_space<vmem_shared>>
      %dma_start3A_9 = tpu.memref_squeeze %dma_start3A_8 : memref<1x512xi32, #tpu.memory_space<vmem_shared>> -> memref<512xi32, #tpu.memory_space<vmem_shared>>
      tpu.enqueue_dma source(%dma_start3A_9 : memref<512xi32, #tpu.memory_space<vmem_shared>>) target(%arg9 : memref<512xi32, #tpu.memory_space<smem>>) target_semaphore(%run_scoped3A : memref<!tpu.dma_semaphore, #tpu.memory_space<semaphore_mem>>)
      %dma_wait3A = arith.constant 0 : i32
      %dma_wait3A_10 = tpu.memref_slice %arg7[%add3A, %dma_wait3A] : memref<32x512xi32, #tpu.memory_space<vmem_shared>> -> memref<1x512xi32, #tpu.memory_space<vmem_shared>>
      %dma_wait3A_11 = tpu.memref_squeeze %dma_wait3A_10 : memref<1x512xi32, #tpu.memory_space<vmem_shared>> -> memref<512xi32, #tpu.memory_space<vmem_shared>>
      tpu.wait_dma2 semaphore(%run_scoped3A : memref<!tpu.dma_semaphore, #tpu.memory_space<semaphore_mem>>) src(%dma_wait3A_11 : memref<512xi32, #tpu.memory_space<vmem_shared>>) dst(%arg9 : memref<512xi32, #tpu.memory_space<smem>>)
      tpu.yield
    }) : () -> ()
    %scan3A = arith.constant 0 : i32
    %scan3A_3 = arith.constant 0 : i32
    %scan3A_4 = arith.constant 16 : i32
    %scan3A_5 = arith.addi %scan3A_3, %scan3A_4 : i32
    %scan3A_6 = arith.constant 1 : i32
    scf.for %scan3A_8 = %scan3A_3 to %scan3A_5 step %scan3A_6  : i32 {
      %mul3A_9 = arith.constant 32 : i32
      %mul3A_10 = arith.muli %scan3A_8, %mul3A_9 : i32
      %add3A_11 = arith.constant 0 : i32
      %add3A_12 = arith.addi %mul3A_10, %add3A_11 : i32
      %get3A = arith.index_cast %add3A_12 : i32 to index
      %get3A_13 = memref.load %arg8[%get3A] : memref<512xi32, #tpu.memory_space<smem>>
      %get3A_14 = arith.index_cast %add3A_12 : i32 to index
      %get3A_15 = memref.load %arg9[%get3A_14] : memref<512xi32, #tpu.memory_space<smem>>
      %dma_start3A = arith.constant 0 : i32
      %dma_start3A_16 = arith.constant 0 : i32
      %dma_start3A_17 = tpu.memref_slice %arg10[%add3A_12, %dma_start3A, %dma_start3A_16] : memref<512x1x20xf32, #tpu.memory_space<vmem>> -> memref<1x1x20xf32, #tpu.memory_space<vmem>>
      %dma_start3A_18 = arith.constant 0 : i32
      %dma_start3A_19 = tpu.memref_slice %arg4[%get3A_13, %get3A_15, %dma_start3A_18] : memref<125000x8x20xf32, #tpu.memory_space<hbm>> -> memref<1x1x20xf32, #tpu.memory_space<hbm>>
      %dma_start3A_20 = arith.constant 0 : i32
      %dma_start3A_21 = arith.constant 0 : i32
      %dma_start3A_22 = tpu.memref_slice %arg10[%add3A_12, %dma_start3A_20, %dma_start3A_21] : memref<512x1x20xf32, #tpu.memory_space<vmem>> -> memref<1x1x20xf32, #tpu.memory_space<vmem>>
      %dma_start3A_23 = arith.constant 0 : i32
      %dma_start3A_24 = tpu.memref_slice %arg4[%get3A_13, %get3A_15, %dma_start3A_23] : memref<125000x8x20xf32, #tpu.memory_space<hbm>> -> memref<1x1x20xf32, #tpu.memory_space<hbm>>
      tpu.enqueue_dma source(%dma_start3A_24 : memref<1x1x20xf32, #tpu.memory_space<hbm>>) target(%dma_start3A_22 : memref<1x1x20xf32, #tpu.memory_space<vmem>>) target_semaphore(%arg11 : memref<!tpu.dma_semaphore, #tpu.memory_space<semaphore_mem>>)
      %mul3A_25 = arith.constant 32 : i32
      %mul3A_26 = arith.muli %scan3A_8, %mul3A_25 : i32
      %add3A_27 = arith.constant 1 : i32
      %add3A_28 = arith.addi %mul3A_26, %add3A_27 : i32
      %get3A_29 = arith.index_cast %add3A_28 : i32 to index
      %get3A_30 = memref.load %arg8[%get3A_29] : memref<512xi32, #tpu.memory_space<smem>>
      %get3A_31 = arith.index_cast %add3A_28 : i32 to index
      %get3A_32 = memref.load %arg9[%get3A_31] : memref<512xi32, #tpu.memory_space<smem>>
      %dma_start3A_33 = arith.constant 0 : i32
      %dma_start3A_34 = arith.constant 0 : i32
      %dma_start3A_35 = tpu.memref_slice %arg10[%add3A_28, %dma_start3A_33, %dma_start3A_34] : memref<512x1x20xf32, #tpu.memory_space<vmem>> -> memref<1x1x20xf32, #tpu.memory_space<vmem>>
      %dma_start3A_36 = arith.constant 0 : i32
      %dma_start3A_37 = tpu.memref_slice %arg4[%get3A_30, %get3A_32, %dma_start3A_36] : memref<125000x8x20xf32, #tpu.memory_space<hbm>> -> memref<1x1x20xf32, #tpu.memory_space<hbm>>
      %dma_start3A_38 = arith.constant 0 : i32
      %dma_start3A_39 = arith.constant 0 : i32
      %dma_start3A_40 = tpu.memref_slice %arg10[%add3A_28, %dma_start3A_38, %dma_start3A_39] : memref<512x1x20xf32, #tpu.memory_space<vmem>> -> memref<1x1x20xf32, #tpu.memory_space<vmem>>
      %dma_start3A_41 = arith.constant 0 : i32
      %dma_start3A_42 = tpu.memref_slice %arg4[%get3A_30, %get3A_32, %dma_start3A_41] : memref<125000x8x20xf32, #tpu.memory_space<hbm>> -> memref<1x1x20xf32, #tpu.memory_space<hbm>>
      tpu.enqueue_dma source(%dma_start3A_42 : memref<1x1x20xf32, #tpu.memory_space<hbm>>) target(%dma_start3A_40 : memref<1x1x20xf32, #tpu.memory_space<vmem>>) target_semaphore(%arg11 : memref<!tpu.dma_semaphore, #tpu.memory_space<semaphore_mem>>)
      %mul3A_43 = arith.constant 32 : i32
      %mul3A_44 = arith.muli %scan3A_8, %mul3A_43 : i32
      %add3A_45 = arith.constant 2 : i32
      %add3A_46 = arith.addi %mul3A_44, %add3A_45 : i32
      %get3A_47 = arith.index_cast %add3A_46 : i32 to index
      %get3A_48 = memref.load %arg8[%get3A_47] : memref<512xi32, #tpu.memory_space<smem>>
      %get3A_49 = arith.index_cast %add3A_46 : i32 to index
      %get3A_50 = memref.load %arg9[%get3A_49] : memref<512xi32, #tpu.memory_space<smem>>
      %dma_start3A_51 = arith.constant 0 : i32
      %dma_start3A_52 = arith.constant 0 : i32
      %dma_start3A_53 = tpu.memref_slice %arg10[%add3A_46, %dma_start3A_51, %dma_start3A_52] : memref<512x1x20xf32, #tpu.memory_space<vmem>> -> memref<1x1x20xf32, #tpu.memory_space<vmem>>
      %dma_start3A_54 = arith.constant 0 : i32
      %dma_start3A_55 = tpu.memref_slice %arg4[%get3A_48, %get3A_50, %dma_start3A_54] : memref<125000x8x20xf32, #tpu.memory_space<hbm>> -> memref<1x1x20xf32, #tpu.memory_space<hbm>>
      %dma_start3A_56 = arith.constant 0 : i32
      %dma_start3A_57 = arith.constant 0 : i32
      %dma_start3A_58 = tpu.memref_slice %arg10[%add3A_46, %dma_start3A_56, %dma_start3A_57] : memref<512x1x20xf32, #tpu.memory_space<vmem>> -> memref<1x1x20xf32, #tpu.memory_space<vmem>>
      %dma_start3A_59 = arith.constant 0 : i32
      %dma_start3A_60 = tpu.memref_slice %arg4[%get3A_48, %get3A_50, %dma_start3A_59] : memref<125000x8x20xf32, #tpu.memory_space<hbm>> -> memref<1x1x20xf32, #tpu.memory_space<hbm>>
      tpu.enqueue_dma source(%dma_start3A_60 : memref<1x1x20xf32, #tpu.memory_space<hbm>>) target(%dma_start3A_58 : memref<1x1x20xf32, #tpu.memory_space<vmem>>) target_semaphore(%arg11 : memref<!tpu.dma_semaphore, #tpu.memory_space<semaphore_mem>>)
      %mul3A_61 = arith.constant 32 : i32
      %mul3A_62 = arith.muli %scan3A_8, %mul3A_61 : i32
      %add3A_63 = arith.constant 3 : i32
      %add3A_64 = arith.addi %mul3A_62, %add3A_63 : i32
      %get3A_65 = arith.index_cast %add3A_64 : i32 to index
      %get3A_66 = memref.load %arg8[%get3A_65] : memref<512xi32, #tpu.memory_space<smem>>
      %get3A_67 = arith.index_cast %add3A_64 : i32 to index
      %get3A_68 = memref.load %arg9[%get3A_67] : memref<512xi32, #tpu.memory_space<smem>>
      %dma_start3A_69 = arith.constant 0 : i32
      %dma_start3A_70 = arith.constant 0 : i32
      %dma_start3A_71 = tpu.memref_slice %arg10[%add3A_64, %dma_start3A_69, %dma_start3A_70] : memref<512x1x20xf32, #tpu.memory_space<vmem>> -> memref<1x1x20xf32, #tpu.memory_space<vmem>>
      %dma_start3A_72 = arith.constant 0 : i32
      %dma_start3A_73 = tpu.memref_slice %arg4[%get3A_66, %get3A_68, %dma_start3A_72] : memref<125000x8x20xf32, #tpu.memory_space<hbm>> -> memref<1x1x20xf32, #tpu.memory_space<hbm>>
      %dma_start3A_74 = arith.constant 0 : i32
      %dma_start3A_75 = arith.constant 0 : i32
      %dma_start3A_76 = tpu.memref_slice %arg10[%add3A_64, %dma_start3A_74, %dma_start3A_75] : memref<512x1x20xf32, #tpu.memory_space<vmem>> -> memref<1x1x20xf32, #tpu.memory_space<vmem>>
      %dma_start3A_77 = arith.constant 0 : i32
      %dma_start3A_78 = tpu.memref_slice %arg4[%get3A_66, %get3A_68, %dma_start3A_77] : memref<125000x8x20xf32, #tpu.memory_space<hbm>> -> memref<1x1x20xf32, #tpu.memory_space<hbm>>
      tpu.enqueue_dma source(%dma_start3A_78 : memref<1x1x20xf32, #tpu.memory_space<hbm>>) target(%dma_start3A_76 : memref<1x1x20xf32, #tpu.memory_space<vmem>>) target_semaphore(%arg11 : memref<!tpu.dma_semaphore, #tpu.memory_space<semaphore_mem>>)
      %mul3A_79 = arith.constant 32 : i32
      %mul3A_80 = arith.muli %scan3A_8, %mul3A_79 : i32
      %add3A_81 = arith.constant 4 : i32
      %add3A_82 = arith.addi %mul3A_80, %add3A_81 : i32
      %get3A_83 = arith.index_cast %add3A_82 : i32 to index
      %get3A_84 = memref.load %arg8[%get3A_83] : memref<512xi32, #tpu.memory_space<smem>>
      %get3A_85 = arith.index_cast %add3A_82 : i32 to index
      %get3A_86 = memref.load %arg9[%get3A_85] : memref<512xi32, #tpu.memory_space<smem>>
      %dma_start3A_87 = arith.constant 0 : i32
      %dma_start3A_88 = arith.constant 0 : i32
      %dma_start3A_89 = tpu.memref_slice %arg10[%add3A_82, %dma_start3A_87, %dma_start3A_88] : memref<512x1x20xf32, #tpu.memory_space<vmem>> -> memref<1x1x20xf32, #tpu.memory_space<vmem>>
      %dma_start3A_90 = arith.constant 0 : i32
      %dma_start3A_91 = tpu.memref_slice %arg4[%get3A_84, %get3A_86, %dma_start3A_90] : memref<125000x8x20xf32, #tpu.memory_space<hbm>> -> memref<1x1x20xf32, #tpu.memory_space<hbm>>
      %dma_start3A_92 = arith.constant 0 : i32
      %dma_start3A_93 = arith.constant 0 : i32
      %dma_start3A_94 = tpu.memref_slice %arg10[%add3A_82, %dma_start3A_92, %dma_start3A_93] : memref<512x1x20xf32, #tpu.memory_space<vmem>> -> memref<1x1x20xf32, #tpu.memory_space<vmem>>
      %dma_start3A_95 = arith.constant 0 : i32
      %dma_start3A_96 = tpu.memref_slice %arg4[%get3A_84, %get3A_86, %dma_start3A_95] : memref<125000x8x20xf32, #tpu.memory_space<hbm>> -> memref<1x1x20xf32, #tpu.memory_space<hbm>>
      tpu.enqueue_dma source(%dma_start3A_96 : memref<1x1x20xf32, #tpu.memory_space<hbm>>) target(%dma_start3A_94 : memref<1x1x20xf32, #tpu.memory_space<vmem>>) target_semaphore(%arg11 : memref<!tpu.dma_semaphore, #tpu.memory_space<semaphore_mem>>)
      %mul3A_97 = arith.constant 32 : i32
      %mul3A_98 = arith.muli %scan3A_8, %mul3A_97 : i32
      %add3A_99 = arith.constant 5 : i32
      %add3A_100 = arith.addi %mul3A_98, %add3A_99 : i32
      %get3A_101 = arith.index_cast %add3A_100 : i32 to index
      %get3A_102 = memref.load %arg8[%get3A_101] : memref<512xi32, #tpu.memory_space<smem>>
      %get3A_103 = arith.index_cast %add3A_100 : i32 to index
      %get3A_104 = memref.load %arg9[%get3A_103] : memref<512xi32, #tpu.memory_space<smem>>
      %dma_start3A_105 = arith.constant 0 : i32
      %dma_start3A_106 = arith.constant 0 : i32
      %dma_start3A_107 = tpu.memref_slice %arg10[%add3A_100, %dma_start3A_105, %dma_start3A_106] : memref<512x1x20xf32, #tpu.memory_space<vmem>> -> memref<1x1x20xf32, #tpu.memory_space<vmem>>
      %dma_start3A_108 = arith.constant 0 : i32
      %dma_start3A_109 = tpu.memref_slice %arg4[%get3A_102, %get3A_104, %dma_start3A_108] : memref<125000x8x20xf32, #tpu.memory_space<hbm>> -> memref<1x1x20xf32, #tpu.memory_space<hbm>>
      %dma_start3A_110 = arith.constant 0 : i32
      %dma_start3A_111 = arith.constant 0 : i32
      %dma_start3A_112 = tpu.memref_slice %arg10[%add3A_100, %dma_start3A_110, %dma_start3A_111] : memref<512x1x20xf32, #tpu.memory_space<vmem>> -> memref<1x1x20xf32, #tpu.memory_space<vmem>>
      %dma_start3A_113 = arith.constant 0 : i32
      %dma_start3A_114 = tpu.memref_slice %arg4[%get3A_102, %get3A_104, %dma_start3A_113] : memref<125000x8x20xf32, #tpu.memory_space<hbm>> -> memref<1x1x20xf32, #tpu.memory_space<hbm>>
      tpu.enqueue_dma source(%dma_start3A_114 : memref<1x1x20xf32, #tpu.memory_space<hbm>>) target(%dma_start3A_112 : memref<1x1x20xf32, #tpu.memory_space<vmem>>) target_semaphore(%arg11 : memref<!tpu.dma_semaphore, #tpu.memory_space<semaphore_mem>>)
      %mul3A_115 = arith.constant 32 : i32
      %mul3A_116 = arith.muli %scan3A_8, %mul3A_115 : i32
      %add3A_117 = arith.constant 6 : i32
      %add3A_118 = arith.addi %mul3A_116, %add3A_117 : i32
      %get3A_119 = arith.index_cast %add3A_118 : i32 to index
      %get3A_120 = memref.load %arg8[%get3A_119] : memref<512xi32, #tpu.memory_space<smem>>
      %get3A_121 = arith.index_cast %add3A_118 : i32 to index
      %get3A_122 = memref.load %arg9[%get3A_121] : memref<512xi32, #tpu.memory_space<smem>>
      %dma_start3A_123 = arith.constant 0 : i32
      %dma_start3A_124 = arith.constant 0 : i32
      %dma_start3A_125 = tpu.memref_slice %arg10[%add3A_118, %dma_start3A_123, %dma_start3A_124] : memref<512x1x20xf32, #tpu.memory_space<vmem>> -> memref<1x1x20xf32, #tpu.memory_space<vmem>>
      %dma_start3A_126 = arith.constant 0 : i32
      %dma_start3A_127 = tpu.memref_slice %arg4[%get3A_120, %get3A_122, %dma_start3A_126] : memref<125000x8x20xf32, #tpu.memory_space<hbm>> -> memref<1x1x20xf32, #tpu.memory_space<hbm>>
      %dma_start3A_128 = arith.constant 0 : i32
      %dma_start3A_129 = arith.constant 0 : i32
      %dma_start3A_130 = tpu.memref_slice %arg10[%add3A_118, %dma_start3A_128, %dma_start3A_129] : memref<512x1x20xf32, #tpu.memory_space<vmem>> -> memref<1x1x20xf32, #tpu.memory_space<vmem>>
      %dma_start3A_131 = arith.constant 0 : i32
      %dma_start3A_132 = tpu.memref_slice %arg4[%get3A_120, %get3A_122, %dma_start3A_131] : memref<125000x8x20xf32, #tpu.memory_space<hbm>> -> memref<1x1x20xf32, #tpu.memory_space<hbm>>
      tpu.enqueue_dma source(%dma_start3A_132 : memref<1x1x20xf32, #tpu.memory_space<hbm>>) target(%dma_start3A_130 : memref<1x1x20xf32, #tpu.memory_space<vmem>>) target_semaphore(%arg11 : memref<!tpu.dma_semaphore, #tpu.memory_space<semaphore_mem>>)
      %mul3A_133 = arith.constant 32 : i32
      %mul3A_134 = arith.muli %scan3A_8, %mul3A_133 : i32
      %add3A_135 = arith.constant 7 : i32
      %add3A_136 = arith.addi %mul3A_134, %add3A_135 : i32
      %get3A_137 = arith.index_cast %add3A_136 : i32 to index
      %get3A_138 = memref.load %arg8[%get3A_137] : memref<512xi32, #tpu.memory_space<smem>>
      %get3A_139 = arith.index_cast %add3A_136 : i32 to index
      %get3A_140 = memref.load %arg9[%get3A_139] : memref<512xi32, #tpu.memory_space<smem>>
      %dma_start3A_141 = arith.constant 0 : i32
      %dma_start3A_142 = arith.constant 0 : i32
      %dma_start3A_143 = tpu.memref_slice %arg10[%add3A_136, %dma_start3A_141, %dma_start3A_142] : memref<512x1x20xf32, #tpu.memory_space<vmem>> -> memref<1x1x20xf32, #tpu.memory_space<vmem>>
      %dma_start3A_144 = arith.constant 0 : i32
      %dma_start3A_145 = tpu.memref_slice %arg4[%get3A_138, %get3A_140, %dma_start3A_144] : memref<125000x8x20xf32, #tpu.memory_space<hbm>> -> memref<1x1x20xf32, #tpu.memory_space<hbm>>
      %dma_start3A_146 = arith.constant 0 : i32
      %dma_start3A_147 = arith.constant 0 : i32
      %dma_start3A_148 = tpu.memref_slice %arg10[%add3A_136, %dma_start3A_146, %dma_start3A_147] : memref<512x1x20xf32, #tpu.memory_space<vmem>> -> memref<1x1x20xf32, #tpu.memory_space<vmem>>
      %dma_start3A_149 = arith.constant 0 : i32
      %dma_start3A_150 = tpu.memref_slice %arg4[%get3A_138, %get3A_140, %dma_start3A_149] : memref<125000x8x20xf32, #tpu.memory_space<hbm>> -> memref<1x1x20xf32, #tpu.memory_space<hbm>>
      tpu.enqueue_dma source(%dma_start3A_150 : memref<1x1x20xf32, #tpu.memory_space<hbm>>) target(%dma_start3A_148 : memref<1x1x20xf32, #tpu.memory_space<vmem>>) target_semaphore(%arg11 : memref<!tpu.dma_semaphore, #tpu.memory_space<semaphore_mem>>)
      %mul3A_151 = arith.constant 32 : i32
      %mul3A_152 = arith.muli %scan3A_8, %mul3A_151 : i32
      %add3A_153 = arith.constant 8 : i32
      %add3A_154 = arith.addi %mul3A_152, %add3A_153 : i32
      %get3A_155 = arith.index_cast %add3A_154 : i32 to index
      %get3A_156 = memref.load %arg8[%get3A_155] : memref<512xi32, #tpu.memory_space<smem>>
      %get3A_157 = arith.index_cast %add3A_154 : i32 to index
      %get3A_158 = memref.load %arg9[%get3A_157] : memref<512xi32, #tpu.memory_space<smem>>
      %dma_start3A_159 = arith.constant 0 : i32
      %dma_start3A_160 = arith.constant 0 : i32
      %dma_start3A_161 = tpu.memref_slice %arg10[%add3A_154, %dma_start3A_159, %dma_start3A_160] : memref<512x1x20xf32, #tpu.memory_space<vmem>> -> memref<1x1x20xf32, #tpu.memory_space<vmem>>
      %dma_start3A_162 = arith.constant 0 : i32
      %dma_start3A_163 = tpu.memref_slice %arg4[%get3A_156, %get3A_158, %dma_start3A_162] : memref<125000x8x20xf32, #tpu.memory_space<hbm>> -> memref<1x1x20xf32, #tpu.memory_space<hbm>>
      %dma_start3A_164 = arith.constant 0 : i32
      %dma_start3A_165 = arith.constant 0 : i32
      %dma_start3A_166 = tpu.memref_slice %arg10[%add3A_154, %dma_start3A_164, %dma_start3A_165] : memref<512x1x20xf32, #tpu.memory_space<vmem>> -> memref<1x1x20xf32, #tpu.memory_space<vmem>>
      %dma_start3A_167 = arith.constant 0 : i32
      %dma_start3A_168 = tpu.memref_slice %arg4[%get3A_156, %get3A_158, %dma_start3A_167] : memref<125000x8x20xf32, #tpu.memory_space<hbm>> -> memref<1x1x20xf32, #tpu.memory_space<hbm>>
      tpu.enqueue_dma source(%dma_start3A_168 : memref<1x1x20xf32, #tpu.memory_space<hbm>>) target(%dma_start3A_166 : memref<1x1x20xf32, #tpu.memory_space<vmem>>) target_semaphore(%arg11 : memref<!tpu.dma_semaphore, #tpu.memory_space<semaphore_mem>>)
      %mul3A_169 = arith.constant 32 : i32
      %mul3A_170 = arith.muli %scan3A_8, %mul3A_169 : i32
      %add3A_171 = arith.constant 9 : i32
      %add3A_172 = arith.addi %mul3A_170, %add3A_171 : i32
      %get3A_173 = arith.index_cast %add3A_172 : i32 to index
      %get3A_174 = memref.load %arg8[%get3A_173] : memref<512xi32, #tpu.memory_space<smem>>
      %get3A_175 = arith.index_cast %add3A_172 : i32 to index
      %get3A_176 = memref.load %arg9[%get3A_175] : memref<512xi32, #tpu.memory_space<smem>>
      %dma_start3A_177 = arith.constant 0 : i32
      %dma_start3A_178 = arith.constant 0 : i32
      %dma_start3A_179 = tpu.memref_slice %arg10[%add3A_172, %dma_start3A_177, %dma_start3A_178] : memref<512x1x20xf32, #tpu.memory_space<vmem>> -> memref<1x1x20xf32, #tpu.memory_space<vmem>>
      %dma_start3A_180 = arith.constant 0 : i32
      %dma_start3A_181 = tpu.memref_slice %arg4[%get3A_174, %get3A_176, %dma_start3A_180] : memref<125000x8x20xf32, #tpu.memory_space<hbm>> -> memref<1x1x20xf32, #tpu.memory_space<hbm>>
      %dma_start3A_182 = arith.constant 0 : i32
      %dma_start3A_183 = arith.constant 0 : i32
      %dma_start3A_184 = tpu.memref_slice %arg10[%add3A_172, %dma_start3A_182, %dma_start3A_183] : memref<512x1x20xf32, #tpu.memory_space<vmem>> -> memref<1x1x20xf32, #tpu.memory_space<vmem>>
      %dma_start3A_185 = arith.constant 0 : i32
      %dma_start3A_186 = tpu.memref_slice %arg4[%get3A_174, %get3A_176, %dma_start3A_185] : memref<125000x8x20xf32, #tpu.memory_space<hbm>> -> memref<1x1x20xf32, #tpu.memory_space<hbm>>
      tpu.enqueue_dma source(%dma_start3A_186 : memref<1x1x20xf32, #tpu.memory_space<hbm>>) target(%dma_start3A_184 : memref<1x1x20xf32, #tpu.memory_space<vmem>>) target_semaphore(%arg11 : memref<!tpu.dma_semaphore, #tpu.memory_space<semaphore_mem>>)
      %mul3A_187 = arith.constant 32 : i32
      %mul3A_188 = arith.muli %scan3A_8, %mul3A_187 : i32
      %add3A_189 = arith.constant 10 : i32
      %add3A_190 = arith.addi %mul3A_188, %add3A_189 : i32
      %get3A_191 = arith.index_cast %add3A_190 : i32 to index
      %get3A_192 = memref.load %arg8[%get3A_191] : memref<512xi32, #tpu.memory_space<smem>>
      %get3A_193 = arith.index_cast %add3A_190 : i32 to index
      %get3A_194 = memref.load %arg9[%get3A_193] : memref<512xi32, #tpu.memory_space<smem>>
      %dma_start3A_195 = arith.constant 0 : i32
      %dma_start3A_196 = arith.constant 0 : i32
      %dma_start3A_197 = tpu.memref_slice %arg10[%add3A_190, %dma_start3A_195, %dma_start3A_196] : memref<512x1x20xf32, #tpu.memory_space<vmem>> -> memref<1x1x20xf32, #tpu.memory_space<vmem>>
      %dma_start3A_198 = arith.constant 0 : i32
      %dma_start3A_199 = tpu.memref_slice %arg4[%get3A_192, %get3A_194, %dma_start3A_198] : memref<125000x8x20xf32, #tpu.memory_space<hbm>> -> memref<1x1x20xf32, #tpu.memory_space<hbm>>
      %dma_start3A_200 = arith.constant 0 : i32
      %dma_start3A_201 = arith.constant 0 : i32
      %dma_start3A_202 = tpu.memref_slice %arg10[%add3A_190, %dma_start3A_200, %dma_start3A_201] : memref<512x1x20xf32, #tpu.memory_space<vmem>> -> memref<1x1x20xf32, #tpu.memory_space<vmem>>
      %dma_start3A_203 = arith.constant 0 : i32
      %dma_start3A_204 = tpu.memref_slice %arg4[%get3A_192, %get3A_194, %dma_start3A_203] : memref<125000x8x20xf32, #tpu.memory_space<hbm>> -> memref<1x1x20xf32, #tpu.memory_space<hbm>>
      tpu.enqueue_dma source(%dma_start3A_204 : memref<1x1x20xf32, #tpu.memory_space<hbm>>) target(%dma_start3A_202 : memref<1x1x20xf32, #tpu.memory_space<vmem>>) target_semaphore(%arg11 : memref<!tpu.dma_semaphore, #tpu.memory_space<semaphore_mem>>)
      %mul3A_205 = arith.constant 32 : i32
      %mul3A_206 = arith.muli %scan3A_8, %mul3A_205 : i32
      %add3A_207 = arith.constant 11 : i32
      %add3A_208 = arith.addi %mul3A_206, %add3A_207 : i32
      %get3A_209 = arith.index_cast %add3A_208 : i32 to index
      %get3A_210 = memref.load %arg8[%get3A_209] : memref<512xi32, #tpu.memory_space<smem>>
      %get3A_211 = arith.index_cast %add3A_208 : i32 to index
      %get3A_212 = memref.load %arg9[%get3A_211] : memref<512xi32, #tpu.memory_space<smem>>
      %dma_start3A_213 = arith.constant 0 : i32
      %dma_start3A_214 = arith.constant 0 : i32
      %dma_start3A_215 = tpu.memref_slice %arg10[%add3A_208, %dma_start3A_213, %dma_start3A_214] : memref<512x1x20xf32, #tpu.memory_space<vmem>> -> memref<1x1x20xf32, #tpu.memory_space<vmem>>
      %dma_start3A_216 = arith.constant 0 : i32
      %dma_start3A_217 = tpu.memref_slice %arg4[%get3A_210, %get3A_212, %dma_start3A_216] : memref<125000x8x20xf32, #tpu.memory_space<hbm>> -> memref<1x1x20xf32, #tpu.memory_space<hbm>>
      %dma_start3A_218 = arith.constant 0 : i32
      %dma_start3A_219 = arith.constant 0 : i32
      %dma_start3A_220 = tpu.memref_slice %arg10[%add3A_208, %dma_start3A_218, %dma_start3A_219] : memref<512x1x20xf32, #tpu.memory_space<vmem>> -> memref<1x1x20xf32, #tpu.memory_space<vmem>>
      %dma_start3A_221 = arith.constant 0 : i32
      %dma_start3A_222 = tpu.memref_slice %arg4[%get3A_210, %get3A_212, %dma_start3A_221] : memref<125000x8x20xf32, #tpu.memory_space<hbm>> -> memref<1x1x20xf32, #tpu.memory_space<hbm>>
      tpu.enqueue_dma source(%dma_start3A_222 : memref<1x1x20xf32, #tpu.memory_space<hbm>>) target(%dma_start3A_220 : memref<1x1x20xf32, #tpu.memory_space<vmem>>) target_semaphore(%arg11 : memref<!tpu.dma_semaphore, #tpu.memory_space<semaphore_mem>>)
      %mul3A_223 = arith.constant 32 : i32
      %mul3A_224 = arith.muli %scan3A_8, %mul3A_223 : i32
      %add3A_225 = arith.constant 12 : i32
      %add3A_226 = arith.addi %mul3A_224, %add3A_225 : i32
      %get3A_227 = arith.index_cast %add3A_226 : i32 to index
      %get3A_228 = memref.load %arg8[%get3A_227] : memref<512xi32, #tpu.memory_space<smem>>
      %get3A_229 = arith.index_cast %add3A_226 : i32 to index
      %get3A_230 = memref.load %arg9[%get3A_229] : memref<512xi32, #tpu.memory_space<smem>>
      %dma_start3A_231 = arith.constant 0 : i32
      %dma_start3A_232 = arith.constant 0 : i32
      %dma_start3A_233 = tpu.memref_slice %arg10[%add3A_226, %dma_start3A_231, %dma_start3A_232] : memref<512x1x20xf32, #tpu.memory_space<vmem>> -> memref<1x1x20xf32, #tpu.memory_space<vmem>>
      %dma_start3A_234 = arith.constant 0 : i32
      %dma_start3A_235 = tpu.memref_slice %arg4[%get3A_228, %get3A_230, %dma_start3A_234] : memref<125000x8x20xf32, #tpu.memory_space<hbm>> -> memref<1x1x20xf32, #tpu.memory_space<hbm>>
      %dma_start3A_236 = arith.constant 0 : i32
      %dma_start3A_237 = arith.constant 0 : i32
      %dma_start3A_238 = tpu.memref_slice %arg10[%add3A_226, %dma_start3A_236, %dma_start3A_237] : memref<512x1x20xf32, #tpu.memory_space<vmem>> -> memref<1x1x20xf32, #tpu.memory_space<vmem>>
      %dma_start3A_239 = arith.constant 0 : i32
      %dma_start3A_240 = tpu.memref_slice %arg4[%get3A_228, %get3A_230, %dma_start3A_239] : memref<125000x8x20xf32, #tpu.memory_space<hbm>> -> memref<1x1x20xf32, #tpu.memory_space<hbm>>
      tpu.enqueue_dma source(%dma_start3A_240 : memref<1x1x20xf32, #tpu.memory_space<hbm>>) target(%dma_start3A_238 : memref<1x1x20xf32, #tpu.memory_space<vmem>>) target_semaphore(%arg11 : memref<!tpu.dma_semaphore, #tpu.memory_space<semaphore_mem>>)
      %mul3A_241 = arith.constant 32 : i32
      %mul3A_242 = arith.muli %scan3A_8, %mul3A_241 : i32
      %add3A_243 = arith.constant 13 : i32
      %add3A_244 = arith.addi %mul3A_242, %add3A_243 : i32
      %get3A_245 = arith.index_cast %add3A_244 : i32 to index
      %get3A_246 = memref.load %arg8[%get3A_245] : memref<512xi32, #tpu.memory_space<smem>>
      %get3A_247 = arith.index_cast %add3A_244 : i32 to index
      %get3A_248 = memref.load %arg9[%get3A_247] : memref<512xi32, #tpu.memory_space<smem>>
      %dma_start3A_249 = arith.constant 0 : i32
      %dma_start3A_250 = arith.constant 0 : i32
      %dma_start3A_251 = tpu.memref_slice %arg10[%add3A_244, %dma_start3A_249, %dma_start3A_250] : memref<512x1x20xf32, #tpu.memory_space<vmem>> -> memref<1x1x20xf32, #tpu.memory_space<vmem>>
      %dma_start3A_252 = arith.constant 0 : i32
      %dma_start3A_253 = tpu.memref_slice %arg4[%get3A_246, %get3A_248, %dma_start3A_252] : memref<125000x8x20xf32, #tpu.memory_space<hbm>> -> memref<1x1x20xf32, #tpu.memory_space<hbm>>
      %dma_start3A_254 = arith.constant 0 : i32
      %dma_start3A_255 = arith.constant 0 : i32
      %dma_start3A_256 = tpu.memref_slice %arg10[%add3A_244, %dma_start3A_254, %dma_start3A_255] : memref<512x1x20xf32, #tpu.memory_space<vmem>> -> memref<1x1x20xf32, #tpu.memory_space<vmem>>
      %dma_start3A_257 = arith.constant 0 : i32
      %dma_start3A_258 = tpu.memref_slice %arg4[%get3A_246, %get3A_248, %dma_start3A_257] : memref<125000x8x20xf32, #tpu.memory_space<hbm>> -> memref<1x1x20xf32, #tpu.memory_space<hbm>>
      tpu.enqueue_dma source(%dma_start3A_258 : memref<1x1x20xf32, #tpu.memory_space<hbm>>) target(%dma_start3A_256 : memref<1x1x20xf32, #tpu.memory_space<vmem>>) target_semaphore(%arg11 : memref<!tpu.dma_semaphore, #tpu.memory_space<semaphore_mem>>)
      %mul3A_259 = arith.constant 32 : i32
      %mul3A_260 = arith.muli %scan3A_8, %mul3A_259 : i32
      %add3A_261 = arith.constant 14 : i32
      %add3A_262 = arith.addi %mul3A_260, %add3A_261 : i32
      %get3A_263 = arith.index_cast %add3A_262 : i32 to index
      %get3A_264 = memref.load %arg8[%get3A_263] : memref<512xi32, #tpu.memory_space<smem>>
      %get3A_265 = arith.index_cast %add3A_262 : i32 to index
      %get3A_266 = memref.load %arg9[%get3A_265] : memref<512xi32, #tpu.memory_space<smem>>
      %dma_start3A_267 = arith.constant 0 : i32
      %dma_start3A_268 = arith.constant 0 : i32
      %dma_start3A_269 = tpu.memref_slice %arg10[%add3A_262, %dma_start3A_267, %dma_start3A_268] : memref<512x1x20xf32, #tpu.memory_space<vmem>> -> memref<1x1x20xf32, #tpu.memory_space<vmem>>
      %dma_start3A_270 = arith.constant 0 : i32
      %dma_start3A_271 = tpu.memref_slice %arg4[%get3A_264, %get3A_266, %dma_start3A_270] : memref<125000x8x20xf32, #tpu.memory_space<hbm>> -> memref<1x1x20xf32, #tpu.memory_space<hbm>>
      %dma_start3A_272 = arith.constant 0 : i32
      %dma_start3A_273 = arith.constant 0 : i32
      %dma_start3A_274 = tpu.memref_slice %arg10[%add3A_262, %dma_start3A_272, %dma_start3A_273] : memref<512x1x20xf32, #tpu.memory_space<vmem>> -> memref<1x1x20xf32, #tpu.memory_space<vmem>>
      %dma_start3A_275 = arith.constant 0 : i32
      %dma_start3A_276 = tpu.memref_slice %arg4[%get3A_264, %get3A_266, %dma_start3A_275] : memref<125000x8x20xf32, #tpu.memory_space<hbm>> -> memref<1x1x20xf32, #tpu.memory_space<hbm>>
      tpu.enqueue_dma source(%dma_start3A_276 : memref<1x1x20xf32, #tpu.memory_space<hbm>>) target(%dma_start3A_274 : memref<1x1x20xf32, #tpu.memory_space<vmem>>) target_semaphore(%arg11 : memref<!tpu.dma_semaphore, #tpu.memory_space<semaphore_mem>>)
      %mul3A_277 = arith.constant 32 : i32
      %mul3A_278 = arith.muli %scan3A_8, %mul3A_277 : i32
      %add3A_279 = arith.constant 15 : i32
      %add3A_280 = arith.addi %mul3A_278, %add3A_279 : i32
      %get3A_281 = arith.index_cast %add3A_280 : i32 to index
      %get3A_282 = memref.load %arg8[%get3A_281] : memref<512xi32, #tpu.memory_space<smem>>
      %get3A_283 = arith.index_cast %add3A_280 : i32 to index
      %get3A_284 = memref.load %arg9[%get3A_283] : memref<512xi32, #tpu.memory_space<smem>>
      %dma_start3A_285 = arith.constant 0 : i32
      %dma_start3A_286 = arith.constant 0 : i32
      %dma_start3A_287 = tpu.memref_slice %arg10[%add3A_280, %dma_start3A_285, %dma_start3A_286] : memref<512x1x20xf32, #tpu.memory_space<vmem>> -> memref<1x1x20xf32, #tpu.memory_space<vmem>>
      %dma_start3A_288 = arith.constant 0 : i32
      %dma_start3A_289 = tpu.memref_slice %arg4[%get3A_282, %get3A_284, %dma_start3A_288] : memref<125000x8x20xf32, #tpu.memory_space<hbm>> -> memref<1x1x20xf32, #tpu.memory_space<hbm>>
      %dma_start3A_290 = arith.constant 0 : i32
      %dma_start3A_291 = arith.constant 0 : i32
      %dma_start3A_292 = tpu.memref_slice %arg10[%add3A_280, %dma_start3A_290, %dma_start3A_291] : memref<512x1x20xf32, #tpu.memory_space<vmem>> -> memref<1x1x20xf32, #tpu.memory_space<vmem>>
      %dma_start3A_293 = arith.constant 0 : i32
      %dma_start3A_294 = tpu.memref_slice %arg4[%get3A_282, %get3A_284, %dma_start3A_293] : memref<125000x8x20xf32, #tpu.memory_space<hbm>> -> memref<1x1x20xf32, #tpu.memory_space<hbm>>
      tpu.enqueue_dma source(%dma_start3A_294 : memref<1x1x20xf32, #tpu.memory_space<hbm>>) target(%dma_start3A_292 : memref<1x1x20xf32, #tpu.memory_space<vmem>>) target_semaphore(%arg11 : memref<!tpu.dma_semaphore, #tpu.memory_space<semaphore_mem>>)
      %mul3A_295 = arith.constant 32 : i32
      %mul3A_296 = arith.muli %scan3A_8, %mul3A_295 : i32
      %add3A_297 = arith.constant 16 : i32
      %add3A_298 = arith.addi %mul3A_296, %add3A_297 : i32
      %get3A_299 = arith.index_cast %add3A_298 : i32 to index
      %get3A_300 = memref.load %arg8[%get3A_299] : memref<512xi32, #tpu.memory_space<smem>>
      %get3A_301 = arith.index_cast %add3A_298 : i32 to index
      %get3A_302 = memref.load %arg9[%get3A_301] : memref<512xi32, #tpu.memory_space<smem>>
      %dma_start3A_303 = arith.constant 0 : i32
      %dma_start3A_304 = arith.constant 0 : i32
      %dma_start3A_305 = tpu.memref_slice %arg10[%add3A_298, %dma_start3A_303, %dma_start3A_304] : memref<512x1x20xf32, #tpu.memory_space<vmem>> -> memref<1x1x20xf32, #tpu.memory_space<vmem>>
      %dma_start3A_306 = arith.constant 0 : i32
      %dma_start3A_307 = tpu.memref_slice %arg4[%get3A_300, %get3A_302, %dma_start3A_306] : memref<125000x8x20xf32, #tpu.memory_space<hbm>> -> memref<1x1x20xf32, #tpu.memory_space<hbm>>
      %dma_start3A_308 = arith.constant 0 : i32
      %dma_start3A_309 = arith.constant 0 : i32
      %dma_start3A_310 = tpu.memref_slice %arg10[%add3A_298, %dma_start3A_308, %dma_start3A_309] : memref<512x1x20xf32, #tpu.memory_space<vmem>> -> memref<1x1x20xf32, #tpu.memory_space<vmem>>
      %dma_start3A_311 = arith.constant 0 : i32
      %dma_start3A_312 = tpu.memref_slice %arg4[%get3A_300, %get3A_302, %dma_start3A_311] : memref<125000x8x20xf32, #tpu.memory_space<hbm>> -> memref<1x1x20xf32, #tpu.memory_space<hbm>>
      tpu.enqueue_dma source(%dma_start3A_312 : memref<1x1x20xf32, #tpu.memory_space<hbm>>) target(%dma_start3A_310 : memref<1x1x20xf32, #tpu.memory_space<vmem>>) target_semaphore(%arg11 : memref<!tpu.dma_semaphore, #tpu.memory_space<semaphore_mem>>)
      %mul3A_313 = arith.constant 32 : i32
      %mul3A_314 = arith.muli %scan3A_8, %mul3A_313 : i32
      %add3A_315 = arith.constant 17 : i32
      %add3A_316 = arith.addi %mul3A_314, %add3A_315 : i32
      %get3A_317 = arith.index_cast %add3A_316 : i32 to index
      %get3A_318 = memref.load %arg8[%get3A_317] : memref<512xi32, #tpu.memory_space<smem>>
      %get3A_319 = arith.index_cast %add3A_316 : i32 to index
      %get3A_320 = memref.load %arg9[%get3A_319] : memref<512xi32, #tpu.memory_space<smem>>
      %dma_start3A_321 = arith.constant 0 : i32
      %dma_start3A_322 = arith.constant 0 : i32
      %dma_start3A_323 = tpu.memref_slice %arg10[%add3A_316, %dma_start3A_321, %dma_start3A_322] : memref<512x1x20xf32, #tpu.memory_space<vmem>> -> memref<1x1x20xf32, #tpu.memory_space<vmem>>
      %dma_start3A_324 = arith.constant 0 : i32
      %dma_start3A_325 = tpu.memref_slice %arg4[%get3A_318, %get3A_320, %dma_start3A_324] : memref<125000x8x20xf32, #tpu.memory_space<hbm>> -> memref<1x1x20xf32, #tpu.memory_space<hbm>>
      %dma_start3A_326 = arith.constant 0 : i32
      %dma_start3A_327 = arith.constant 0 : i32
      %dma_start3A_328 = tpu.memref_slice %arg10[%add3A_316, %dma_start3A_326, %dma_start3A_327] : memref<512x1x20xf32, #tpu.memory_space<vmem>> -> memref<1x1x20xf32, #tpu.memory_space<vmem>>
      %dma_start3A_329 = arith.constant 0 : i32
      %dma_start3A_330 = tpu.memref_slice %arg4[%get3A_318, %get3A_320, %dma_start3A_329] : memref<125000x8x20xf32, #tpu.memory_space<hbm>> -> memref<1x1x20xf32, #tpu.memory_space<hbm>>
      tpu.enqueue_dma source(%dma_start3A_330 : memref<1x1x20xf32, #tpu.memory_space<hbm>>) target(%dma_start3A_328 : memref<1x1x20xf32, #tpu.memory_space<vmem>>) target_semaphore(%arg11 : memref<!tpu.dma_semaphore, #tpu.memory_space<semaphore_mem>>)
      %mul3A_331 = arith.constant 32 : i32
      %mul3A_332 = arith.muli %scan3A_8, %mul3A_331 : i32
      %add3A_333 = arith.constant 18 : i32
      %add3A_334 = arith.addi %mul3A_332, %add3A_333 : i32
      %get3A_335 = arith.index_cast %add3A_334 : i32 to index
      %get3A_336 = memref.load %arg8[%get3A_335] : memref<512xi32, #tpu.memory_space<smem>>
      %get3A_337 = arith.index_cast %add3A_334 : i32 to index
      %get3A_338 = memref.load %arg9[%get3A_337] : memref<512xi32, #tpu.memory_space<smem>>
      %dma_start3A_339 = arith.constant 0 : i32
      %dma_start3A_340 = arith.constant 0 : i32
      %dma_start3A_341 = tpu.memref_slice %arg10[%add3A_334, %dma_start3A_339, %dma_start3A_340] : memref<512x1x20xf32, #tpu.memory_space<vmem>> -> memref<1x1x20xf32, #tpu.memory_space<vmem>>
      %dma_start3A_342 = arith.constant 0 : i32
      %dma_start3A_343 = tpu.memref_slice %arg4[%get3A_336, %get3A_338, %dma_start3A_342] : memref<125000x8x20xf32, #tpu.memory_space<hbm>> -> memref<1x1x20xf32, #tpu.memory_space<hbm>>
      %dma_start3A_344 = arith.constant 0 : i32
      %dma_start3A_345 = arith.constant 0 : i32
      %dma_start3A_346 = tpu.memref_slice %arg10[%add3A_334, %dma_start3A_344, %dma_start3A_345] : memref<512x1x20xf32, #tpu.memory_space<vmem>> -> memref<1x1x20xf32, #tpu.memory_space<vmem>>
      %dma_start3A_347 = arith.constant 0 : i32
      %dma_start3A_348 = tpu.memref_slice %arg4[%get3A_336, %get3A_338, %dma_start3A_347] : memref<125000x8x20xf32, #tpu.memory_space<hbm>> -> memref<1x1x20xf32, #tpu.memory_space<hbm>>
      tpu.enqueue_dma source(%dma_start3A_348 : memref<1x1x20xf32, #tpu.memory_space<hbm>>) target(%dma_start3A_346 : memref<1x1x20xf32, #tpu.memory_space<vmem>>) target_semaphore(%arg11 : memref<!tpu.dma_semaphore, #tpu.memory_space<semaphore_mem>>)
      %mul3A_349 = arith.constant 32 : i32
      %mul3A_350 = arith.muli %scan3A_8, %mul3A_349 : i32
      %add3A_351 = arith.constant 19 : i32
      %add3A_352 = arith.addi %mul3A_350, %add3A_351 : i32
      %get3A_353 = arith.index_cast %add3A_352 : i32 to index
      %get3A_354 = memref.load %arg8[%get3A_353] : memref<512xi32, #tpu.memory_space<smem>>
      %get3A_355 = arith.index_cast %add3A_352 : i32 to index
      %get3A_356 = memref.load %arg9[%get3A_355] : memref<512xi32, #tpu.memory_space<smem>>
      %dma_start3A_357 = arith.constant 0 : i32
      %dma_start3A_358 = arith.constant 0 : i32
      %dma_start3A_359 = tpu.memref_slice %arg10[%add3A_352, %dma_start3A_357, %dma_start3A_358] : memref<512x1x20xf32, #tpu.memory_space<vmem>> -> memref<1x1x20xf32, #tpu.memory_space<vmem>>
      %dma_start3A_360 = arith.constant 0 : i32
      %dma_start3A_361 = tpu.memref_slice %arg4[%get3A_354, %get3A_356, %dma_start3A_360] : memref<125000x8x20xf32, #tpu.memory_space<hbm>> -> memref<1x1x20xf32, #tpu.memory_space<hbm>>
      %dma_start3A_362 = arith.constant 0 : i32
      %dma_start3A_363 = arith.constant 0 : i32
      %dma_start3A_364 = tpu.memref_slice %arg10[%add3A_352, %dma_start3A_362, %dma_start3A_363] : memref<512x1x20xf32, #tpu.memory_space<vmem>> -> memref<1x1x20xf32, #tpu.memory_space<vmem>>
      %dma_start3A_365 = arith.constant 0 : i32
      %dma_start3A_366 = tpu.memref_slice %arg4[%get3A_354, %get3A_356, %dma_start3A_365] : memref<125000x8x20xf32, #tpu.memory_space<hbm>> -> memref<1x1x20xf32, #tpu.memory_space<hbm>>
      tpu.enqueue_dma source(%dma_start3A_366 : memref<1x1x20xf32, #tpu.memory_space<hbm>>) target(%dma_start3A_364 : memref<1x1x20xf32, #tpu.memory_space<vmem>>) target_semaphore(%arg11 : memref<!tpu.dma_semaphore, #tpu.memory_space<semaphore_mem>>)
      %mul3A_367 = arith.constant 32 : i32
      %mul3A_368 = arith.muli %scan3A_8, %mul3A_367 : i32
      %add3A_369 = arith.constant 20 : i32
      %add3A_370 = arith.addi %mul3A_368, %add3A_369 : i32
      %get3A_371 = arith.index_cast %add3A_370 : i32 to index
      %get3A_372 = memref.load %arg8[%get3A_371] : memref<512xi32, #tpu.memory_space<smem>>
      %get3A_373 = arith.index_cast %add3A_370 : i32 to index
      %get3A_374 = memref.load %arg9[%get3A_373] : memref<512xi32, #tpu.memory_space<smem>>
      %dma_start3A_375 = arith.constant 0 : i32
      %dma_start3A_376 = arith.constant 0 : i32
      %dma_start3A_377 = tpu.memref_slice %arg10[%add3A_370, %dma_start3A_375, %dma_start3A_376] : memref<512x1x20xf32, #tpu.memory_space<vmem>> -> memref<1x1x20xf32, #tpu.memory_space<vmem>>
      %dma_start3A_378 = arith.constant 0 : i32
      %dma_start3A_379 = tpu.memref_slice %arg4[%get3A_372, %get3A_374, %dma_start3A_378] : memref<125000x8x20xf32, #tpu.memory_space<hbm>> -> memref<1x1x20xf32, #tpu.memory_space<hbm>>
      %dma_start3A_380 = arith.constant 0 : i32
      %dma_start3A_381 = arith.constant 0 : i32
      %dma_start3A_382 = tpu.memref_slice %arg10[%add3A_370, %dma_start3A_380, %dma_start3A_381] : memref<512x1x20xf32, #tpu.memory_space<vmem>> -> memref<1x1x20xf32, #tpu.memory_space<vmem>>
      %dma_start3A_383 = arith.constant 0 : i32
      %dma_start3A_384 = tpu.memref_slice %arg4[%get3A_372, %get3A_374, %dma_start3A_383] : memref<125000x8x20xf32, #tpu.memory_space<hbm>> -> memref<1x1x20xf32, #tpu.memory_space<hbm>>
      tpu.enqueue_dma source(%dma_start3A_384 : memref<1x1x20xf32, #tpu.memory_space<hbm>>) target(%dma_start3A_382 : memref<1x1x20xf32, #tpu.memory_space<vmem>>) target_semaphore(%arg11 : memref<!tpu.dma_semaphore, #tpu.memory_space<semaphore_mem>>)
      %mul3A_385 = arith.constant 32 : i32
      %mul3A_386 = arith.muli %scan3A_8, %mul3A_385 : i32
      %add3A_387 = arith.constant 21 : i32
      %add3A_388 = arith.addi %mul3A_386, %add3A_387 : i32
      %get3A_389 = arith.index_cast %add3A_388 : i32 to index
      %get3A_390 = memref.load %arg8[%get3A_389] : memref<512xi32, #tpu.memory_space<smem>>
      %get3A_391 = arith.index_cast %add3A_388 : i32 to index
      %get3A_392 = memref.load %arg9[%get3A_391] : memref<512xi32, #tpu.memory_space<smem>>
      %dma_start3A_393 = arith.constant 0 : i32
      %dma_start3A_394 = arith.constant 0 : i32
      %dma_start3A_395 = tpu.memref_slice %arg10[%add3A_388, %dma_start3A_393, %dma_start3A_394] : memref<512x1x20xf32, #tpu.memory_space<vmem>> -> memref<1x1x20xf32, #tpu.memory_space<vmem>>
      %dma_start3A_396 = arith.constant 0 : i32
      %dma_start3A_397 = tpu.memref_slice %arg4[%get3A_390, %get3A_392, %dma_start3A_396] : memref<125000x8x20xf32, #tpu.memory_space<hbm>> -> memref<1x1x20xf32, #tpu.memory_space<hbm>>
      %dma_start3A_398 = arith.constant 0 : i32
      %dma_start3A_399 = arith.constant 0 : i32
      %dma_start3A_400 = tpu.memref_slice %arg10[%add3A_388, %dma_start3A_398, %dma_start3A_399] : memref<512x1x20xf32, #tpu.memory_space<vmem>> -> memref<1x1x20xf32, #tpu.memory_space<vmem>>
      %dma_start3A_401 = arith.constant 0 : i32
      %dma_start3A_402 = tpu.memref_slice %arg4[%get3A_390, %get3A_392, %dma_start3A_401] : memref<125000x8x20xf32, #tpu.memory_space<hbm>> -> memref<1x1x20xf32, #tpu.memory_space<hbm>>
      tpu.enqueue_dma source(%dma_start3A_402 : memref<1x1x20xf32, #tpu.memory_space<hbm>>) target(%dma_start3A_400 : memref<1x1x20xf32, #tpu.memory_space<vmem>>) target_semaphore(%arg11 : memref<!tpu.dma_semaphore, #tpu.memory_space<semaphore_mem>>)
      %mul3A_403 = arith.constant 32 : i32
      %mul3A_404 = arith.muli %scan3A_8, %mul3A_403 : i32
      %add3A_405 = arith.constant 22 : i32
      %add3A_406 = arith.addi %mul3A_404, %add3A_405 : i32
      %get3A_407 = arith.index_cast %add3A_406 : i32 to index
      %get3A_408 = memref.load %arg8[%get3A_407] : memref<512xi32, #tpu.memory_space<smem>>
      %get3A_409 = arith.index_cast %add3A_406 : i32 to index
      %get3A_410 = memref.load %arg9[%get3A_409] : memref<512xi32, #tpu.memory_space<smem>>
      %dma_start3A_411 = arith.constant 0 : i32
      %dma_start3A_412 = arith.constant 0 : i32
      %dma_start3A_413 = tpu.memref_slice %arg10[%add3A_406, %dma_start3A_411, %dma_start3A_412] : memref<512x1x20xf32, #tpu.memory_space<vmem>> -> memref<1x1x20xf32, #tpu.memory_space<vmem>>
      %dma_start3A_414 = arith.constant 0 : i32
      %dma_start3A_415 = tpu.memref_slice %arg4[%get3A_408, %get3A_410, %dma_start3A_414] : memref<125000x8x20xf32, #tpu.memory_space<hbm>> -> memref<1x1x20xf32, #tpu.memory_space<hbm>>
      %dma_start3A_416 = arith.constant 0 : i32
      %dma_start3A_417 = arith.constant 0 : i32
      %dma_start3A_418 = tpu.memref_slice %arg10[%add3A_406, %dma_start3A_416, %dma_start3A_417] : memref<512x1x20xf32, #tpu.memory_space<vmem>> -> memref<1x1x20xf32, #tpu.memory_space<vmem>>
      %dma_start3A_419 = arith.constant 0 : i32
      %dma_start3A_420 = tpu.memref_slice %arg4[%get3A_408, %get3A_410, %dma_start3A_419] : memref<125000x8x20xf32, #tpu.memory_space<hbm>> -> memref<1x1x20xf32, #tpu.memory_space<hbm>>
      tpu.enqueue_dma source(%dma_start3A_420 : memref<1x1x20xf32, #tpu.memory_space<hbm>>) target(%dma_start3A_418 : memref<1x1x20xf32, #tpu.memory_space<vmem>>) target_semaphore(%arg11 : memref<!tpu.dma_semaphore, #tpu.memory_space<semaphore_mem>>)
      %mul3A_421 = arith.constant 32 : i32
      %mul3A_422 = arith.muli %scan3A_8, %mul3A_421 : i32
      %add3A_423 = arith.constant 23 : i32
      %add3A_424 = arith.addi %mul3A_422, %add3A_423 : i32
      %get3A_425 = arith.index_cast %add3A_424 : i32 to index
      %get3A_426 = memref.load %arg8[%get3A_425] : memref<512xi32, #tpu.memory_space<smem>>
      %get3A_427 = arith.index_cast %add3A_424 : i32 to index
      %get3A_428 = memref.load %arg9[%get3A_427] : memref<512xi32, #tpu.memory_space<smem>>
      %dma_start3A_429 = arith.constant 0 : i32
      %dma_start3A_430 = arith.constant 0 : i32
      %dma_start3A_431 = tpu.memref_slice %arg10[%add3A_424, %dma_start3A_429, %dma_start3A_430] : memref<512x1x20xf32, #tpu.memory_space<vmem>> -> memref<1x1x20xf32, #tpu.memory_space<vmem>>
      %dma_start3A_432 = arith.constant 0 : i32
      %dma_start3A_433 = tpu.memref_slice %arg4[%get3A_426, %get3A_428, %dma_start3A_432] : memref<125000x8x20xf32, #tpu.memory_space<hbm>> -> memref<1x1x20xf32, #tpu.memory_space<hbm>>
      %dma_start3A_434 = arith.constant 0 : i32
      %dma_start3A_435 = arith.constant 0 : i32
      %dma_start3A_436 = tpu.memref_slice %arg10[%add3A_424, %dma_start3A_434, %dma_start3A_435] : memref<512x1x20xf32, #tpu.memory_space<vmem>> -> memref<1x1x20xf32, #tpu.memory_space<vmem>>
      %dma_start3A_437 = arith.constant 0 : i32
      %dma_start3A_438 = tpu.memref_slice %arg4[%get3A_426, %get3A_428, %dma_start3A_437] : memref<125000x8x20xf32, #tpu.memory_space<hbm>> -> memref<1x1x20xf32, #tpu.memory_space<hbm>>
      tpu.enqueue_dma source(%dma_start3A_438 : memref<1x1x20xf32, #tpu.memory_space<hbm>>) target(%dma_start3A_436 : memref<1x1x20xf32, #tpu.memory_space<vmem>>) target_semaphore(%arg11 : memref<!tpu.dma_semaphore, #tpu.memory_space<semaphore_mem>>)
      %mul3A_439 = arith.constant 32 : i32
      %mul3A_440 = arith.muli %scan3A_8, %mul3A_439 : i32
      %add3A_441 = arith.constant 24 : i32
      %add3A_442 = arith.addi %mul3A_440, %add3A_441 : i32
      %get3A_443 = arith.index_cast %add3A_442 : i32 to index
      %get3A_444 = memref.load %arg8[%get3A_443] : memref<512xi32, #tpu.memory_space<smem>>
      %get3A_445 = arith.index_cast %add3A_442 : i32 to index
      %get3A_446 = memref.load %arg9[%get3A_445] : memref<512xi32, #tpu.memory_space<smem>>
      %dma_start3A_447 = arith.constant 0 : i32
      %dma_start3A_448 = arith.constant 0 : i32
      %dma_start3A_449 = tpu.memref_slice %arg10[%add3A_442, %dma_start3A_447, %dma_start3A_448] : memref<512x1x20xf32, #tpu.memory_space<vmem>> -> memref<1x1x20xf32, #tpu.memory_space<vmem>>
      %dma_start3A_450 = arith.constant 0 : i32
      %dma_start3A_451 = tpu.memref_slice %arg4[%get3A_444, %get3A_446, %dma_start3A_450] : memref<125000x8x20xf32, #tpu.memory_space<hbm>> -> memref<1x1x20xf32, #tpu.memory_space<hbm>>
      %dma_start3A_452 = arith.constant 0 : i32
      %dma_start3A_453 = arith.constant 0 : i32
      %dma_start3A_454 = tpu.memref_slice %arg10[%add3A_442, %dma_start3A_452, %dma_start3A_453] : memref<512x1x20xf32, #tpu.memory_space<vmem>> -> memref<1x1x20xf32, #tpu.memory_space<vmem>>
      %dma_start3A_455 = arith.constant 0 : i32
      %dma_start3A_456 = tpu.memref_slice %arg4[%get3A_444, %get3A_446, %dma_start3A_455] : memref<125000x8x20xf32, #tpu.memory_space<hbm>> -> memref<1x1x20xf32, #tpu.memory_space<hbm>>
      tpu.enqueue_dma source(%dma_start3A_456 : memref<1x1x20xf32, #tpu.memory_space<hbm>>) target(%dma_start3A_454 : memref<1x1x20xf32, #tpu.memory_space<vmem>>) target_semaphore(%arg11 : memref<!tpu.dma_semaphore, #tpu.memory_space<semaphore_mem>>)
      %mul3A_457 = arith.constant 32 : i32
      %mul3A_458 = arith.muli %scan3A_8, %mul3A_457 : i32
      %add3A_459 = arith.constant 25 : i32
      %add3A_460 = arith.addi %mul3A_458, %add3A_459 : i32
      %get3A_461 = arith.index_cast %add3A_460 : i32 to index
      %get3A_462 = memref.load %arg8[%get3A_461] : memref<512xi32, #tpu.memory_space<smem>>
      %get3A_463 = arith.index_cast %add3A_460 : i32 to index
      %get3A_464 = memref.load %arg9[%get3A_463] : memref<512xi32, #tpu.memory_space<smem>>
      %dma_start3A_465 = arith.constant 0 : i32
      %dma_start3A_466 = arith.constant 0 : i32
      %dma_start3A_467 = tpu.memref_slice %arg10[%add3A_460, %dma_start3A_465, %dma_start3A_466] : memref<512x1x20xf32, #tpu.memory_space<vmem>> -> memref<1x1x20xf32, #tpu.memory_space<vmem>>
      %dma_start3A_468 = arith.constant 0 : i32
      %dma_start3A_469 = tpu.memref_slice %arg4[%get3A_462, %get3A_464, %dma_start3A_468] : memref<125000x8x20xf32, #tpu.memory_space<hbm>> -> memref<1x1x20xf32, #tpu.memory_space<hbm>>
      %dma_start3A_470 = arith.constant 0 : i32
      %dma_start3A_471 = arith.constant 0 : i32
      %dma_start3A_472 = tpu.memref_slice %arg10[%add3A_460, %dma_start3A_470, %dma_start3A_471] : memref<512x1x20xf32, #tpu.memory_space<vmem>> -> memref<1x1x20xf32, #tpu.memory_space<vmem>>
      %dma_start3A_473 = arith.constant 0 : i32
      %dma_start3A_474 = tpu.memref_slice %arg4[%get3A_462, %get3A_464, %dma_start3A_473] : memref<125000x8x20xf32, #tpu.memory_space<hbm>> -> memref<1x1x20xf32, #tpu.memory_space<hbm>>
      tpu.enqueue_dma source(%dma_start3A_474 : memref<1x1x20xf32, #tpu.memory_space<hbm>>) target(%dma_start3A_472 : memref<1x1x20xf32, #tpu.memory_space<vmem>>) target_semaphore(%arg11 : memref<!tpu.dma_semaphore, #tpu.memory_space<semaphore_mem>>)
      %mul3A_475 = arith.constant 32 : i32
      %mul3A_476 = arith.muli %scan3A_8, %mul3A_475 : i32
      %add3A_477 = arith.constant 26 : i32
      %add3A_478 = arith.addi %mul3A_476, %add3A_477 : i32
      %get3A_479 = arith.index_cast %add3A_478 : i32 to index
      %get3A_480 = memref.load %arg8[%get3A_479] : memref<512xi32, #tpu.memory_space<smem>>
      %get3A_481 = arith.index_cast %add3A_478 : i32 to index
      %get3A_482 = memref.load %arg9[%get3A_481] : memref<512xi32, #tpu.memory_space<smem>>
      %dma_start3A_483 = arith.constant 0 : i32
      %dma_start3A_484 = arith.constant 0 : i32
      %dma_start3A_485 = tpu.memref_slice %arg10[%add3A_478, %dma_start3A_483, %dma_start3A_484] : memref<512x1x20xf32, #tpu.memory_space<vmem>> -> memref<1x1x20xf32, #tpu.memory_space<vmem>>
      %dma_start3A_486 = arith.constant 0 : i32
      %dma_start3A_487 = tpu.memref_slice %arg4[%get3A_480, %get3A_482, %dma_start3A_486] : memref<125000x8x20xf32, #tpu.memory_space<hbm>> -> memref<1x1x20xf32, #tpu.memory_space<hbm>>
      %dma_start3A_488 = arith.constant 0 : i32
      %dma_start3A_489 = arith.constant 0 : i32
      %dma_start3A_490 = tpu.memref_slice %arg10[%add3A_478, %dma_start3A_488, %dma_start3A_489] : memref<512x1x20xf32, #tpu.memory_space<vmem>> -> memref<1x1x20xf32, #tpu.memory_space<vmem>>
      %dma_start3A_491 = arith.constant 0 : i32
      %dma_start3A_492 = tpu.memref_slice %arg4[%get3A_480, %get3A_482, %dma_start3A_491] : memref<125000x8x20xf32, #tpu.memory_space<hbm>> -> memref<1x1x20xf32, #tpu.memory_space<hbm>>
      tpu.enqueue_dma source(%dma_start3A_492 : memref<1x1x20xf32, #tpu.memory_space<hbm>>) target(%dma_start3A_490 : memref<1x1x20xf32, #tpu.memory_space<vmem>>) target_semaphore(%arg11 : memref<!tpu.dma_semaphore, #tpu.memory_space<semaphore_mem>>)
      %mul3A_493 = arith.constant 32 : i32
      %mul3A_494 = arith.muli %scan3A_8, %mul3A_493 : i32
      %add3A_495 = arith.constant 27 : i32
      %add3A_496 = arith.addi %mul3A_494, %add3A_495 : i32
      %get3A_497 = arith.index_cast %add3A_496 : i32 to index
      %get3A_498 = memref.load %arg8[%get3A_497] : memref<512xi32, #tpu.memory_space<smem>>
      %get3A_499 = arith.index_cast %add3A_496 : i32 to index
      %get3A_500 = memref.load %arg9[%get3A_499] : memref<512xi32, #tpu.memory_space<smem>>
      %dma_start3A_501 = arith.constant 0 : i32
      %dma_start3A_502 = arith.constant 0 : i32
      %dma_start3A_503 = tpu.memref_slice %arg10[%add3A_496, %dma_start3A_501, %dma_start3A_502] : memref<512x1x20xf32, #tpu.memory_space<vmem>> -> memref<1x1x20xf32, #tpu.memory_space<vmem>>
      %dma_start3A_504 = arith.constant 0 : i32
      %dma_start3A_505 = tpu.memref_slice %arg4[%get3A_498, %get3A_500, %dma_start3A_504] : memref<125000x8x20xf32, #tpu.memory_space<hbm>> -> memref<1x1x20xf32, #tpu.memory_space<hbm>>
      %dma_start3A_506 = arith.constant 0 : i32
      %dma_start3A_507 = arith.constant 0 : i32
      %dma_start3A_508 = tpu.memref_slice %arg10[%add3A_496, %dma_start3A_506, %dma_start3A_507] : memref<512x1x20xf32, #tpu.memory_space<vmem>> -> memref<1x1x20xf32, #tpu.memory_space<vmem>>
      %dma_start3A_509 = arith.constant 0 : i32
      %dma_start3A_510 = tpu.memref_slice %arg4[%get3A_498, %get3A_500, %dma_start3A_509] : memref<125000x8x20xf32, #tpu.memory_space<hbm>> -> memref<1x1x20xf32, #tpu.memory_space<hbm>>
      tpu.enqueue_dma source(%dma_start3A_510 : memref<1x1x20xf32, #tpu.memory_space<hbm>>) target(%dma_start3A_508 : memref<1x1x20xf32, #tpu.memory_space<vmem>>) target_semaphore(%arg11 : memref<!tpu.dma_semaphore, #tpu.memory_space<semaphore_mem>>)
      %mul3A_511 = arith.constant 32 : i32
      %mul3A_512 = arith.muli %scan3A_8, %mul3A_511 : i32
      %add3A_513 = arith.constant 28 : i32
      %add3A_514 = arith.addi %mul3A_512, %add3A_513 : i32
      %get3A_515 = arith.index_cast %add3A_514 : i32 to index
      %get3A_516 = memref.load %arg8[%get3A_515] : memref<512xi32, #tpu.memory_space<smem>>
      %get3A_517 = arith.index_cast %add3A_514 : i32 to index
      %get3A_518 = memref.load %arg9[%get3A_517] : memref<512xi32, #tpu.memory_space<smem>>
      %dma_start3A_519 = arith.constant 0 : i32
      %dma_start3A_520 = arith.constant 0 : i32
      %dma_start3A_521 = tpu.memref_slice %arg10[%add3A_514, %dma_start3A_519, %dma_start3A_520] : memref<512x1x20xf32, #tpu.memory_space<vmem>> -> memref<1x1x20xf32, #tpu.memory_space<vmem>>
      %dma_start3A_522 = arith.constant 0 : i32
      %dma_start3A_523 = tpu.memref_slice %arg4[%get3A_516, %get3A_518, %dma_start3A_522] : memref<125000x8x20xf32, #tpu.memory_space<hbm>> -> memref<1x1x20xf32, #tpu.memory_space<hbm>>
      %dma_start3A_524 = arith.constant 0 : i32
      %dma_start3A_525 = arith.constant 0 : i32
      %dma_start3A_526 = tpu.memref_slice %arg10[%add3A_514, %dma_start3A_524, %dma_start3A_525] : memref<512x1x20xf32, #tpu.memory_space<vmem>> -> memref<1x1x20xf32, #tpu.memory_space<vmem>>
      %dma_start3A_527 = arith.constant 0 : i32
      %dma_start3A_528 = tpu.memref_slice %arg4[%get3A_516, %get3A_518, %dma_start3A_527] : memref<125000x8x20xf32, #tpu.memory_space<hbm>> -> memref<1x1x20xf32, #tpu.memory_space<hbm>>
      tpu.enqueue_dma source(%dma_start3A_528 : memref<1x1x20xf32, #tpu.memory_space<hbm>>) target(%dma_start3A_526 : memref<1x1x20xf32, #tpu.memory_space<vmem>>) target_semaphore(%arg11 : memref<!tpu.dma_semaphore, #tpu.memory_space<semaphore_mem>>)
      %mul3A_529 = arith.constant 32 : i32
      %mul3A_530 = arith.muli %scan3A_8, %mul3A_529 : i32
      %add3A_531 = arith.constant 29 : i32
      %add3A_532 = arith.addi %mul3A_530, %add3A_531 : i32
      %get3A_533 = arith.index_cast %add3A_532 : i32 to index
      %get3A_534 = memref.load %arg8[%get3A_533] : memref<512xi32, #tpu.memory_space<smem>>
      %get3A_535 = arith.index_cast %add3A_532 : i32 to index
      %get3A_536 = memref.load %arg9[%get3A_535] : memref<512xi32, #tpu.memory_space<smem>>
      %dma_start3A_537 = arith.constant 0 : i32
      %dma_start3A_538 = arith.constant 0 : i32
      %dma_start3A_539 = tpu.memref_slice %arg10[%add3A_532, %dma_start3A_537, %dma_start3A_538] : memref<512x1x20xf32, #tpu.memory_space<vmem>> -> memref<1x1x20xf32, #tpu.memory_space<vmem>>
      %dma_start3A_540 = arith.constant 0 : i32
      %dma_start3A_541 = tpu.memref_slice %arg4[%get3A_534, %get3A_536, %dma_start3A_540] : memref<125000x8x20xf32, #tpu.memory_space<hbm>> -> memref<1x1x20xf32, #tpu.memory_space<hbm>>
      %dma_start3A_542 = arith.constant 0 : i32
      %dma_start3A_543 = arith.constant 0 : i32
      %dma_start3A_544 = tpu.memref_slice %arg10[%add3A_532, %dma_start3A_542, %dma_start3A_543] : memref<512x1x20xf32, #tpu.memory_space<vmem>> -> memref<1x1x20xf32, #tpu.memory_space<vmem>>
      %dma_start3A_545 = arith.constant 0 : i32
      %dma_start3A_546 = tpu.memref_slice %arg4[%get3A_534, %get3A_536, %dma_start3A_545] : memref<125000x8x20xf32, #tpu.memory_space<hbm>> -> memref<1x1x20xf32, #tpu.memory_space<hbm>>
      tpu.enqueue_dma source(%dma_start3A_546 : memref<1x1x20xf32, #tpu.memory_space<hbm>>) target(%dma_start3A_544 : memref<1x1x20xf32, #tpu.memory_space<vmem>>) target_semaphore(%arg11 : memref<!tpu.dma_semaphore, #tpu.memory_space<semaphore_mem>>)
      %mul3A_547 = arith.constant 32 : i32
      %mul3A_548 = arith.muli %scan3A_8, %mul3A_547 : i32
      %add3A_549 = arith.constant 30 : i32
      %add3A_550 = arith.addi %mul3A_548, %add3A_549 : i32
      %get3A_551 = arith.index_cast %add3A_550 : i32 to index
      %get3A_552 = memref.load %arg8[%get3A_551] : memref<512xi32, #tpu.memory_space<smem>>
      %get3A_553 = arith.index_cast %add3A_550 : i32 to index
      %get3A_554 = memref.load %arg9[%get3A_553] : memref<512xi32, #tpu.memory_space<smem>>
      %dma_start3A_555 = arith.constant 0 : i32
      %dma_start3A_556 = arith.constant 0 : i32
      %dma_start3A_557 = tpu.memref_slice %arg10[%add3A_550, %dma_start3A_555, %dma_start3A_556] : memref<512x1x20xf32, #tpu.memory_space<vmem>> -> memref<1x1x20xf32, #tpu.memory_space<vmem>>
      %dma_start3A_558 = arith.constant 0 : i32
      %dma_start3A_559 = tpu.memref_slice %arg4[%get3A_552, %get3A_554, %dma_start3A_558] : memref<125000x8x20xf32, #tpu.memory_space<hbm>> -> memref<1x1x20xf32, #tpu.memory_space<hbm>>
      %dma_start3A_560 = arith.constant 0 : i32
      %dma_start3A_561 = arith.constant 0 : i32
      %dma_start3A_562 = tpu.memref_slice %arg10[%add3A_550, %dma_start3A_560, %dma_start3A_561] : memref<512x1x20xf32, #tpu.memory_space<vmem>> -> memref<1x1x20xf32, #tpu.memory_space<vmem>>
      %dma_start3A_563 = arith.constant 0 : i32
      %dma_start3A_564 = tpu.memref_slice %arg4[%get3A_552, %get3A_554, %dma_start3A_563] : memref<125000x8x20xf32, #tpu.memory_space<hbm>> -> memref<1x1x20xf32, #tpu.memory_space<hbm>>
      tpu.enqueue_dma source(%dma_start3A_564 : memref<1x1x20xf32, #tpu.memory_space<hbm>>) target(%dma_start3A_562 : memref<1x1x20xf32, #tpu.memory_space<vmem>>) target_semaphore(%arg11 : memref<!tpu.dma_semaphore, #tpu.memory_space<semaphore_mem>>)
      %mul3A_565 = arith.constant 32 : i32
      %mul3A_566 = arith.muli %scan3A_8, %mul3A_565 : i32
      %add3A_567 = arith.constant 31 : i32
      %add3A_568 = arith.addi %mul3A_566, %add3A_567 : i32
      %get3A_569 = arith.index_cast %add3A_568 : i32 to index
      %get3A_570 = memref.load %arg8[%get3A_569] : memref<512xi32, #tpu.memory_space<smem>>
      %get3A_571 = arith.index_cast %add3A_568 : i32 to index
      %get3A_572 = memref.load %arg9[%get3A_571] : memref<512xi32, #tpu.memory_space<smem>>
      %dma_start3A_573 = arith.constant 0 : i32
      %dma_start3A_574 = arith.constant 0 : i32
      %dma_start3A_575 = tpu.memref_slice %arg10[%add3A_568, %dma_start3A_573, %dma_start3A_574] : memref<512x1x20xf32, #tpu.memory_space<vmem>> -> memref<1x1x20xf32, #tpu.memory_space<vmem>>
      %dma_start3A_576 = arith.constant 0 : i32
      %dma_start3A_577 = tpu.memref_slice %arg4[%get3A_570, %get3A_572, %dma_start3A_576] : memref<125000x8x20xf32, #tpu.memory_space<hbm>> -> memref<1x1x20xf32, #tpu.memory_space<hbm>>
      %dma_start3A_578 = arith.constant 0 : i32
      %dma_start3A_579 = arith.constant 0 : i32
      %dma_start3A_580 = tpu.memref_slice %arg10[%add3A_568, %dma_start3A_578, %dma_start3A_579] : memref<512x1x20xf32, #tpu.memory_space<vmem>> -> memref<1x1x20xf32, #tpu.memory_space<vmem>>
      %dma_start3A_581 = arith.constant 0 : i32
      %dma_start3A_582 = tpu.memref_slice %arg4[%get3A_570, %get3A_572, %dma_start3A_581] : memref<125000x8x20xf32, #tpu.memory_space<hbm>> -> memref<1x1x20xf32, #tpu.memory_space<hbm>>
      tpu.enqueue_dma source(%dma_start3A_582 : memref<1x1x20xf32, #tpu.memory_space<hbm>>) target(%dma_start3A_580 : memref<1x1x20xf32, #tpu.memory_space<vmem>>) target_semaphore(%arg11 : memref<!tpu.dma_semaphore, #tpu.memory_space<semaphore_mem>>)
      %dma_wait3A = arith.constant 0 : i32
      %dma_wait3A_583 = arith.constant 0 : i32
      %dma_wait3A_584 = tpu.memref_slice %arg10[%add3A_12, %dma_wait3A, %dma_wait3A_583] : memref<512x1x20xf32, #tpu.memory_space<vmem>> -> memref<1x1x20xf32, #tpu.memory_space<vmem>>
      %dma_wait3A_585 = arith.constant 0 : i32
      %dma_wait3A_586 = tpu.memref_slice %arg4[%get3A_13, %get3A_15, %dma_wait3A_585] : memref<125000x8x20xf32, #tpu.memory_space<hbm>> -> memref<1x1x20xf32, #tpu.memory_space<hbm>>
      %dma_wait3A_587 = arith.constant 0 : i32
      %dma_wait3A_588 = arith.constant 0 : i32
      %dma_wait3A_589 = tpu.memref_slice %arg10[%add3A_12, %dma_wait3A_587, %dma_wait3A_588] : memref<512x1x20xf32, #tpu.memory_space<vmem>> -> memref<1x1x20xf32, #tpu.memory_space<vmem>>
      %dma_wait3A_590 = arith.constant 0 : i32
      %dma_wait3A_591 = tpu.memref_slice %arg4[%get3A_13, %get3A_15, %dma_wait3A_590] : memref<125000x8x20xf32, #tpu.memory_space<hbm>> -> memref<1x1x20xf32, #tpu.memory_space<hbm>>
      tpu.wait_dma2 semaphore(%arg11 : memref<!tpu.dma_semaphore, #tpu.memory_space<semaphore_mem>>) src(%dma_wait3A_591 : memref<1x1x20xf32, #tpu.memory_space<hbm>>) dst(%dma_wait3A_589 : memref<1x1x20xf32, #tpu.memory_space<vmem>>)
      %dma_wait3A_592 = arith.constant 0 : i32
      %dma_wait3A_593 = arith.constant 0 : i32
      %dma_wait3A_594 = tpu.memref_slice %arg10[%add3A_28, %dma_wait3A_592, %dma_wait3A_593] : memref<512x1x20xf32, #tpu.memory_space<vmem>> -> memref<1x1x20xf32, #tpu.memory_space<vmem>>
      %dma_wait3A_595 = arith.constant 0 : i32
      %dma_wait3A_596 = tpu.memref_slice %arg4[%get3A_30, %get3A_32, %dma_wait3A_595] : memref<125000x8x20xf32, #tpu.memory_space<hbm>> -> memref<1x1x20xf32, #tpu.memory_space<hbm>>
      %dma_wait3A_597 = arith.constant 0 : i32
      %dma_wait3A_598 = arith.constant 0 : i32
      %dma_wait3A_599 = tpu.memref_slice %arg10[%add3A_28, %dma_wait3A_597, %dma_wait3A_598] : memref<512x1x20xf32, #tpu.memory_space<vmem>> -> memref<1x1x20xf32, #tpu.memory_space<vmem>>
      %dma_wait3A_600 = arith.constant 0 : i32
      %dma_wait3A_601 = tpu.memref_slice %arg4[%get3A_30, %get3A_32, %dma_wait3A_600] : memref<125000x8x20xf32, #tpu.memory_space<hbm>> -> memref<1x1x20xf32, #tpu.memory_space<hbm>>
      tpu.wait_dma2 semaphore(%arg11 : memref<!tpu.dma_semaphore, #tpu.memory_space<semaphore_mem>>) src(%dma_wait3A_601 : memref<1x1x20xf32, #tpu.memory_space<hbm>>) dst(%dma_wait3A_599 : memref<1x1x20xf32, #tpu.memory_space<vmem>>)
      %dma_wait3A_602 = arith.constant 0 : i32
      %dma_wait3A_603 = arith.constant 0 : i32
      %dma_wait3A_604 = tpu.memref_slice %arg10[%add3A_46, %dma_wait3A_602, %dma_wait3A_603] : memref<512x1x20xf32, #tpu.memory_space<vmem>> -> memref<1x1x20xf32, #tpu.memory_space<vmem>>
      %dma_wait3A_605 = arith.constant 0 : i32
      %dma_wait3A_606 = tpu.memref_slice %arg4[%get3A_48, %get3A_50, %dma_wait3A_605] : memref<125000x8x20xf32, #tpu.memory_space<hbm>> -> memref<1x1x20xf32, #tpu.memory_space<hbm>>
      %dma_wait3A_607 = arith.constant 0 : i32
      %dma_wait3A_608 = arith.constant 0 : i32
      %dma_wait3A_609 = tpu.memref_slice %arg10[%add3A_46, %dma_wait3A_607, %dma_wait3A_608] : memref<512x1x20xf32, #tpu.memory_space<vmem>> -> memref<1x1x20xf32, #tpu.memory_space<vmem>>
      %dma_wait3A_610 = arith.constant 0 : i32
      %dma_wait3A_611 = tpu.memref_slice %arg4[%get3A_48, %get3A_50, %dma_wait3A_610] : memref<125000x8x20xf32, #tpu.memory_space<hbm>> -> memref<1x1x20xf32, #tpu.memory_space<hbm>>
      tpu.wait_dma2 semaphore(%arg11 : memref<!tpu.dma_semaphore, #tpu.memory_space<semaphore_mem>>) src(%dma_wait3A_611 : memref<1x1x20xf32, #tpu.memory_space<hbm>>) dst(%dma_wait3A_609 : memref<1x1x20xf32, #tpu.memory_space<vmem>>)
      %dma_wait3A_612 = arith.constant 0 : i32
      %dma_wait3A_613 = arith.constant 0 : i32
      %dma_wait3A_614 = tpu.memref_slice %arg10[%add3A_64, %dma_wait3A_612, %dma_wait3A_613] : memref<512x1x20xf32, #tpu.memory_space<vmem>> -> memref<1x1x20xf32, #tpu.memory_space<vmem>>
      %dma_wait3A_615 = arith.constant 0 : i32
      %dma_wait3A_616 = tpu.memref_slice %arg4[%get3A_66, %get3A_68, %dma_wait3A_615] : memref<125000x8x20xf32, #tpu.memory_space<hbm>> -> memref<1x1x20xf32, #tpu.memory_space<hbm>>
      %dma_wait3A_617 = arith.constant 0 : i32
      %dma_wait3A_618 = arith.constant 0 : i32
      %dma_wait3A_619 = tpu.memref_slice %arg10[%add3A_64, %dma_wait3A_617, %dma_wait3A_618] : memref<512x1x20xf32, #tpu.memory_space<vmem>> -> memref<1x1x20xf32, #tpu.memory_space<vmem>>
      %dma_wait3A_620 = arith.constant 0 : i32
      %dma_wait3A_621 = tpu.memref_slice %arg4[%get3A_66, %get3A_68, %dma_wait3A_620] : memref<125000x8x20xf32, #tpu.memory_space<hbm>> -> memref<1x1x20xf32, #tpu.memory_space<hbm>>
      tpu.wait_dma2 semaphore(%arg11 : memref<!tpu.dma_semaphore, #tpu.memory_space<semaphore_mem>>) src(%dma_wait3A_621 : memref<1x1x20xf32, #tpu.memory_space<hbm>>) dst(%dma_wait3A_619 : memref<1x1x20xf32, #tpu.memory_space<vmem>>)
      %dma_wait3A_622 = arith.constant 0 : i32
      %dma_wait3A_623 = arith.constant 0 : i32
      %dma_wait3A_624 = tpu.memref_slice %arg10[%add3A_82, %dma_wait3A_622, %dma_wait3A_623] : memref<512x1x20xf32, #tpu.memory_space<vmem>> -> memref<1x1x20xf32, #tpu.memory_space<vmem>>
      %dma_wait3A_625 = arith.constant 0 : i32
      %dma_wait3A_626 = tpu.memref_slice %arg4[%get3A_84, %get3A_86, %dma_wait3A_625] : memref<125000x8x20xf32, #tpu.memory_space<hbm>> -> memref<1x1x20xf32, #tpu.memory_space<hbm>>
      %dma_wait3A_627 = arith.constant 0 : i32
      %dma_wait3A_628 = arith.constant 0 : i32
      %dma_wait3A_629 = tpu.memref_slice %arg10[%add3A_82, %dma_wait3A_627, %dma_wait3A_628] : memref<512x1x20xf32, #tpu.memory_space<vmem>> -> memref<1x1x20xf32, #tpu.memory_space<vmem>>
      %dma_wait3A_630 = arith.constant 0 : i32
      %dma_wait3A_631 = tpu.memref_slice %arg4[%get3A_84, %get3A_86, %dma_wait3A_630] : memref<125000x8x20xf32, #tpu.memory_space<hbm>> -> memref<1x1x20xf32, #tpu.memory_space<hbm>>
      tpu.wait_dma2 semaphore(%arg11 : memref<!tpu.dma_semaphore, #tpu.memory_space<semaphore_mem>>) src(%dma_wait3A_631 : memref<1x1x20xf32, #tpu.memory_space<hbm>>) dst(%dma_wait3A_629 : memref<1x1x20xf32, #tpu.memory_space<vmem>>)
      %dma_wait3A_632 = arith.constant 0 : i32
      %dma_wait3A_633 = arith.constant 0 : i32
      %dma_wait3A_634 = tpu.memref_slice %arg10[%add3A_100, %dma_wait3A_632, %dma_wait3A_633] : memref<512x1x20xf32, #tpu.memory_space<vmem>> -> memref<1x1x20xf32, #tpu.memory_space<vmem>>
      %dma_wait3A_635 = arith.constant 0 : i32
      %dma_wait3A_636 = tpu.memref_slice %arg4[%get3A_102, %get3A_104, %dma_wait3A_635] : memref<125000x8x20xf32, #tpu.memory_space<hbm>> -> memref<1x1x20xf32, #tpu.memory_space<hbm>>
      %dma_wait3A_637 = arith.constant 0 : i32
      %dma_wait3A_638 = arith.constant 0 : i32
      %dma_wait3A_639 = tpu.memref_slice %arg10[%add3A_100, %dma_wait3A_637, %dma_wait3A_638] : memref<512x1x20xf32, #tpu.memory_space<vmem>> -> memref<1x1x20xf32, #tpu.memory_space<vmem>>
      %dma_wait3A_640 = arith.constant 0 : i32
      %dma_wait3A_641 = tpu.memref_slice %arg4[%get3A_102, %get3A_104, %dma_wait3A_640] : memref<125000x8x20xf32, #tpu.memory_space<hbm>> -> memref<1x1x20xf32, #tpu.memory_space<hbm>>
      tpu.wait_dma2 semaphore(%arg11 : memref<!tpu.dma_semaphore, #tpu.memory_space<semaphore_mem>>) src(%dma_wait3A_641 : memref<1x1x20xf32, #tpu.memory_space<hbm>>) dst(%dma_wait3A_639 : memref<1x1x20xf32, #tpu.memory_space<vmem>>)
      %dma_wait3A_642 = arith.constant 0 : i32
      %dma_wait3A_643 = arith.constant 0 : i32
      %dma_wait3A_644 = tpu.memref_slice %arg10[%add3A_118, %dma_wait3A_642, %dma_wait3A_643] : memref<512x1x20xf32, #tpu.memory_space<vmem>> -> memref<1x1x20xf32, #tpu.memory_space<vmem>>
      %dma_wait3A_645 = arith.constant 0 : i32
      %dma_wait3A_646 = tpu.memref_slice %arg4[%get3A_120, %get3A_122, %dma_wait3A_645] : memref<125000x8x20xf32, #tpu.memory_space<hbm>> -> memref<1x1x20xf32, #tpu.memory_space<hbm>>
      %dma_wait3A_647 = arith.constant 0 : i32
      %dma_wait3A_648 = arith.constant 0 : i32
      %dma_wait3A_649 = tpu.memref_slice %arg10[%add3A_118, %dma_wait3A_647, %dma_wait3A_648] : memref<512x1x20xf32, #tpu.memory_space<vmem>> -> memref<1x1x20xf32, #tpu.memory_space<vmem>>
      %dma_wait3A_650 = arith.constant 0 : i32
      %dma_wait3A_651 = tpu.memref_slice %arg4[%get3A_120, %get3A_122, %dma_wait3A_650] : memref<125000x8x20xf32, #tpu.memory_space<hbm>> -> memref<1x1x20xf32, #tpu.memory_space<hbm>>
      tpu.wait_dma2 semaphore(%arg11 : memref<!tpu.dma_semaphore, #tpu.memory_space<semaphore_mem>>) src(%dma_wait3A_651 : memref<1x1x20xf32, #tpu.memory_space<hbm>>) dst(%dma_wait3A_649 : memref<1x1x20xf32, #tpu.memory_space<vmem>>)
      %dma_wait3A_652 = arith.constant 0 : i32
      %dma_wait3A_653 = arith.constant 0 : i32
      %dma_wait3A_654 = tpu.memref_slice %arg10[%add3A_136, %dma_wait3A_652, %dma_wait3A_653] : memref<512x1x20xf32, #tpu.memory_space<vmem>> -> memref<1x1x20xf32, #tpu.memory_space<vmem>>
      %dma_wait3A_655 = arith.constant 0 : i32
      %dma_wait3A_656 = tpu.memref_slice %arg4[%get3A_138, %get3A_140, %dma_wait3A_655] : memref<125000x8x20xf32, #tpu.memory_space<hbm>> -> memref<1x1x20xf32, #tpu.memory_space<hbm>>
      %dma_wait3A_657 = arith.constant 0 : i32
      %dma_wait3A_658 = arith.constant 0 : i32
      %dma_wait3A_659 = tpu.memref_slice %arg10[%add3A_136, %dma_wait3A_657, %dma_wait3A_658] : memref<512x1x20xf32, #tpu.memory_space<vmem>> -> memref<1x1x20xf32, #tpu.memory_space<vmem>>
      %dma_wait3A_660 = arith.constant 0 : i32
      %dma_wait3A_661 = tpu.memref_slice %arg4[%get3A_138, %get3A_140, %dma_wait3A_660] : memref<125000x8x20xf32, #tpu.memory_space<hbm>> -> memref<1x1x20xf32, #tpu.memory_space<hbm>>
      tpu.wait_dma2 semaphore(%arg11 : memref<!tpu.dma_semaphore, #tpu.memory_space<semaphore_mem>>) src(%dma_wait3A_661 : memref<1x1x20xf32, #tpu.memory_space<hbm>>) dst(%dma_wait3A_659 : memref<1x1x20xf32, #tpu.memory_space<vmem>>)
      %dma_wait3A_662 = arith.constant 0 : i32
      %dma_wait3A_663 = arith.constant 0 : i32
      %dma_wait3A_664 = tpu.memref_slice %arg10[%add3A_154, %dma_wait3A_662, %dma_wait3A_663] : memref<512x1x20xf32, #tpu.memory_space<vmem>> -> memref<1x1x20xf32, #tpu.memory_space<vmem>>
      %dma_wait3A_665 = arith.constant 0 : i32
      %dma_wait3A_666 = tpu.memref_slice %arg4[%get3A_156, %get3A_158, %dma_wait3A_665] : memref<125000x8x20xf32, #tpu.memory_space<hbm>> -> memref<1x1x20xf32, #tpu.memory_space<hbm>>
      %dma_wait3A_667 = arith.constant 0 : i32
      %dma_wait3A_668 = arith.constant 0 : i32
      %dma_wait3A_669 = tpu.memref_slice %arg10[%add3A_154, %dma_wait3A_667, %dma_wait3A_668] : memref<512x1x20xf32, #tpu.memory_space<vmem>> -> memref<1x1x20xf32, #tpu.memory_space<vmem>>
      %dma_wait3A_670 = arith.constant 0 : i32
      %dma_wait3A_671 = tpu.memref_slice %arg4[%get3A_156, %get3A_158, %dma_wait3A_670] : memref<125000x8x20xf32, #tpu.memory_space<hbm>> -> memref<1x1x20xf32, #tpu.memory_space<hbm>>
      tpu.wait_dma2 semaphore(%arg11 : memref<!tpu.dma_semaphore, #tpu.memory_space<semaphore_mem>>) src(%dma_wait3A_671 : memref<1x1x20xf32, #tpu.memory_space<hbm>>) dst(%dma_wait3A_669 : memref<1x1x20xf32, #tpu.memory_space<vmem>>)
      %dma_wait3A_672 = arith.constant 0 : i32
      %dma_wait3A_673 = arith.constant 0 : i32
      %dma_wait3A_674 = tpu.memref_slice %arg10[%add3A_172, %dma_wait3A_672, %dma_wait3A_673] : memref<512x1x20xf32, #tpu.memory_space<vmem>> -> memref<1x1x20xf32, #tpu.memory_space<vmem>>
      %dma_wait3A_675 = arith.constant 0 : i32
      %dma_wait3A_676 = tpu.memref_slice %arg4[%get3A_174, %get3A_176, %dma_wait3A_675] : memref<125000x8x20xf32, #tpu.memory_space<hbm>> -> memref<1x1x20xf32, #tpu.memory_space<hbm>>
      %dma_wait3A_677 = arith.constant 0 : i32
      %dma_wait3A_678 = arith.constant 0 : i32
      %dma_wait3A_679 = tpu.memref_slice %arg10[%add3A_172, %dma_wait3A_677, %dma_wait3A_678] : memref<512x1x20xf32, #tpu.memory_space<vmem>> -> memref<1x1x20xf32, #tpu.memory_space<vmem>>
      %dma_wait3A_680 = arith.constant 0 : i32
      %dma_wait3A_681 = tpu.memref_slice %arg4[%get3A_174, %get3A_176, %dma_wait3A_680] : memref<125000x8x20xf32, #tpu.memory_space<hbm>> -> memref<1x1x20xf32, #tpu.memory_space<hbm>>
      tpu.wait_dma2 semaphore(%arg11 : memref<!tpu.dma_semaphore, #tpu.memory_space<semaphore_mem>>) src(%dma_wait3A_681 : memref<1x1x20xf32, #tpu.memory_space<hbm>>) dst(%dma_wait3A_679 : memref<1x1x20xf32, #tpu.memory_space<vmem>>)
      %dma_wait3A_682 = arith.constant 0 : i32
      %dma_wait3A_683 = arith.constant 0 : i32
      %dma_wait3A_684 = tpu.memref_slice %arg10[%add3A_190, %dma_wait3A_682, %dma_wait3A_683] : memref<512x1x20xf32, #tpu.memory_space<vmem>> -> memref<1x1x20xf32, #tpu.memory_space<vmem>>
      %dma_wait3A_685 = arith.constant 0 : i32
      %dma_wait3A_686 = tpu.memref_slice %arg4[%get3A_192, %get3A_194, %dma_wait3A_685] : memref<125000x8x20xf32, #tpu.memory_space<hbm>> -> memref<1x1x20xf32, #tpu.memory_space<hbm>>
      %dma_wait3A_687 = arith.constant 0 : i32
      %dma_wait3A_688 = arith.constant 0 : i32
      %dma_wait3A_689 = tpu.memref_slice %arg10[%add3A_190, %dma_wait3A_687, %dma_wait3A_688] : memref<512x1x20xf32, #tpu.memory_space<vmem>> -> memref<1x1x20xf32, #tpu.memory_space<vmem>>
      %dma_wait3A_690 = arith.constant 0 : i32
      %dma_wait3A_691 = tpu.memref_slice %arg4[%get3A_192, %get3A_194, %dma_wait3A_690] : memref<125000x8x20xf32, #tpu.memory_space<hbm>> -> memref<1x1x20xf32, #tpu.memory_space<hbm>>
      tpu.wait_dma2 semaphore(%arg11 : memref<!tpu.dma_semaphore, #tpu.memory_space<semaphore_mem>>) src(%dma_wait3A_691 : memref<1x1x20xf32, #tpu.memory_space<hbm>>) dst(%dma_wait3A_689 : memref<1x1x20xf32, #tpu.memory_space<vmem>>)
      %dma_wait3A_692 = arith.constant 0 : i32
      %dma_wait3A_693 = arith.constant 0 : i32
      %dma_wait3A_694 = tpu.memref_slice %arg10[%add3A_208, %dma_wait3A_692, %dma_wait3A_693] : memref<512x1x20xf32, #tpu.memory_space<vmem>> -> memref<1x1x20xf32, #tpu.memory_space<vmem>>
      %dma_wait3A_695 = arith.constant 0 : i32
      %dma_wait3A_696 = tpu.memref_slice %arg4[%get3A_210, %get3A_212, %dma_wait3A_695] : memref<125000x8x20xf32, #tpu.memory_space<hbm>> -> memref<1x1x20xf32, #tpu.memory_space<hbm>>
      %dma_wait3A_697 = arith.constant 0 : i32
      %dma_wait3A_698 = arith.constant 0 : i32
      %dma_wait3A_699 = tpu.memref_slice %arg10[%add3A_208, %dma_wait3A_697, %dma_wait3A_698] : memref<512x1x20xf32, #tpu.memory_space<vmem>> -> memref<1x1x20xf32, #tpu.memory_space<vmem>>
      %dma_wait3A_700 = arith.constant 0 : i32
      %dma_wait3A_701 = tpu.memref_slice %arg4[%get3A_210, %get3A_212, %dma_wait3A_700] : memref<125000x8x20xf32, #tpu.memory_space<hbm>> -> memref<1x1x20xf32, #tpu.memory_space<hbm>>
      tpu.wait_dma2 semaphore(%arg11 : memref<!tpu.dma_semaphore, #tpu.memory_space<semaphore_mem>>) src(%dma_wait3A_701 : memref<1x1x20xf32, #tpu.memory_space<hbm>>) dst(%dma_wait3A_699 : memref<1x1x20xf32, #tpu.memory_space<vmem>>)
      %dma_wait3A_702 = arith.constant 0 : i32
      %dma_wait3A_703 = arith.constant 0 : i32
      %dma_wait3A_704 = tpu.memref_slice %arg10[%add3A_226, %dma_wait3A_702, %dma_wait3A_703] : memref<512x1x20xf32, #tpu.memory_space<vmem>> -> memref<1x1x20xf32, #tpu.memory_space<vmem>>
      %dma_wait3A_705 = arith.constant 0 : i32
      %dma_wait3A_706 = tpu.memref_slice %arg4[%get3A_228, %get3A_230, %dma_wait3A_705] : memref<125000x8x20xf32, #tpu.memory_space<hbm>> -> memref<1x1x20xf32, #tpu.memory_space<hbm>>
      %dma_wait3A_707 = arith.constant 0 : i32
      %dma_wait3A_708 = arith.constant 0 : i32
      %dma_wait3A_709 = tpu.memref_slice %arg10[%add3A_226, %dma_wait3A_707, %dma_wait3A_708] : memref<512x1x20xf32, #tpu.memory_space<vmem>> -> memref<1x1x20xf32, #tpu.memory_space<vmem>>
      %dma_wait3A_710 = arith.constant 0 : i32
      %dma_wait3A_711 = tpu.memref_slice %arg4[%get3A_228, %get3A_230, %dma_wait3A_710] : memref<125000x8x20xf32, #tpu.memory_space<hbm>> -> memref<1x1x20xf32, #tpu.memory_space<hbm>>
      tpu.wait_dma2 semaphore(%arg11 : memref<!tpu.dma_semaphore, #tpu.memory_space<semaphore_mem>>) src(%dma_wait3A_711 : memref<1x1x20xf32, #tpu.memory_space<hbm>>) dst(%dma_wait3A_709 : memref<1x1x20xf32, #tpu.memory_space<vmem>>)
      %dma_wait3A_712 = arith.constant 0 : i32
      %dma_wait3A_713 = arith.constant 0 : i32
      %dma_wait3A_714 = tpu.memref_slice %arg10[%add3A_244, %dma_wait3A_712, %dma_wait3A_713] : memref<512x1x20xf32, #tpu.memory_space<vmem>> -> memref<1x1x20xf32, #tpu.memory_space<vmem>>
      %dma_wait3A_715 = arith.constant 0 : i32
      %dma_wait3A_716 = tpu.memref_slice %arg4[%get3A_246, %get3A_248, %dma_wait3A_715] : memref<125000x8x20xf32, #tpu.memory_space<hbm>> -> memref<1x1x20xf32, #tpu.memory_space<hbm>>
      %dma_wait3A_717 = arith.constant 0 : i32
      %dma_wait3A_718 = arith.constant 0 : i32
      %dma_wait3A_719 = tpu.memref_slice %arg10[%add3A_244, %dma_wait3A_717, %dma_wait3A_718] : memref<512x1x20xf32, #tpu.memory_space<vmem>> -> memref<1x1x20xf32, #tpu.memory_space<vmem>>
      %dma_wait3A_720 = arith.constant 0 : i32
      %dma_wait3A_721 = tpu.memref_slice %arg4[%get3A_246, %get3A_248, %dma_wait3A_720] : memref<125000x8x20xf32, #tpu.memory_space<hbm>> -> memref<1x1x20xf32, #tpu.memory_space<hbm>>
      tpu.wait_dma2 semaphore(%arg11 : memref<!tpu.dma_semaphore, #tpu.memory_space<semaphore_mem>>) src(%dma_wait3A_721 : memref<1x1x20xf32, #tpu.memory_space<hbm>>) dst(%dma_wait3A_719 : memref<1x1x20xf32, #tpu.memory_space<vmem>>)
      %dma_wait3A_722 = arith.constant 0 : i32
      %dma_wait3A_723 = arith.constant 0 : i32
      %dma_wait3A_724 = tpu.memref_slice %arg10[%add3A_262, %dma_wait3A_722, %dma_wait3A_723] : memref<512x1x20xf32, #tpu.memory_space<vmem>> -> memref<1x1x20xf32, #tpu.memory_space<vmem>>
      %dma_wait3A_725 = arith.constant 0 : i32
      %dma_wait3A_726 = tpu.memref_slice %arg4[%get3A_264, %get3A_266, %dma_wait3A_725] : memref<125000x8x20xf32, #tpu.memory_space<hbm>> -> memref<1x1x20xf32, #tpu.memory_space<hbm>>
      %dma_wait3A_727 = arith.constant 0 : i32
      %dma_wait3A_728 = arith.constant 0 : i32
      %dma_wait3A_729 = tpu.memref_slice %arg10[%add3A_262, %dma_wait3A_727, %dma_wait3A_728] : memref<512x1x20xf32, #tpu.memory_space<vmem>> -> memref<1x1x20xf32, #tpu.memory_space<vmem>>
      %dma_wait3A_730 = arith.constant 0 : i32
      %dma_wait3A_731 = tpu.memref_slice %arg4[%get3A_264, %get3A_266, %dma_wait3A_730] : memref<125000x8x20xf32, #tpu.memory_space<hbm>> -> memref<1x1x20xf32, #tpu.memory_space<hbm>>
      tpu.wait_dma2 semaphore(%arg11 : memref<!tpu.dma_semaphore, #tpu.memory_space<semaphore_mem>>) src(%dma_wait3A_731 : memref<1x1x20xf32, #tpu.memory_space<hbm>>) dst(%dma_wait3A_729 : memref<1x1x20xf32, #tpu.memory_space<vmem>>)
      %dma_wait3A_732 = arith.constant 0 : i32
      %dma_wait3A_733 = arith.constant 0 : i32
      %dma_wait3A_734 = tpu.memref_slice %arg10[%add3A_280, %dma_wait3A_732, %dma_wait3A_733] : memref<512x1x20xf32, #tpu.memory_space<vmem>> -> memref<1x1x20xf32, #tpu.memory_space<vmem>>
      %dma_wait3A_735 = arith.constant 0 : i32
      %dma_wait3A_736 = tpu.memref_slice %arg4[%get3A_282, %get3A_284, %dma_wait3A_735] : memref<125000x8x20xf32, #tpu.memory_space<hbm>> -> memref<1x1x20xf32, #tpu.memory_space<hbm>>
      %dma_wait3A_737 = arith.constant 0 : i32
      %dma_wait3A_738 = arith.constant 0 : i32
      %dma_wait3A_739 = tpu.memref_slice %arg10[%add3A_280, %dma_wait3A_737, %dma_wait3A_738] : memref<512x1x20xf32, #tpu.memory_space<vmem>> -> memref<1x1x20xf32, #tpu.memory_space<vmem>>
      %dma_wait3A_740 = arith.constant 0 : i32
      %dma_wait3A_741 = tpu.memref_slice %arg4[%get3A_282, %get3A_284, %dma_wait3A_740] : memref<125000x8x20xf32, #tpu.memory_space<hbm>> -> memref<1x1x20xf32, #tpu.memory_space<hbm>>
      tpu.wait_dma2 semaphore(%arg11 : memref<!tpu.dma_semaphore, #tpu.memory_space<semaphore_mem>>) src(%dma_wait3A_741 : memref<1x1x20xf32, #tpu.memory_space<hbm>>) dst(%dma_wait3A_739 : memref<1x1x20xf32, #tpu.memory_space<vmem>>)
      %dma_wait3A_742 = arith.constant 0 : i32
      %dma_wait3A_743 = arith.constant 0 : i32
      %dma_wait3A_744 = tpu.memref_slice %arg10[%add3A_298, %dma_wait3A_742, %dma_wait3A_743] : memref<512x1x20xf32, #tpu.memory_space<vmem>> -> memref<1x1x20xf32, #tpu.memory_space<vmem>>
      %dma_wait3A_745 = arith.constant 0 : i32
      %dma_wait3A_746 = tpu.memref_slice %arg4[%get3A_300, %get3A_302, %dma_wait3A_745] : memref<125000x8x20xf32, #tpu.memory_space<hbm>> -> memref<1x1x20xf32, #tpu.memory_space<hbm>>
      %dma_wait3A_747 = arith.constant 0 : i32
      %dma_wait3A_748 = arith.constant 0 : i32
      %dma_wait3A_749 = tpu.memref_slice %arg10[%add3A_298, %dma_wait3A_747, %dma_wait3A_748] : memref<512x1x20xf32, #tpu.memory_space<vmem>> -> memref<1x1x20xf32, #tpu.memory_space<vmem>>
      %dma_wait3A_750 = arith.constant 0 : i32
      %dma_wait3A_751 = tpu.memref_slice %arg4[%get3A_300, %get3A_302, %dma_wait3A_750] : memref<125000x8x20xf32, #tpu.memory_space<hbm>> -> memref<1x1x20xf32, #tpu.memory_space<hbm>>
      tpu.wait_dma2 semaphore(%arg11 : memref<!tpu.dma_semaphore, #tpu.memory_space<semaphore_mem>>) src(%dma_wait3A_751 : memref<1x1x20xf32, #tpu.memory_space<hbm>>) dst(%dma_wait3A_749 : memref<1x1x20xf32, #tpu.memory_space<vmem>>)
      %dma_wait3A_752 = arith.constant 0 : i32
      %dma_wait3A_753 = arith.constant 0 : i32
      %dma_wait3A_754 = tpu.memref_slice %arg10[%add3A_316, %dma_wait3A_752, %dma_wait3A_753] : memref<512x1x20xf32, #tpu.memory_space<vmem>> -> memref<1x1x20xf32, #tpu.memory_space<vmem>>
      %dma_wait3A_755 = arith.constant 0 : i32
      %dma_wait3A_756 = tpu.memref_slice %arg4[%get3A_318, %get3A_320, %dma_wait3A_755] : memref<125000x8x20xf32, #tpu.memory_space<hbm>> -> memref<1x1x20xf32, #tpu.memory_space<hbm>>
      %dma_wait3A_757 = arith.constant 0 : i32
      %dma_wait3A_758 = arith.constant 0 : i32
      %dma_wait3A_759 = tpu.memref_slice %arg10[%add3A_316, %dma_wait3A_757, %dma_wait3A_758] : memref<512x1x20xf32, #tpu.memory_space<vmem>> -> memref<1x1x20xf32, #tpu.memory_space<vmem>>
      %dma_wait3A_760 = arith.constant 0 : i32
      %dma_wait3A_761 = tpu.memref_slice %arg4[%get3A_318, %get3A_320, %dma_wait3A_760] : memref<125000x8x20xf32, #tpu.memory_space<hbm>> -> memref<1x1x20xf32, #tpu.memory_space<hbm>>
      tpu.wait_dma2 semaphore(%arg11 : memref<!tpu.dma_semaphore, #tpu.memory_space<semaphore_mem>>) src(%dma_wait3A_761 : memref<1x1x20xf32, #tpu.memory_space<hbm>>) dst(%dma_wait3A_759 : memref<1x1x20xf32, #tpu.memory_space<vmem>>)
      %dma_wait3A_762 = arith.constant 0 : i32
      %dma_wait3A_763 = arith.constant 0 : i32
      %dma_wait3A_764 = tpu.memref_slice %arg10[%add3A_334, %dma_wait3A_762, %dma_wait3A_763] : memref<512x1x20xf32, #tpu.memory_space<vmem>> -> memref<1x1x20xf32, #tpu.memory_space<vmem>>
      %dma_wait3A_765 = arith.constant 0 : i32
      %dma_wait3A_766 = tpu.memref_slice %arg4[%get3A_336, %get3A_338, %dma_wait3A_765] : memref<125000x8x20xf32, #tpu.memory_space<hbm>> -> memref<1x1x20xf32, #tpu.memory_space<hbm>>
      %dma_wait3A_767 = arith.constant 0 : i32
      %dma_wait3A_768 = arith.constant 0 : i32
      %dma_wait3A_769 = tpu.memref_slice %arg10[%add3A_334, %dma_wait3A_767, %dma_wait3A_768] : memref<512x1x20xf32, #tpu.memory_space<vmem>> -> memref<1x1x20xf32, #tpu.memory_space<vmem>>
      %dma_wait3A_770 = arith.constant 0 : i32
      %dma_wait3A_771 = tpu.memref_slice %arg4[%get3A_336, %get3A_338, %dma_wait3A_770] : memref<125000x8x20xf32, #tpu.memory_space<hbm>> -> memref<1x1x20xf32, #tpu.memory_space<hbm>>
      tpu.wait_dma2 semaphore(%arg11 : memref<!tpu.dma_semaphore, #tpu.memory_space<semaphore_mem>>) src(%dma_wait3A_771 : memref<1x1x20xf32, #tpu.memory_space<hbm>>) dst(%dma_wait3A_769 : memref<1x1x20xf32, #tpu.memory_space<vmem>>)
      %dma_wait3A_772 = arith.constant 0 : i32
      %dma_wait3A_773 = arith.constant 0 : i32
      %dma_wait3A_774 = tpu.memref_slice %arg10[%add3A_352, %dma_wait3A_772, %dma_wait3A_773] : memref<512x1x20xf32, #tpu.memory_space<vmem>> -> memref<1x1x20xf32, #tpu.memory_space<vmem>>
      %dma_wait3A_775 = arith.constant 0 : i32
      %dma_wait3A_776 = tpu.memref_slice %arg4[%get3A_354, %get3A_356, %dma_wait3A_775] : memref<125000x8x20xf32, #tpu.memory_space<hbm>> -> memref<1x1x20xf32, #tpu.memory_space<hbm>>
      %dma_wait3A_777 = arith.constant 0 : i32
      %dma_wait3A_778 = arith.constant 0 : i32
      %dma_wait3A_779 = tpu.memref_slice %arg10[%add3A_352, %dma_wait3A_777, %dma_wait3A_778] : memref<512x1x20xf32, #tpu.memory_space<vmem>> -> memref<1x1x20xf32, #tpu.memory_space<vmem>>
      %dma_wait3A_780 = arith.constant 0 : i32
      %dma_wait3A_781 = tpu.memref_slice %arg4[%get3A_354, %get3A_356, %dma_wait3A_780] : memref<125000x8x20xf32, #tpu.memory_space<hbm>> -> memref<1x1x20xf32, #tpu.memory_space<hbm>>
      tpu.wait_dma2 semaphore(%arg11 : memref<!tpu.dma_semaphore, #tpu.memory_space<semaphore_mem>>) src(%dma_wait3A_781 : memref<1x1x20xf32, #tpu.memory_space<hbm>>) dst(%dma_wait3A_779 : memref<1x1x20xf32, #tpu.memory_space<vmem>>)
      %dma_wait3A_782 = arith.constant 0 : i32
      %dma_wait3A_783 = arith.constant 0 : i32
      %dma_wait3A_784 = tpu.memref_slice %arg10[%add3A_370, %dma_wait3A_782, %dma_wait3A_783] : memref<512x1x20xf32, #tpu.memory_space<vmem>> -> memref<1x1x20xf32, #tpu.memory_space<vmem>>
      %dma_wait3A_785 = arith.constant 0 : i32
      %dma_wait3A_786 = tpu.memref_slice %arg4[%get3A_372, %get3A_374, %dma_wait3A_785] : memref<125000x8x20xf32, #tpu.memory_space<hbm>> -> memref<1x1x20xf32, #tpu.memory_space<hbm>>
      %dma_wait3A_787 = arith.constant 0 : i32
      %dma_wait3A_788 = arith.constant 0 : i32
      %dma_wait3A_789 = tpu.memref_slice %arg10[%add3A_370, %dma_wait3A_787, %dma_wait3A_788] : memref<512x1x20xf32, #tpu.memory_space<vmem>> -> memref<1x1x20xf32, #tpu.memory_space<vmem>>
      %dma_wait3A_790 = arith.constant 0 : i32
      %dma_wait3A_791 = tpu.memref_slice %arg4[%get3A_372, %get3A_374, %dma_wait3A_790] : memref<125000x8x20xf32, #tpu.memory_space<hbm>> -> memref<1x1x20xf32, #tpu.memory_space<hbm>>
      tpu.wait_dma2 semaphore(%arg11 : memref<!tpu.dma_semaphore, #tpu.memory_space<semaphore_mem>>) src(%dma_wait3A_791 : memref<1x1x20xf32, #tpu.memory_space<hbm>>) dst(%dma_wait3A_789 : memref<1x1x20xf32, #tpu.memory_space<vmem>>)
      %dma_wait3A_792 = arith.constant 0 : i32
      %dma_wait3A_793 = arith.constant 0 : i32
      %dma_wait3A_794 = tpu.memref_slice %arg10[%add3A_388, %dma_wait3A_792, %dma_wait3A_793] : memref<512x1x20xf32, #tpu.memory_space<vmem>> -> memref<1x1x20xf32, #tpu.memory_space<vmem>>
      %dma_wait3A_795 = arith.constant 0 : i32
      %dma_wait3A_796 = tpu.memref_slice %arg4[%get3A_390, %get3A_392, %dma_wait3A_795] : memref<125000x8x20xf32, #tpu.memory_space<hbm>> -> memref<1x1x20xf32, #tpu.memory_space<hbm>>
      %dma_wait3A_797 = arith.constant 0 : i32
      %dma_wait3A_798 = arith.constant 0 : i32
      %dma_wait3A_799 = tpu.memref_slice %arg10[%add3A_388, %dma_wait3A_797, %dma_wait3A_798] : memref<512x1x20xf32, #tpu.memory_space<vmem>> -> memref<1x1x20xf32, #tpu.memory_space<vmem>>
      %dma_wait3A_800 = arith.constant 0 : i32
      %dma_wait3A_801 = tpu.memref_slice %arg4[%get3A_390, %get3A_392, %dma_wait3A_800] : memref<125000x8x20xf32, #tpu.memory_space<hbm>> -> memref<1x1x20xf32, #tpu.memory_space<hbm>>
      tpu.wait_dma2 semaphore(%arg11 : memref<!tpu.dma_semaphore, #tpu.memory_space<semaphore_mem>>) src(%dma_wait3A_801 : memref<1x1x20xf32, #tpu.memory_space<hbm>>) dst(%dma_wait3A_799 : memref<1x1x20xf32, #tpu.memory_space<vmem>>)
      %dma_wait3A_802 = arith.constant 0 : i32
      %dma_wait3A_803 = arith.constant 0 : i32
      %dma_wait3A_804 = tpu.memref_slice %arg10[%add3A_406, %dma_wait3A_802, %dma_wait3A_803] : memref<512x1x20xf32, #tpu.memory_space<vmem>> -> memref<1x1x20xf32, #tpu.memory_space<vmem>>
      %dma_wait3A_805 = arith.constant 0 : i32
      %dma_wait3A_806 = tpu.memref_slice %arg4[%get3A_408, %get3A_410, %dma_wait3A_805] : memref<125000x8x20xf32, #tpu.memory_space<hbm>> -> memref<1x1x20xf32, #tpu.memory_space<hbm>>
      %dma_wait3A_807 = arith.constant 0 : i32
      %dma_wait3A_808 = arith.constant 0 : i32
      %dma_wait3A_809 = tpu.memref_slice %arg10[%add3A_406, %dma_wait3A_807, %dma_wait3A_808] : memref<512x1x20xf32, #tpu.memory_space<vmem>> -> memref<1x1x20xf32, #tpu.memory_space<vmem>>
      %dma_wait3A_810 = arith.constant 0 : i32
      %dma_wait3A_811 = tpu.memref_slice %arg4[%get3A_408, %get3A_410, %dma_wait3A_810] : memref<125000x8x20xf32, #tpu.memory_space<hbm>> -> memref<1x1x20xf32, #tpu.memory_space<hbm>>
      tpu.wait_dma2 semaphore(%arg11 : memref<!tpu.dma_semaphore, #tpu.memory_space<semaphore_mem>>) src(%dma_wait3A_811 : memref<1x1x20xf32, #tpu.memory_space<hbm>>) dst(%dma_wait3A_809 : memref<1x1x20xf32, #tpu.memory_space<vmem>>)
      %dma_wait3A_812 = arith.constant 0 : i32
      %dma_wait3A_813 = arith.constant 0 : i32
      %dma_wait3A_814 = tpu.memref_slice %arg10[%add3A_424, %dma_wait3A_812, %dma_wait3A_813] : memref<512x1x20xf32, #tpu.memory_space<vmem>> -> memref<1x1x20xf32, #tpu.memory_space<vmem>>
      %dma_wait3A_815 = arith.constant 0 : i32
      %dma_wait3A_816 = tpu.memref_slice %arg4[%get3A_426, %get3A_428, %dma_wait3A_815] : memref<125000x8x20xf32, #tpu.memory_space<hbm>> -> memref<1x1x20xf32, #tpu.memory_space<hbm>>
      %dma_wait3A_817 = arith.constant 0 : i32
      %dma_wait3A_818 = arith.constant 0 : i32
      %dma_wait3A_819 = tpu.memref_slice %arg10[%add3A_424, %dma_wait3A_817, %dma_wait3A_818] : memref<512x1x20xf32, #tpu.memory_space<vmem>> -> memref<1x1x20xf32, #tpu.memory_space<vmem>>
      %dma_wait3A_820 = arith.constant 0 : i32
      %dma_wait3A_821 = tpu.memref_slice %arg4[%get3A_426, %get3A_428, %dma_wait3A_820] : memref<125000x8x20xf32, #tpu.memory_space<hbm>> -> memref<1x1x20xf32, #tpu.memory_space<hbm>>
      tpu.wait_dma2 semaphore(%arg11 : memref<!tpu.dma_semaphore, #tpu.memory_space<semaphore_mem>>) src(%dma_wait3A_821 : memref<1x1x20xf32, #tpu.memory_space<hbm>>) dst(%dma_wait3A_819 : memref<1x1x20xf32, #tpu.memory_space<vmem>>)
      %dma_wait3A_822 = arith.constant 0 : i32
      %dma_wait3A_823 = arith.constant 0 : i32
      %dma_wait3A_824 = tpu.memref_slice %arg10[%add3A_442, %dma_wait3A_822, %dma_wait3A_823] : memref<512x1x20xf32, #tpu.memory_space<vmem>> -> memref<1x1x20xf32, #tpu.memory_space<vmem>>
      %dma_wait3A_825 = arith.constant 0 : i32
      %dma_wait3A_826 = tpu.memref_slice %arg4[%get3A_444, %get3A_446, %dma_wait3A_825] : memref<125000x8x20xf32, #tpu.memory_space<hbm>> -> memref<1x1x20xf32, #tpu.memory_space<hbm>>
      %dma_wait3A_827 = arith.constant 0 : i32
      %dma_wait3A_828 = arith.constant 0 : i32
      %dma_wait3A_829 = tpu.memref_slice %arg10[%add3A_442, %dma_wait3A_827, %dma_wait3A_828] : memref<512x1x20xf32, #tpu.memory_space<vmem>> -> memref<1x1x20xf32, #tpu.memory_space<vmem>>
      %dma_wait3A_830 = arith.constant 0 : i32
      %dma_wait3A_831 = tpu.memref_slice %arg4[%get3A_444, %get3A_446, %dma_wait3A_830] : memref<125000x8x20xf32, #tpu.memory_space<hbm>> -> memref<1x1x20xf32, #tpu.memory_space<hbm>>
      tpu.wait_dma2 semaphore(%arg11 : memref<!tpu.dma_semaphore, #tpu.memory_space<semaphore_mem>>) src(%dma_wait3A_831 : memref<1x1x20xf32, #tpu.memory_space<hbm>>) dst(%dma_wait3A_829 : memref<1x1x20xf32, #tpu.memory_space<vmem>>)
      %dma_wait3A_832 = arith.constant 0 : i32
      %dma_wait3A_833 = arith.constant 0 : i32
      %dma_wait3A_834 = tpu.memref_slice %arg10[%add3A_460, %dma_wait3A_832, %dma_wait3A_833] : memref<512x1x20xf32, #tpu.memory_space<vmem>> -> memref<1x1x20xf32, #tpu.memory_space<vmem>>
      %dma_wait3A_835 = arith.constant 0 : i32
      %dma_wait3A_836 = tpu.memref_slice %arg4[%get3A_462, %get3A_464, %dma_wait3A_835] : memref<125000x8x20xf32, #tpu.memory_space<hbm>> -> memref<1x1x20xf32, #tpu.memory_space<hbm>>
      %dma_wait3A_837 = arith.constant 0 : i32
      %dma_wait3A_838 = arith.constant 0 : i32
      %dma_wait3A_839 = tpu.memref_slice %arg10[%add3A_460, %dma_wait3A_837, %dma_wait3A_838] : memref<512x1x20xf32, #tpu.memory_space<vmem>> -> memref<1x1x20xf32, #tpu.memory_space<vmem>>
      %dma_wait3A_840 = arith.constant 0 : i32
      %dma_wait3A_841 = tpu.memref_slice %arg4[%get3A_462, %get3A_464, %dma_wait3A_840] : memref<125000x8x20xf32, #tpu.memory_space<hbm>> -> memref<1x1x20xf32, #tpu.memory_space<hbm>>
      tpu.wait_dma2 semaphore(%arg11 : memref<!tpu.dma_semaphore, #tpu.memory_space<semaphore_mem>>) src(%dma_wait3A_841 : memref<1x1x20xf32, #tpu.memory_space<hbm>>) dst(%dma_wait3A_839 : memref<1x1x20xf32, #tpu.memory_space<vmem>>)
      %dma_wait3A_842 = arith.constant 0 : i32
      %dma_wait3A_843 = arith.constant 0 : i32
      %dma_wait3A_844 = tpu.memref_slice %arg10[%add3A_478, %dma_wait3A_842, %dma_wait3A_843] : memref<512x1x20xf32, #tpu.memory_space<vmem>> -> memref<1x1x20xf32, #tpu.memory_space<vmem>>
      %dma_wait3A_845 = arith.constant 0 : i32
      %dma_wait3A_846 = tpu.memref_slice %arg4[%get3A_480, %get3A_482, %dma_wait3A_845] : memref<125000x8x20xf32, #tpu.memory_space<hbm>> -> memref<1x1x20xf32, #tpu.memory_space<hbm>>
      %dma_wait3A_847 = arith.constant 0 : i32
      %dma_wait3A_848 = arith.constant 0 : i32
      %dma_wait3A_849 = tpu.memref_slice %arg10[%add3A_478, %dma_wait3A_847, %dma_wait3A_848] : memref<512x1x20xf32, #tpu.memory_space<vmem>> -> memref<1x1x20xf32, #tpu.memory_space<vmem>>
      %dma_wait3A_850 = arith.constant 0 : i32
      %dma_wait3A_851 = tpu.memref_slice %arg4[%get3A_480, %get3A_482, %dma_wait3A_850] : memref<125000x8x20xf32, #tpu.memory_space<hbm>> -> memref<1x1x20xf32, #tpu.memory_space<hbm>>
      tpu.wait_dma2 semaphore(%arg11 : memref<!tpu.dma_semaphore, #tpu.memory_space<semaphore_mem>>) src(%dma_wait3A_851 : memref<1x1x20xf32, #tpu.memory_space<hbm>>) dst(%dma_wait3A_849 : memref<1x1x20xf32, #tpu.memory_space<vmem>>)
      %dma_wait3A_852 = arith.constant 0 : i32
      %dma_wait3A_853 = arith.constant 0 : i32
      %dma_wait3A_854 = tpu.memref_slice %arg10[%add3A_496, %dma_wait3A_852, %dma_wait3A_853] : memref<512x1x20xf32, #tpu.memory_space<vmem>> -> memref<1x1x20xf32, #tpu.memory_space<vmem>>
      %dma_wait3A_855 = arith.constant 0 : i32
      %dma_wait3A_856 = tpu.memref_slice %arg4[%get3A_498, %get3A_500, %dma_wait3A_855] : memref<125000x8x20xf32, #tpu.memory_space<hbm>> -> memref<1x1x20xf32, #tpu.memory_space<hbm>>
      %dma_wait3A_857 = arith.constant 0 : i32
      %dma_wait3A_858 = arith.constant 0 : i32
      %dma_wait3A_859 = tpu.memref_slice %arg10[%add3A_496, %dma_wait3A_857, %dma_wait3A_858] : memref<512x1x20xf32, #tpu.memory_space<vmem>> -> memref<1x1x20xf32, #tpu.memory_space<vmem>>
      %dma_wait3A_860 = arith.constant 0 : i32
      %dma_wait3A_861 = tpu.memref_slice %arg4[%get3A_498, %get3A_500, %dma_wait3A_860] : memref<125000x8x20xf32, #tpu.memory_space<hbm>> -> memref<1x1x20xf32, #tpu.memory_space<hbm>>
      tpu.wait_dma2 semaphore(%arg11 : memref<!tpu.dma_semaphore, #tpu.memory_space<semaphore_mem>>) src(%dma_wait3A_861 : memref<1x1x20xf32, #tpu.memory_space<hbm>>) dst(%dma_wait3A_859 : memref<1x1x20xf32, #tpu.memory_space<vmem>>)
      %dma_wait3A_862 = arith.constant 0 : i32
      %dma_wait3A_863 = arith.constant 0 : i32
      %dma_wait3A_864 = tpu.memref_slice %arg10[%add3A_514, %dma_wait3A_862, %dma_wait3A_863] : memref<512x1x20xf32, #tpu.memory_space<vmem>> -> memref<1x1x20xf32, #tpu.memory_space<vmem>>
      %dma_wait3A_865 = arith.constant 0 : i32
      %dma_wait3A_866 = tpu.memref_slice %arg4[%get3A_516, %get3A_518, %dma_wait3A_865] : memref<125000x8x20xf32, #tpu.memory_space<hbm>> -> memref<1x1x20xf32, #tpu.memory_space<hbm>>
      %dma_wait3A_867 = arith.constant 0 : i32
      %dma_wait3A_868 = arith.constant 0 : i32
      %dma_wait3A_869 = tpu.memref_slice %arg10[%add3A_514, %dma_wait3A_867, %dma_wait3A_868] : memref<512x1x20xf32, #tpu.memory_space<vmem>> -> memref<1x1x20xf32, #tpu.memory_space<vmem>>
      %dma_wait3A_870 = arith.constant 0 : i32
      %dma_wait3A_871 = tpu.memref_slice %arg4[%get3A_516, %get3A_518, %dma_wait3A_870] : memref<125000x8x20xf32, #tpu.memory_space<hbm>> -> memref<1x1x20xf32, #tpu.memory_space<hbm>>
      tpu.wait_dma2 semaphore(%arg11 : memref<!tpu.dma_semaphore, #tpu.memory_space<semaphore_mem>>) src(%dma_wait3A_871 : memref<1x1x20xf32, #tpu.memory_space<hbm>>) dst(%dma_wait3A_869 : memref<1x1x20xf32, #tpu.memory_space<vmem>>)
      %dma_wait3A_872 = arith.constant 0 : i32
      %dma_wait3A_873 = arith.constant 0 : i32
      %dma_wait3A_874 = tpu.memref_slice %arg10[%add3A_532, %dma_wait3A_872, %dma_wait3A_873] : memref<512x1x20xf32, #tpu.memory_space<vmem>> -> memref<1x1x20xf32, #tpu.memory_space<vmem>>
      %dma_wait3A_875 = arith.constant 0 : i32
      %dma_wait3A_876 = tpu.memref_slice %arg4[%get3A_534, %get3A_536, %dma_wait3A_875] : memref<125000x8x20xf32, #tpu.memory_space<hbm>> -> memref<1x1x20xf32, #tpu.memory_space<hbm>>
      %dma_wait3A_877 = arith.constant 0 : i32
      %dma_wait3A_878 = arith.constant 0 : i32
      %dma_wait3A_879 = tpu.memref_slice %arg10[%add3A_532, %dma_wait3A_877, %dma_wait3A_878] : memref<512x1x20xf32, #tpu.memory_space<vmem>> -> memref<1x1x20xf32, #tpu.memory_space<vmem>>
      %dma_wait3A_880 = arith.constant 0 : i32
      %dma_wait3A_881 = tpu.memref_slice %arg4[%get3A_534, %get3A_536, %dma_wait3A_880] : memref<125000x8x20xf32, #tpu.memory_space<hbm>> -> memref<1x1x20xf32, #tpu.memory_space<hbm>>
      tpu.wait_dma2 semaphore(%arg11 : memref<!tpu.dma_semaphore, #tpu.memory_space<semaphore_mem>>) src(%dma_wait3A_881 : memref<1x1x20xf32, #tpu.memory_space<hbm>>) dst(%dma_wait3A_879 : memref<1x1x20xf32, #tpu.memory_space<vmem>>)
      %dma_wait3A_882 = arith.constant 0 : i32
      %dma_wait3A_883 = arith.constant 0 : i32
      %dma_wait3A_884 = tpu.memref_slice %arg10[%add3A_550, %dma_wait3A_882, %dma_wait3A_883] : memref<512x1x20xf32, #tpu.memory_space<vmem>> -> memref<1x1x20xf32, #tpu.memory_space<vmem>>
      %dma_wait3A_885 = arith.constant 0 : i32
      %dma_wait3A_886 = tpu.memref_slice %arg4[%get3A_552, %get3A_554, %dma_wait3A_885] : memref<125000x8x20xf32, #tpu.memory_space<hbm>> -> memref<1x1x20xf32, #tpu.memory_space<hbm>>
      %dma_wait3A_887 = arith.constant 0 : i32
      %dma_wait3A_888 = arith.constant 0 : i32
      %dma_wait3A_889 = tpu.memref_slice %arg10[%add3A_550, %dma_wait3A_887, %dma_wait3A_888] : memref<512x1x20xf32, #tpu.memory_space<vmem>> -> memref<1x1x20xf32, #tpu.memory_space<vmem>>
      %dma_wait3A_890 = arith.constant 0 : i32
      %dma_wait3A_891 = tpu.memref_slice %arg4[%get3A_552, %get3A_554, %dma_wait3A_890] : memref<125000x8x20xf32, #tpu.memory_space<hbm>> -> memref<1x1x20xf32, #tpu.memory_space<hbm>>
      tpu.wait_dma2 semaphore(%arg11 : memref<!tpu.dma_semaphore, #tpu.memory_space<semaphore_mem>>) src(%dma_wait3A_891 : memref<1x1x20xf32, #tpu.memory_space<hbm>>) dst(%dma_wait3A_889 : memref<1x1x20xf32, #tpu.memory_space<vmem>>)
      %dma_wait3A_892 = arith.constant 0 : i32
      %dma_wait3A_893 = arith.constant 0 : i32
      %dma_wait3A_894 = tpu.memref_slice %arg10[%add3A_568, %dma_wait3A_892, %dma_wait3A_893] : memref<512x1x20xf32, #tpu.memory_space<vmem>> -> memref<1x1x20xf32, #tpu.memory_space<vmem>>
      %dma_wait3A_895 = arith.constant 0 : i32
      %dma_wait3A_896 = tpu.memref_slice %arg4[%get3A_570, %get3A_572, %dma_wait3A_895] : memref<125000x8x20xf32, #tpu.memory_space<hbm>> -> memref<1x1x20xf32, #tpu.memory_space<hbm>>
      %dma_wait3A_897 = arith.constant 0 : i32
      %dma_wait3A_898 = arith.constant 0 : i32
      %dma_wait3A_899 = tpu.memref_slice %arg10[%add3A_568, %dma_wait3A_897, %dma_wait3A_898] : memref<512x1x20xf32, #tpu.memory_space<vmem>> -> memref<1x1x20xf32, #tpu.memory_space<vmem>>
      %dma_wait3A_900 = arith.constant 0 : i32
      %dma_wait3A_901 = tpu.memref_slice %arg4[%get3A_570, %get3A_572, %dma_wait3A_900] : memref<125000x8x20xf32, #tpu.memory_space<hbm>> -> memref<1x1x20xf32, #tpu.memory_space<hbm>>
      tpu.wait_dma2 semaphore(%arg11 : memref<!tpu.dma_semaphore, #tpu.memory_space<semaphore_mem>>) src(%dma_wait3A_901 : memref<1x1x20xf32, #tpu.memory_space<hbm>>) dst(%dma_wait3A_899 : memref<1x1x20xf32, #tpu.memory_space<vmem>>)
    }
    %scan3A_7 = arith.constant 16 : i32
    "tpu.region"() ({
      %run_scoped3A = tpu.sem_alloc : memref<!tpu.dma_semaphore, #tpu.memory_space<semaphore_mem>>
      %dma_start3A = arith.constant 0 : i32
      %dma_start3A_8 = arith.constant 0 : i32
      %dma_start3A_9 = tpu.memref_slice %arg5[%mul3A_2, %dma_start3A, %dma_start3A_8] : memref<16384x1x20xf32, #tpu.memory_space<hbm>> -> memref<512x1x20xf32, #tpu.memory_space<hbm>>
      %dma_start3A_10 = arith.constant 0 : i32
      %dma_start3A_11 = arith.constant 0 : i32
      %dma_start3A_12 = tpu.memref_slice %arg5[%mul3A_2, %dma_start3A_10, %dma_start3A_11] : memref<16384x1x20xf32, #tpu.memory_space<hbm>> -> memref<512x1x20xf32, #tpu.memory_space<hbm>>
      tpu.enqueue_dma source(%arg10 : memref<512x1x20xf32, #tpu.memory_space<vmem>>) target(%dma_start3A_12 : memref<512x1x20xf32, #tpu.memory_space<hbm>>) target_semaphore(%run_scoped3A : memref<!tpu.dma_semaphore, #tpu.memory_space<semaphore_mem>>)
      %dma_wait3A = arith.constant 0 : i32
      %dma_wait3A_13 = arith.constant 0 : i32
      %dma_wait3A_14 = tpu.memref_slice %arg5[%mul3A_2, %dma_wait3A, %dma_wait3A_13] : memref<16384x1x20xf32, #tpu.memory_space<hbm>> -> memref<512x1x20xf32, #tpu.memory_space<hbm>>
      %dma_wait3A_15 = arith.constant 0 : i32
      %dma_wait3A_16 = arith.constant 0 : i32
      %dma_wait3A_17 = tpu.memref_slice %arg5[%mul3A_2, %dma_wait3A_15, %dma_wait3A_16] : memref<16384x1x20xf32, #tpu.memory_space<hbm>> -> memref<512x1x20xf32, #tpu.memory_space<hbm>>
      tpu.wait_dma2 semaphore(%run_scoped3A : memref<!tpu.dma_semaphore, #tpu.memory_space<semaphore_mem>>) src(%arg10 : memref<512x1x20xf32, #tpu.memory_space<vmem>>) dst(%dma_wait3A_17 : memref<512x1x20xf32, #tpu.memory_space<hbm>>)
      tpu.yield
    }) : () -> ()
    return
  }
}

#map = affine_map<(d0, d1) -> (0)>
#map1 = affine_map<(d0, d1) -> (0, 0)>
module attributes {stable_mosaic.version = 14 : i64} {
  func.func @gather_kernel(%arg0: i32, %arg1: i32, %arg2: memref<16384xi32, #tpu.memory_space<hbm>>, %arg3: memref<1000000x20xf32, #tpu.memory_space<hbm>>, %arg4: memref<16384x20xf32, #tpu.memory_space<hbm>>, %arg5: memref<32x512xi32, #tpu.memory_space<vmem_shared>>, %arg6: memref<512xi32, #tpu.memory_space<smem>>, %arg7: memref<512x20xf32, #tpu.memory_space<vmem>>, %arg8: memref<!tpu.dma_semaphore, #tpu.memory_space<semaphore_mem>>) attributes {dimension_semantics = [#tpu.dimension_semantics<core_parallel>, #tpu.dimension_semantics<subcore_parallel>], iteration_bounds = array<i64: 2, 16>, scalar_prefetch = 0 : i64, scratch_operands = 4 : i64, tpu.core_type = #tpu.core_type<sc_vector_subcore>, window_params = [{transform_indices = #map}, {transform_indices = #map1}, {transform_indices = #map1}]} {
    %mul3A = arith.constant 2 : i32
    %mul3A_0 = arith.muli %arg1, %mul3A : i32
    %add3A = arith.addi %mul3A_0, %arg0 : i32
    %mul3A_1 = arith.constant 512 : i32
    %mul3A_2 = arith.muli %add3A, %mul3A_1 : i32
    "tpu.region"() ({
      %run_scoped3A = tpu.sem_alloc : memref<!tpu.dma_semaphore, #tpu.memory_space<semaphore_mem>>
      %dma_start3A = arith.constant 0 : i32
      %dma_start3A_8 = tpu.memref_slice %arg5[%add3A, %dma_start3A] : memref<32x512xi32, #tpu.memory_space<vmem_shared>> -> memref<1x512xi32, #tpu.memory_space<vmem_shared>>
      %dma_start3A_9 = tpu.memref_squeeze %dma_start3A_8 : memref<1x512xi32, #tpu.memory_space<vmem_shared>> -> memref<512xi32, #tpu.memory_space<vmem_shared>>
      %dma_start3A_10 = tpu.memref_slice %arg2[%mul3A_2] : memref<16384xi32, #tpu.memory_space<hbm>> -> memref<512xi32, #tpu.memory_space<hbm>>
      tpu.enqueue_dma source(%dma_start3A_10 : memref<512xi32, #tpu.memory_space<hbm>>) target(%dma_start3A_9 : memref<512xi32, #tpu.memory_space<vmem_shared>>) target_semaphore(%run_scoped3A : memref<!tpu.dma_semaphore, #tpu.memory_space<semaphore_mem>>)
      %dma_wait3A = arith.constant 0 : i32
      %dma_wait3A_11 = tpu.memref_slice %arg5[%add3A, %dma_wait3A] : memref<32x512xi32, #tpu.memory_space<vmem_shared>> -> memref<1x512xi32, #tpu.memory_space<vmem_shared>>
      %dma_wait3A_12 = tpu.memref_squeeze %dma_wait3A_11 : memref<1x512xi32, #tpu.memory_space<vmem_shared>> -> memref<512xi32, #tpu.memory_space<vmem_shared>>
      %dma_wait3A_13 = tpu.memref_slice %arg2[%mul3A_2] : memref<16384xi32, #tpu.memory_space<hbm>> -> memref<512xi32, #tpu.memory_space<hbm>>
      tpu.wait_dma2 semaphore(%run_scoped3A : memref<!tpu.dma_semaphore, #tpu.memory_space<semaphore_mem>>) src(%dma_wait3A_13 : memref<512xi32, #tpu.memory_space<hbm>>) dst(%dma_wait3A_12 : memref<512xi32, #tpu.memory_space<vmem_shared>>)
      tpu.yield
    }) : () -> ()
    "tpu.region"() ({
      %run_scoped3A = tpu.sem_alloc : memref<!tpu.dma_semaphore, #tpu.memory_space<semaphore_mem>>
      %dma_start3A = arith.constant 0 : i32
      %dma_start3A_8 = tpu.memref_slice %arg5[%add3A, %dma_start3A] : memref<32x512xi32, #tpu.memory_space<vmem_shared>> -> memref<1x512xi32, #tpu.memory_space<vmem_shared>>
      %dma_start3A_9 = tpu.memref_squeeze %dma_start3A_8 : memref<1x512xi32, #tpu.memory_space<vmem_shared>> -> memref<512xi32, #tpu.memory_space<vmem_shared>>
      tpu.enqueue_dma source(%dma_start3A_9 : memref<512xi32, #tpu.memory_space<vmem_shared>>) target(%arg6 : memref<512xi32, #tpu.memory_space<smem>>) target_semaphore(%run_scoped3A : memref<!tpu.dma_semaphore, #tpu.memory_space<semaphore_mem>>)
      %dma_wait3A = arith.constant 0 : i32
      %dma_wait3A_10 = tpu.memref_slice %arg5[%add3A, %dma_wait3A] : memref<32x512xi32, #tpu.memory_space<vmem_shared>> -> memref<1x512xi32, #tpu.memory_space<vmem_shared>>
      %dma_wait3A_11 = tpu.memref_squeeze %dma_wait3A_10 : memref<1x512xi32, #tpu.memory_space<vmem_shared>> -> memref<512xi32, #tpu.memory_space<vmem_shared>>
      tpu.wait_dma2 semaphore(%run_scoped3A : memref<!tpu.dma_semaphore, #tpu.memory_space<semaphore_mem>>) src(%dma_wait3A_11 : memref<512xi32, #tpu.memory_space<vmem_shared>>) dst(%arg6 : memref<512xi32, #tpu.memory_space<smem>>)
      tpu.yield
    }) : () -> ()
    %scan3A = arith.constant 0 : i32
    %scan3A_3 = arith.constant 0 : i32
    %scan3A_4 = arith.constant 16 : i32
    %scan3A_5 = arith.addi %scan3A_3, %scan3A_4 : i32
    %scan3A_6 = arith.constant 1 : i32
    scf.for %scan3A_8 = %scan3A_3 to %scan3A_5 step %scan3A_6  : i32 {
      %mul3A_9 = arith.constant 32 : i32
      %mul3A_10 = arith.muli %scan3A_8, %mul3A_9 : i32
      %add3A_11 = arith.constant 0 : i32
      %add3A_12 = arith.addi %mul3A_10, %add3A_11 : i32
      %get3A = arith.index_cast %add3A_12 : i32 to index
      %get3A_13 = memref.load %arg6[%get3A] : memref<512xi32, #tpu.memory_space<smem>>
      %dma_start3A = arith.constant 0 : i32
      %dma_start3A_14 = tpu.memref_slice %arg7[%add3A_12, %dma_start3A] : memref<512x20xf32, #tpu.memory_space<vmem>> -> memref<1x20xf32, #tpu.memory_space<vmem>>
      %dma_start3A_15 = arith.constant 0 : i32
      %dma_start3A_16 = tpu.memref_slice %arg3[%get3A_13, %dma_start3A_15] : memref<1000000x20xf32, #tpu.memory_space<hbm>> -> memref<1x20xf32, #tpu.memory_space<hbm>>
      %dma_start3A_17 = arith.constant 0 : i32
      %dma_start3A_18 = tpu.memref_slice %arg7[%add3A_12, %dma_start3A_17] : memref<512x20xf32, #tpu.memory_space<vmem>> -> memref<1x20xf32, #tpu.memory_space<vmem>>
      %dma_start3A_19 = arith.constant 0 : i32
      %dma_start3A_20 = tpu.memref_slice %arg3[%get3A_13, %dma_start3A_19] : memref<1000000x20xf32, #tpu.memory_space<hbm>> -> memref<1x20xf32, #tpu.memory_space<hbm>>
      tpu.enqueue_dma source(%dma_start3A_20 : memref<1x20xf32, #tpu.memory_space<hbm>>) target(%dma_start3A_18 : memref<1x20xf32, #tpu.memory_space<vmem>>) target_semaphore(%arg8 : memref<!tpu.dma_semaphore, #tpu.memory_space<semaphore_mem>>)
      %mul3A_21 = arith.constant 32 : i32
      %mul3A_22 = arith.muli %scan3A_8, %mul3A_21 : i32
      %add3A_23 = arith.constant 1 : i32
      %add3A_24 = arith.addi %mul3A_22, %add3A_23 : i32
      %get3A_25 = arith.index_cast %add3A_24 : i32 to index
      %get3A_26 = memref.load %arg6[%get3A_25] : memref<512xi32, #tpu.memory_space<smem>>
      %dma_start3A_27 = arith.constant 0 : i32
      %dma_start3A_28 = tpu.memref_slice %arg7[%add3A_24, %dma_start3A_27] : memref<512x20xf32, #tpu.memory_space<vmem>> -> memref<1x20xf32, #tpu.memory_space<vmem>>
      %dma_start3A_29 = arith.constant 0 : i32
      %dma_start3A_30 = tpu.memref_slice %arg3[%get3A_26, %dma_start3A_29] : memref<1000000x20xf32, #tpu.memory_space<hbm>> -> memref<1x20xf32, #tpu.memory_space<hbm>>
      %dma_start3A_31 = arith.constant 0 : i32
      %dma_start3A_32 = tpu.memref_slice %arg7[%add3A_24, %dma_start3A_31] : memref<512x20xf32, #tpu.memory_space<vmem>> -> memref<1x20xf32, #tpu.memory_space<vmem>>
      %dma_start3A_33 = arith.constant 0 : i32
      %dma_start3A_34 = tpu.memref_slice %arg3[%get3A_26, %dma_start3A_33] : memref<1000000x20xf32, #tpu.memory_space<hbm>> -> memref<1x20xf32, #tpu.memory_space<hbm>>
      tpu.enqueue_dma source(%dma_start3A_34 : memref<1x20xf32, #tpu.memory_space<hbm>>) target(%dma_start3A_32 : memref<1x20xf32, #tpu.memory_space<vmem>>) target_semaphore(%arg8 : memref<!tpu.dma_semaphore, #tpu.memory_space<semaphore_mem>>)
      %mul3A_35 = arith.constant 32 : i32
      %mul3A_36 = arith.muli %scan3A_8, %mul3A_35 : i32
      %add3A_37 = arith.constant 2 : i32
      %add3A_38 = arith.addi %mul3A_36, %add3A_37 : i32
      %get3A_39 = arith.index_cast %add3A_38 : i32 to index
      %get3A_40 = memref.load %arg6[%get3A_39] : memref<512xi32, #tpu.memory_space<smem>>
      %dma_start3A_41 = arith.constant 0 : i32
      %dma_start3A_42 = tpu.memref_slice %arg7[%add3A_38, %dma_start3A_41] : memref<512x20xf32, #tpu.memory_space<vmem>> -> memref<1x20xf32, #tpu.memory_space<vmem>>
      %dma_start3A_43 = arith.constant 0 : i32
      %dma_start3A_44 = tpu.memref_slice %arg3[%get3A_40, %dma_start3A_43] : memref<1000000x20xf32, #tpu.memory_space<hbm>> -> memref<1x20xf32, #tpu.memory_space<hbm>>
      %dma_start3A_45 = arith.constant 0 : i32
      %dma_start3A_46 = tpu.memref_slice %arg7[%add3A_38, %dma_start3A_45] : memref<512x20xf32, #tpu.memory_space<vmem>> -> memref<1x20xf32, #tpu.memory_space<vmem>>
      %dma_start3A_47 = arith.constant 0 : i32
      %dma_start3A_48 = tpu.memref_slice %arg3[%get3A_40, %dma_start3A_47] : memref<1000000x20xf32, #tpu.memory_space<hbm>> -> memref<1x20xf32, #tpu.memory_space<hbm>>
      tpu.enqueue_dma source(%dma_start3A_48 : memref<1x20xf32, #tpu.memory_space<hbm>>) target(%dma_start3A_46 : memref<1x20xf32, #tpu.memory_space<vmem>>) target_semaphore(%arg8 : memref<!tpu.dma_semaphore, #tpu.memory_space<semaphore_mem>>)
      %mul3A_49 = arith.constant 32 : i32
      %mul3A_50 = arith.muli %scan3A_8, %mul3A_49 : i32
      %add3A_51 = arith.constant 3 : i32
      %add3A_52 = arith.addi %mul3A_50, %add3A_51 : i32
      %get3A_53 = arith.index_cast %add3A_52 : i32 to index
      %get3A_54 = memref.load %arg6[%get3A_53] : memref<512xi32, #tpu.memory_space<smem>>
      %dma_start3A_55 = arith.constant 0 : i32
      %dma_start3A_56 = tpu.memref_slice %arg7[%add3A_52, %dma_start3A_55] : memref<512x20xf32, #tpu.memory_space<vmem>> -> memref<1x20xf32, #tpu.memory_space<vmem>>
      %dma_start3A_57 = arith.constant 0 : i32
      %dma_start3A_58 = tpu.memref_slice %arg3[%get3A_54, %dma_start3A_57] : memref<1000000x20xf32, #tpu.memory_space<hbm>> -> memref<1x20xf32, #tpu.memory_space<hbm>>
      %dma_start3A_59 = arith.constant 0 : i32
      %dma_start3A_60 = tpu.memref_slice %arg7[%add3A_52, %dma_start3A_59] : memref<512x20xf32, #tpu.memory_space<vmem>> -> memref<1x20xf32, #tpu.memory_space<vmem>>
      %dma_start3A_61 = arith.constant 0 : i32
      %dma_start3A_62 = tpu.memref_slice %arg3[%get3A_54, %dma_start3A_61] : memref<1000000x20xf32, #tpu.memory_space<hbm>> -> memref<1x20xf32, #tpu.memory_space<hbm>>
      tpu.enqueue_dma source(%dma_start3A_62 : memref<1x20xf32, #tpu.memory_space<hbm>>) target(%dma_start3A_60 : memref<1x20xf32, #tpu.memory_space<vmem>>) target_semaphore(%arg8 : memref<!tpu.dma_semaphore, #tpu.memory_space<semaphore_mem>>)
      %mul3A_63 = arith.constant 32 : i32
      %mul3A_64 = arith.muli %scan3A_8, %mul3A_63 : i32
      %add3A_65 = arith.constant 4 : i32
      %add3A_66 = arith.addi %mul3A_64, %add3A_65 : i32
      %get3A_67 = arith.index_cast %add3A_66 : i32 to index
      %get3A_68 = memref.load %arg6[%get3A_67] : memref<512xi32, #tpu.memory_space<smem>>
      %dma_start3A_69 = arith.constant 0 : i32
      %dma_start3A_70 = tpu.memref_slice %arg7[%add3A_66, %dma_start3A_69] : memref<512x20xf32, #tpu.memory_space<vmem>> -> memref<1x20xf32, #tpu.memory_space<vmem>>
      %dma_start3A_71 = arith.constant 0 : i32
      %dma_start3A_72 = tpu.memref_slice %arg3[%get3A_68, %dma_start3A_71] : memref<1000000x20xf32, #tpu.memory_space<hbm>> -> memref<1x20xf32, #tpu.memory_space<hbm>>
      %dma_start3A_73 = arith.constant 0 : i32
      %dma_start3A_74 = tpu.memref_slice %arg7[%add3A_66, %dma_start3A_73] : memref<512x20xf32, #tpu.memory_space<vmem>> -> memref<1x20xf32, #tpu.memory_space<vmem>>
      %dma_start3A_75 = arith.constant 0 : i32
      %dma_start3A_76 = tpu.memref_slice %arg3[%get3A_68, %dma_start3A_75] : memref<1000000x20xf32, #tpu.memory_space<hbm>> -> memref<1x20xf32, #tpu.memory_space<hbm>>
      tpu.enqueue_dma source(%dma_start3A_76 : memref<1x20xf32, #tpu.memory_space<hbm>>) target(%dma_start3A_74 : memref<1x20xf32, #tpu.memory_space<vmem>>) target_semaphore(%arg8 : memref<!tpu.dma_semaphore, #tpu.memory_space<semaphore_mem>>)
      %mul3A_77 = arith.constant 32 : i32
      %mul3A_78 = arith.muli %scan3A_8, %mul3A_77 : i32
      %add3A_79 = arith.constant 5 : i32
      %add3A_80 = arith.addi %mul3A_78, %add3A_79 : i32
      %get3A_81 = arith.index_cast %add3A_80 : i32 to index
      %get3A_82 = memref.load %arg6[%get3A_81] : memref<512xi32, #tpu.memory_space<smem>>
      %dma_start3A_83 = arith.constant 0 : i32
      %dma_start3A_84 = tpu.memref_slice %arg7[%add3A_80, %dma_start3A_83] : memref<512x20xf32, #tpu.memory_space<vmem>> -> memref<1x20xf32, #tpu.memory_space<vmem>>
      %dma_start3A_85 = arith.constant 0 : i32
      %dma_start3A_86 = tpu.memref_slice %arg3[%get3A_82, %dma_start3A_85] : memref<1000000x20xf32, #tpu.memory_space<hbm>> -> memref<1x20xf32, #tpu.memory_space<hbm>>
      %dma_start3A_87 = arith.constant 0 : i32
      %dma_start3A_88 = tpu.memref_slice %arg7[%add3A_80, %dma_start3A_87] : memref<512x20xf32, #tpu.memory_space<vmem>> -> memref<1x20xf32, #tpu.memory_space<vmem>>
      %dma_start3A_89 = arith.constant 0 : i32
      %dma_start3A_90 = tpu.memref_slice %arg3[%get3A_82, %dma_start3A_89] : memref<1000000x20xf32, #tpu.memory_space<hbm>> -> memref<1x20xf32, #tpu.memory_space<hbm>>
      tpu.enqueue_dma source(%dma_start3A_90 : memref<1x20xf32, #tpu.memory_space<hbm>>) target(%dma_start3A_88 : memref<1x20xf32, #tpu.memory_space<vmem>>) target_semaphore(%arg8 : memref<!tpu.dma_semaphore, #tpu.memory_space<semaphore_mem>>)
      %mul3A_91 = arith.constant 32 : i32
      %mul3A_92 = arith.muli %scan3A_8, %mul3A_91 : i32
      %add3A_93 = arith.constant 6 : i32
      %add3A_94 = arith.addi %mul3A_92, %add3A_93 : i32
      %get3A_95 = arith.index_cast %add3A_94 : i32 to index
      %get3A_96 = memref.load %arg6[%get3A_95] : memref<512xi32, #tpu.memory_space<smem>>
      %dma_start3A_97 = arith.constant 0 : i32
      %dma_start3A_98 = tpu.memref_slice %arg7[%add3A_94, %dma_start3A_97] : memref<512x20xf32, #tpu.memory_space<vmem>> -> memref<1x20xf32, #tpu.memory_space<vmem>>
      %dma_start3A_99 = arith.constant 0 : i32
      %dma_start3A_100 = tpu.memref_slice %arg3[%get3A_96, %dma_start3A_99] : memref<1000000x20xf32, #tpu.memory_space<hbm>> -> memref<1x20xf32, #tpu.memory_space<hbm>>
      %dma_start3A_101 = arith.constant 0 : i32
      %dma_start3A_102 = tpu.memref_slice %arg7[%add3A_94, %dma_start3A_101] : memref<512x20xf32, #tpu.memory_space<vmem>> -> memref<1x20xf32, #tpu.memory_space<vmem>>
      %dma_start3A_103 = arith.constant 0 : i32
      %dma_start3A_104 = tpu.memref_slice %arg3[%get3A_96, %dma_start3A_103] : memref<1000000x20xf32, #tpu.memory_space<hbm>> -> memref<1x20xf32, #tpu.memory_space<hbm>>
      tpu.enqueue_dma source(%dma_start3A_104 : memref<1x20xf32, #tpu.memory_space<hbm>>) target(%dma_start3A_102 : memref<1x20xf32, #tpu.memory_space<vmem>>) target_semaphore(%arg8 : memref<!tpu.dma_semaphore, #tpu.memory_space<semaphore_mem>>)
      %mul3A_105 = arith.constant 32 : i32
      %mul3A_106 = arith.muli %scan3A_8, %mul3A_105 : i32
      %add3A_107 = arith.constant 7 : i32
      %add3A_108 = arith.addi %mul3A_106, %add3A_107 : i32
      %get3A_109 = arith.index_cast %add3A_108 : i32 to index
      %get3A_110 = memref.load %arg6[%get3A_109] : memref<512xi32, #tpu.memory_space<smem>>
      %dma_start3A_111 = arith.constant 0 : i32
      %dma_start3A_112 = tpu.memref_slice %arg7[%add3A_108, %dma_start3A_111] : memref<512x20xf32, #tpu.memory_space<vmem>> -> memref<1x20xf32, #tpu.memory_space<vmem>>
      %dma_start3A_113 = arith.constant 0 : i32
      %dma_start3A_114 = tpu.memref_slice %arg3[%get3A_110, %dma_start3A_113] : memref<1000000x20xf32, #tpu.memory_space<hbm>> -> memref<1x20xf32, #tpu.memory_space<hbm>>
      %dma_start3A_115 = arith.constant 0 : i32
      %dma_start3A_116 = tpu.memref_slice %arg7[%add3A_108, %dma_start3A_115] : memref<512x20xf32, #tpu.memory_space<vmem>> -> memref<1x20xf32, #tpu.memory_space<vmem>>
      %dma_start3A_117 = arith.constant 0 : i32
      %dma_start3A_118 = tpu.memref_slice %arg3[%get3A_110, %dma_start3A_117] : memref<1000000x20xf32, #tpu.memory_space<hbm>> -> memref<1x20xf32, #tpu.memory_space<hbm>>
      tpu.enqueue_dma source(%dma_start3A_118 : memref<1x20xf32, #tpu.memory_space<hbm>>) target(%dma_start3A_116 : memref<1x20xf32, #tpu.memory_space<vmem>>) target_semaphore(%arg8 : memref<!tpu.dma_semaphore, #tpu.memory_space<semaphore_mem>>)
      %mul3A_119 = arith.constant 32 : i32
      %mul3A_120 = arith.muli %scan3A_8, %mul3A_119 : i32
      %add3A_121 = arith.constant 8 : i32
      %add3A_122 = arith.addi %mul3A_120, %add3A_121 : i32
      %get3A_123 = arith.index_cast %add3A_122 : i32 to index
      %get3A_124 = memref.load %arg6[%get3A_123] : memref<512xi32, #tpu.memory_space<smem>>
      %dma_start3A_125 = arith.constant 0 : i32
      %dma_start3A_126 = tpu.memref_slice %arg7[%add3A_122, %dma_start3A_125] : memref<512x20xf32, #tpu.memory_space<vmem>> -> memref<1x20xf32, #tpu.memory_space<vmem>>
      %dma_start3A_127 = arith.constant 0 : i32
      %dma_start3A_128 = tpu.memref_slice %arg3[%get3A_124, %dma_start3A_127] : memref<1000000x20xf32, #tpu.memory_space<hbm>> -> memref<1x20xf32, #tpu.memory_space<hbm>>
      %dma_start3A_129 = arith.constant 0 : i32
      %dma_start3A_130 = tpu.memref_slice %arg7[%add3A_122, %dma_start3A_129] : memref<512x20xf32, #tpu.memory_space<vmem>> -> memref<1x20xf32, #tpu.memory_space<vmem>>
      %dma_start3A_131 = arith.constant 0 : i32
      %dma_start3A_132 = tpu.memref_slice %arg3[%get3A_124, %dma_start3A_131] : memref<1000000x20xf32, #tpu.memory_space<hbm>> -> memref<1x20xf32, #tpu.memory_space<hbm>>
      tpu.enqueue_dma source(%dma_start3A_132 : memref<1x20xf32, #tpu.memory_space<hbm>>) target(%dma_start3A_130 : memref<1x20xf32, #tpu.memory_space<vmem>>) target_semaphore(%arg8 : memref<!tpu.dma_semaphore, #tpu.memory_space<semaphore_mem>>)
      %mul3A_133 = arith.constant 32 : i32
      %mul3A_134 = arith.muli %scan3A_8, %mul3A_133 : i32
      %add3A_135 = arith.constant 9 : i32
      %add3A_136 = arith.addi %mul3A_134, %add3A_135 : i32
      %get3A_137 = arith.index_cast %add3A_136 : i32 to index
      %get3A_138 = memref.load %arg6[%get3A_137] : memref<512xi32, #tpu.memory_space<smem>>
      %dma_start3A_139 = arith.constant 0 : i32
      %dma_start3A_140 = tpu.memref_slice %arg7[%add3A_136, %dma_start3A_139] : memref<512x20xf32, #tpu.memory_space<vmem>> -> memref<1x20xf32, #tpu.memory_space<vmem>>
      %dma_start3A_141 = arith.constant 0 : i32
      %dma_start3A_142 = tpu.memref_slice %arg3[%get3A_138, %dma_start3A_141] : memref<1000000x20xf32, #tpu.memory_space<hbm>> -> memref<1x20xf32, #tpu.memory_space<hbm>>
      %dma_start3A_143 = arith.constant 0 : i32
      %dma_start3A_144 = tpu.memref_slice %arg7[%add3A_136, %dma_start3A_143] : memref<512x20xf32, #tpu.memory_space<vmem>> -> memref<1x20xf32, #tpu.memory_space<vmem>>
      %dma_start3A_145 = arith.constant 0 : i32
      %dma_start3A_146 = tpu.memref_slice %arg3[%get3A_138, %dma_start3A_145] : memref<1000000x20xf32, #tpu.memory_space<hbm>> -> memref<1x20xf32, #tpu.memory_space<hbm>>
      tpu.enqueue_dma source(%dma_start3A_146 : memref<1x20xf32, #tpu.memory_space<hbm>>) target(%dma_start3A_144 : memref<1x20xf32, #tpu.memory_space<vmem>>) target_semaphore(%arg8 : memref<!tpu.dma_semaphore, #tpu.memory_space<semaphore_mem>>)
      %mul3A_147 = arith.constant 32 : i32
      %mul3A_148 = arith.muli %scan3A_8, %mul3A_147 : i32
      %add3A_149 = arith.constant 10 : i32
      %add3A_150 = arith.addi %mul3A_148, %add3A_149 : i32
      %get3A_151 = arith.index_cast %add3A_150 : i32 to index
      %get3A_152 = memref.load %arg6[%get3A_151] : memref<512xi32, #tpu.memory_space<smem>>
      %dma_start3A_153 = arith.constant 0 : i32
      %dma_start3A_154 = tpu.memref_slice %arg7[%add3A_150, %dma_start3A_153] : memref<512x20xf32, #tpu.memory_space<vmem>> -> memref<1x20xf32, #tpu.memory_space<vmem>>
      %dma_start3A_155 = arith.constant 0 : i32
      %dma_start3A_156 = tpu.memref_slice %arg3[%get3A_152, %dma_start3A_155] : memref<1000000x20xf32, #tpu.memory_space<hbm>> -> memref<1x20xf32, #tpu.memory_space<hbm>>
      %dma_start3A_157 = arith.constant 0 : i32
      %dma_start3A_158 = tpu.memref_slice %arg7[%add3A_150, %dma_start3A_157] : memref<512x20xf32, #tpu.memory_space<vmem>> -> memref<1x20xf32, #tpu.memory_space<vmem>>
      %dma_start3A_159 = arith.constant 0 : i32
      %dma_start3A_160 = tpu.memref_slice %arg3[%get3A_152, %dma_start3A_159] : memref<1000000x20xf32, #tpu.memory_space<hbm>> -> memref<1x20xf32, #tpu.memory_space<hbm>>
      tpu.enqueue_dma source(%dma_start3A_160 : memref<1x20xf32, #tpu.memory_space<hbm>>) target(%dma_start3A_158 : memref<1x20xf32, #tpu.memory_space<vmem>>) target_semaphore(%arg8 : memref<!tpu.dma_semaphore, #tpu.memory_space<semaphore_mem>>)
      %mul3A_161 = arith.constant 32 : i32
      %mul3A_162 = arith.muli %scan3A_8, %mul3A_161 : i32
      %add3A_163 = arith.constant 11 : i32
      %add3A_164 = arith.addi %mul3A_162, %add3A_163 : i32
      %get3A_165 = arith.index_cast %add3A_164 : i32 to index
      %get3A_166 = memref.load %arg6[%get3A_165] : memref<512xi32, #tpu.memory_space<smem>>
      %dma_start3A_167 = arith.constant 0 : i32
      %dma_start3A_168 = tpu.memref_slice %arg7[%add3A_164, %dma_start3A_167] : memref<512x20xf32, #tpu.memory_space<vmem>> -> memref<1x20xf32, #tpu.memory_space<vmem>>
      %dma_start3A_169 = arith.constant 0 : i32
      %dma_start3A_170 = tpu.memref_slice %arg3[%get3A_166, %dma_start3A_169] : memref<1000000x20xf32, #tpu.memory_space<hbm>> -> memref<1x20xf32, #tpu.memory_space<hbm>>
      %dma_start3A_171 = arith.constant 0 : i32
      %dma_start3A_172 = tpu.memref_slice %arg7[%add3A_164, %dma_start3A_171] : memref<512x20xf32, #tpu.memory_space<vmem>> -> memref<1x20xf32, #tpu.memory_space<vmem>>
      %dma_start3A_173 = arith.constant 0 : i32
      %dma_start3A_174 = tpu.memref_slice %arg3[%get3A_166, %dma_start3A_173] : memref<1000000x20xf32, #tpu.memory_space<hbm>> -> memref<1x20xf32, #tpu.memory_space<hbm>>
      tpu.enqueue_dma source(%dma_start3A_174 : memref<1x20xf32, #tpu.memory_space<hbm>>) target(%dma_start3A_172 : memref<1x20xf32, #tpu.memory_space<vmem>>) target_semaphore(%arg8 : memref<!tpu.dma_semaphore, #tpu.memory_space<semaphore_mem>>)
      %mul3A_175 = arith.constant 32 : i32
      %mul3A_176 = arith.muli %scan3A_8, %mul3A_175 : i32
      %add3A_177 = arith.constant 12 : i32
      %add3A_178 = arith.addi %mul3A_176, %add3A_177 : i32
      %get3A_179 = arith.index_cast %add3A_178 : i32 to index
      %get3A_180 = memref.load %arg6[%get3A_179] : memref<512xi32, #tpu.memory_space<smem>>
      %dma_start3A_181 = arith.constant 0 : i32
      %dma_start3A_182 = tpu.memref_slice %arg7[%add3A_178, %dma_start3A_181] : memref<512x20xf32, #tpu.memory_space<vmem>> -> memref<1x20xf32, #tpu.memory_space<vmem>>
      %dma_start3A_183 = arith.constant 0 : i32
      %dma_start3A_184 = tpu.memref_slice %arg3[%get3A_180, %dma_start3A_183] : memref<1000000x20xf32, #tpu.memory_space<hbm>> -> memref<1x20xf32, #tpu.memory_space<hbm>>
      %dma_start3A_185 = arith.constant 0 : i32
      %dma_start3A_186 = tpu.memref_slice %arg7[%add3A_178, %dma_start3A_185] : memref<512x20xf32, #tpu.memory_space<vmem>> -> memref<1x20xf32, #tpu.memory_space<vmem>>
      %dma_start3A_187 = arith.constant 0 : i32
      %dma_start3A_188 = tpu.memref_slice %arg3[%get3A_180, %dma_start3A_187] : memref<1000000x20xf32, #tpu.memory_space<hbm>> -> memref<1x20xf32, #tpu.memory_space<hbm>>
      tpu.enqueue_dma source(%dma_start3A_188 : memref<1x20xf32, #tpu.memory_space<hbm>>) target(%dma_start3A_186 : memref<1x20xf32, #tpu.memory_space<vmem>>) target_semaphore(%arg8 : memref<!tpu.dma_semaphore, #tpu.memory_space<semaphore_mem>>)
      %mul3A_189 = arith.constant 32 : i32
      %mul3A_190 = arith.muli %scan3A_8, %mul3A_189 : i32
      %add3A_191 = arith.constant 13 : i32
      %add3A_192 = arith.addi %mul3A_190, %add3A_191 : i32
      %get3A_193 = arith.index_cast %add3A_192 : i32 to index
      %get3A_194 = memref.load %arg6[%get3A_193] : memref<512xi32, #tpu.memory_space<smem>>
      %dma_start3A_195 = arith.constant 0 : i32
      %dma_start3A_196 = tpu.memref_slice %arg7[%add3A_192, %dma_start3A_195] : memref<512x20xf32, #tpu.memory_space<vmem>> -> memref<1x20xf32, #tpu.memory_space<vmem>>
      %dma_start3A_197 = arith.constant 0 : i32
      %dma_start3A_198 = tpu.memref_slice %arg3[%get3A_194, %dma_start3A_197] : memref<1000000x20xf32, #tpu.memory_space<hbm>> -> memref<1x20xf32, #tpu.memory_space<hbm>>
      %dma_start3A_199 = arith.constant 0 : i32
      %dma_start3A_200 = tpu.memref_slice %arg7[%add3A_192, %dma_start3A_199] : memref<512x20xf32, #tpu.memory_space<vmem>> -> memref<1x20xf32, #tpu.memory_space<vmem>>
      %dma_start3A_201 = arith.constant 0 : i32
      %dma_start3A_202 = tpu.memref_slice %arg3[%get3A_194, %dma_start3A_201] : memref<1000000x20xf32, #tpu.memory_space<hbm>> -> memref<1x20xf32, #tpu.memory_space<hbm>>
      tpu.enqueue_dma source(%dma_start3A_202 : memref<1x20xf32, #tpu.memory_space<hbm>>) target(%dma_start3A_200 : memref<1x20xf32, #tpu.memory_space<vmem>>) target_semaphore(%arg8 : memref<!tpu.dma_semaphore, #tpu.memory_space<semaphore_mem>>)
      %mul3A_203 = arith.constant 32 : i32
      %mul3A_204 = arith.muli %scan3A_8, %mul3A_203 : i32
      %add3A_205 = arith.constant 14 : i32
      %add3A_206 = arith.addi %mul3A_204, %add3A_205 : i32
      %get3A_207 = arith.index_cast %add3A_206 : i32 to index
      %get3A_208 = memref.load %arg6[%get3A_207] : memref<512xi32, #tpu.memory_space<smem>>
      %dma_start3A_209 = arith.constant 0 : i32
      %dma_start3A_210 = tpu.memref_slice %arg7[%add3A_206, %dma_start3A_209] : memref<512x20xf32, #tpu.memory_space<vmem>> -> memref<1x20xf32, #tpu.memory_space<vmem>>
      %dma_start3A_211 = arith.constant 0 : i32
      %dma_start3A_212 = tpu.memref_slice %arg3[%get3A_208, %dma_start3A_211] : memref<1000000x20xf32, #tpu.memory_space<hbm>> -> memref<1x20xf32, #tpu.memory_space<hbm>>
      %dma_start3A_213 = arith.constant 0 : i32
      %dma_start3A_214 = tpu.memref_slice %arg7[%add3A_206, %dma_start3A_213] : memref<512x20xf32, #tpu.memory_space<vmem>> -> memref<1x20xf32, #tpu.memory_space<vmem>>
      %dma_start3A_215 = arith.constant 0 : i32
      %dma_start3A_216 = tpu.memref_slice %arg3[%get3A_208, %dma_start3A_215] : memref<1000000x20xf32, #tpu.memory_space<hbm>> -> memref<1x20xf32, #tpu.memory_space<hbm>>
      tpu.enqueue_dma source(%dma_start3A_216 : memref<1x20xf32, #tpu.memory_space<hbm>>) target(%dma_start3A_214 : memref<1x20xf32, #tpu.memory_space<vmem>>) target_semaphore(%arg8 : memref<!tpu.dma_semaphore, #tpu.memory_space<semaphore_mem>>)
      %mul3A_217 = arith.constant 32 : i32
      %mul3A_218 = arith.muli %scan3A_8, %mul3A_217 : i32
      %add3A_219 = arith.constant 15 : i32
      %add3A_220 = arith.addi %mul3A_218, %add3A_219 : i32
      %get3A_221 = arith.index_cast %add3A_220 : i32 to index
      %get3A_222 = memref.load %arg6[%get3A_221] : memref<512xi32, #tpu.memory_space<smem>>
      %dma_start3A_223 = arith.constant 0 : i32
      %dma_start3A_224 = tpu.memref_slice %arg7[%add3A_220, %dma_start3A_223] : memref<512x20xf32, #tpu.memory_space<vmem>> -> memref<1x20xf32, #tpu.memory_space<vmem>>
      %dma_start3A_225 = arith.constant 0 : i32
      %dma_start3A_226 = tpu.memref_slice %arg3[%get3A_222, %dma_start3A_225] : memref<1000000x20xf32, #tpu.memory_space<hbm>> -> memref<1x20xf32, #tpu.memory_space<hbm>>
      %dma_start3A_227 = arith.constant 0 : i32
      %dma_start3A_228 = tpu.memref_slice %arg7[%add3A_220, %dma_start3A_227] : memref<512x20xf32, #tpu.memory_space<vmem>> -> memref<1x20xf32, #tpu.memory_space<vmem>>
      %dma_start3A_229 = arith.constant 0 : i32
      %dma_start3A_230 = tpu.memref_slice %arg3[%get3A_222, %dma_start3A_229] : memref<1000000x20xf32, #tpu.memory_space<hbm>> -> memref<1x20xf32, #tpu.memory_space<hbm>>
      tpu.enqueue_dma source(%dma_start3A_230 : memref<1x20xf32, #tpu.memory_space<hbm>>) target(%dma_start3A_228 : memref<1x20xf32, #tpu.memory_space<vmem>>) target_semaphore(%arg8 : memref<!tpu.dma_semaphore, #tpu.memory_space<semaphore_mem>>)
      %mul3A_231 = arith.constant 32 : i32
      %mul3A_232 = arith.muli %scan3A_8, %mul3A_231 : i32
      %add3A_233 = arith.constant 16 : i32
      %add3A_234 = arith.addi %mul3A_232, %add3A_233 : i32
      %get3A_235 = arith.index_cast %add3A_234 : i32 to index
      %get3A_236 = memref.load %arg6[%get3A_235] : memref<512xi32, #tpu.memory_space<smem>>
      %dma_start3A_237 = arith.constant 0 : i32
      %dma_start3A_238 = tpu.memref_slice %arg7[%add3A_234, %dma_start3A_237] : memref<512x20xf32, #tpu.memory_space<vmem>> -> memref<1x20xf32, #tpu.memory_space<vmem>>
      %dma_start3A_239 = arith.constant 0 : i32
      %dma_start3A_240 = tpu.memref_slice %arg3[%get3A_236, %dma_start3A_239] : memref<1000000x20xf32, #tpu.memory_space<hbm>> -> memref<1x20xf32, #tpu.memory_space<hbm>>
      %dma_start3A_241 = arith.constant 0 : i32
      %dma_start3A_242 = tpu.memref_slice %arg7[%add3A_234, %dma_start3A_241] : memref<512x20xf32, #tpu.memory_space<vmem>> -> memref<1x20xf32, #tpu.memory_space<vmem>>
      %dma_start3A_243 = arith.constant 0 : i32
      %dma_start3A_244 = tpu.memref_slice %arg3[%get3A_236, %dma_start3A_243] : memref<1000000x20xf32, #tpu.memory_space<hbm>> -> memref<1x20xf32, #tpu.memory_space<hbm>>
      tpu.enqueue_dma source(%dma_start3A_244 : memref<1x20xf32, #tpu.memory_space<hbm>>) target(%dma_start3A_242 : memref<1x20xf32, #tpu.memory_space<vmem>>) target_semaphore(%arg8 : memref<!tpu.dma_semaphore, #tpu.memory_space<semaphore_mem>>)
      %mul3A_245 = arith.constant 32 : i32
      %mul3A_246 = arith.muli %scan3A_8, %mul3A_245 : i32
      %add3A_247 = arith.constant 17 : i32
      %add3A_248 = arith.addi %mul3A_246, %add3A_247 : i32
      %get3A_249 = arith.index_cast %add3A_248 : i32 to index
      %get3A_250 = memref.load %arg6[%get3A_249] : memref<512xi32, #tpu.memory_space<smem>>
      %dma_start3A_251 = arith.constant 0 : i32
      %dma_start3A_252 = tpu.memref_slice %arg7[%add3A_248, %dma_start3A_251] : memref<512x20xf32, #tpu.memory_space<vmem>> -> memref<1x20xf32, #tpu.memory_space<vmem>>
      %dma_start3A_253 = arith.constant 0 : i32
      %dma_start3A_254 = tpu.memref_slice %arg3[%get3A_250, %dma_start3A_253] : memref<1000000x20xf32, #tpu.memory_space<hbm>> -> memref<1x20xf32, #tpu.memory_space<hbm>>
      %dma_start3A_255 = arith.constant 0 : i32
      %dma_start3A_256 = tpu.memref_slice %arg7[%add3A_248, %dma_start3A_255] : memref<512x20xf32, #tpu.memory_space<vmem>> -> memref<1x20xf32, #tpu.memory_space<vmem>>
      %dma_start3A_257 = arith.constant 0 : i32
      %dma_start3A_258 = tpu.memref_slice %arg3[%get3A_250, %dma_start3A_257] : memref<1000000x20xf32, #tpu.memory_space<hbm>> -> memref<1x20xf32, #tpu.memory_space<hbm>>
      tpu.enqueue_dma source(%dma_start3A_258 : memref<1x20xf32, #tpu.memory_space<hbm>>) target(%dma_start3A_256 : memref<1x20xf32, #tpu.memory_space<vmem>>) target_semaphore(%arg8 : memref<!tpu.dma_semaphore, #tpu.memory_space<semaphore_mem>>)
      %mul3A_259 = arith.constant 32 : i32
      %mul3A_260 = arith.muli %scan3A_8, %mul3A_259 : i32
      %add3A_261 = arith.constant 18 : i32
      %add3A_262 = arith.addi %mul3A_260, %add3A_261 : i32
      %get3A_263 = arith.index_cast %add3A_262 : i32 to index
      %get3A_264 = memref.load %arg6[%get3A_263] : memref<512xi32, #tpu.memory_space<smem>>
      %dma_start3A_265 = arith.constant 0 : i32
      %dma_start3A_266 = tpu.memref_slice %arg7[%add3A_262, %dma_start3A_265] : memref<512x20xf32, #tpu.memory_space<vmem>> -> memref<1x20xf32, #tpu.memory_space<vmem>>
      %dma_start3A_267 = arith.constant 0 : i32
      %dma_start3A_268 = tpu.memref_slice %arg3[%get3A_264, %dma_start3A_267] : memref<1000000x20xf32, #tpu.memory_space<hbm>> -> memref<1x20xf32, #tpu.memory_space<hbm>>
      %dma_start3A_269 = arith.constant 0 : i32
      %dma_start3A_270 = tpu.memref_slice %arg7[%add3A_262, %dma_start3A_269] : memref<512x20xf32, #tpu.memory_space<vmem>> -> memref<1x20xf32, #tpu.memory_space<vmem>>
      %dma_start3A_271 = arith.constant 0 : i32
      %dma_start3A_272 = tpu.memref_slice %arg3[%get3A_264, %dma_start3A_271] : memref<1000000x20xf32, #tpu.memory_space<hbm>> -> memref<1x20xf32, #tpu.memory_space<hbm>>
      tpu.enqueue_dma source(%dma_start3A_272 : memref<1x20xf32, #tpu.memory_space<hbm>>) target(%dma_start3A_270 : memref<1x20xf32, #tpu.memory_space<vmem>>) target_semaphore(%arg8 : memref<!tpu.dma_semaphore, #tpu.memory_space<semaphore_mem>>)
      %mul3A_273 = arith.constant 32 : i32
      %mul3A_274 = arith.muli %scan3A_8, %mul3A_273 : i32
      %add3A_275 = arith.constant 19 : i32
      %add3A_276 = arith.addi %mul3A_274, %add3A_275 : i32
      %get3A_277 = arith.index_cast %add3A_276 : i32 to index
      %get3A_278 = memref.load %arg6[%get3A_277] : memref<512xi32, #tpu.memory_space<smem>>
      %dma_start3A_279 = arith.constant 0 : i32
      %dma_start3A_280 = tpu.memref_slice %arg7[%add3A_276, %dma_start3A_279] : memref<512x20xf32, #tpu.memory_space<vmem>> -> memref<1x20xf32, #tpu.memory_space<vmem>>
      %dma_start3A_281 = arith.constant 0 : i32
      %dma_start3A_282 = tpu.memref_slice %arg3[%get3A_278, %dma_start3A_281] : memref<1000000x20xf32, #tpu.memory_space<hbm>> -> memref<1x20xf32, #tpu.memory_space<hbm>>
      %dma_start3A_283 = arith.constant 0 : i32
      %dma_start3A_284 = tpu.memref_slice %arg7[%add3A_276, %dma_start3A_283] : memref<512x20xf32, #tpu.memory_space<vmem>> -> memref<1x20xf32, #tpu.memory_space<vmem>>
      %dma_start3A_285 = arith.constant 0 : i32
      %dma_start3A_286 = tpu.memref_slice %arg3[%get3A_278, %dma_start3A_285] : memref<1000000x20xf32, #tpu.memory_space<hbm>> -> memref<1x20xf32, #tpu.memory_space<hbm>>
      tpu.enqueue_dma source(%dma_start3A_286 : memref<1x20xf32, #tpu.memory_space<hbm>>) target(%dma_start3A_284 : memref<1x20xf32, #tpu.memory_space<vmem>>) target_semaphore(%arg8 : memref<!tpu.dma_semaphore, #tpu.memory_space<semaphore_mem>>)
      %mul3A_287 = arith.constant 32 : i32
      %mul3A_288 = arith.muli %scan3A_8, %mul3A_287 : i32
      %add3A_289 = arith.constant 20 : i32
      %add3A_290 = arith.addi %mul3A_288, %add3A_289 : i32
      %get3A_291 = arith.index_cast %add3A_290 : i32 to index
      %get3A_292 = memref.load %arg6[%get3A_291] : memref<512xi32, #tpu.memory_space<smem>>
      %dma_start3A_293 = arith.constant 0 : i32
      %dma_start3A_294 = tpu.memref_slice %arg7[%add3A_290, %dma_start3A_293] : memref<512x20xf32, #tpu.memory_space<vmem>> -> memref<1x20xf32, #tpu.memory_space<vmem>>
      %dma_start3A_295 = arith.constant 0 : i32
      %dma_start3A_296 = tpu.memref_slice %arg3[%get3A_292, %dma_start3A_295] : memref<1000000x20xf32, #tpu.memory_space<hbm>> -> memref<1x20xf32, #tpu.memory_space<hbm>>
      %dma_start3A_297 = arith.constant 0 : i32
      %dma_start3A_298 = tpu.memref_slice %arg7[%add3A_290, %dma_start3A_297] : memref<512x20xf32, #tpu.memory_space<vmem>> -> memref<1x20xf32, #tpu.memory_space<vmem>>
      %dma_start3A_299 = arith.constant 0 : i32
      %dma_start3A_300 = tpu.memref_slice %arg3[%get3A_292, %dma_start3A_299] : memref<1000000x20xf32, #tpu.memory_space<hbm>> -> memref<1x20xf32, #tpu.memory_space<hbm>>
      tpu.enqueue_dma source(%dma_start3A_300 : memref<1x20xf32, #tpu.memory_space<hbm>>) target(%dma_start3A_298 : memref<1x20xf32, #tpu.memory_space<vmem>>) target_semaphore(%arg8 : memref<!tpu.dma_semaphore, #tpu.memory_space<semaphore_mem>>)
      %mul3A_301 = arith.constant 32 : i32
      %mul3A_302 = arith.muli %scan3A_8, %mul3A_301 : i32
      %add3A_303 = arith.constant 21 : i32
      %add3A_304 = arith.addi %mul3A_302, %add3A_303 : i32
      %get3A_305 = arith.index_cast %add3A_304 : i32 to index
      %get3A_306 = memref.load %arg6[%get3A_305] : memref<512xi32, #tpu.memory_space<smem>>
      %dma_start3A_307 = arith.constant 0 : i32
      %dma_start3A_308 = tpu.memref_slice %arg7[%add3A_304, %dma_start3A_307] : memref<512x20xf32, #tpu.memory_space<vmem>> -> memref<1x20xf32, #tpu.memory_space<vmem>>
      %dma_start3A_309 = arith.constant 0 : i32
      %dma_start3A_310 = tpu.memref_slice %arg3[%get3A_306, %dma_start3A_309] : memref<1000000x20xf32, #tpu.memory_space<hbm>> -> memref<1x20xf32, #tpu.memory_space<hbm>>
      %dma_start3A_311 = arith.constant 0 : i32
      %dma_start3A_312 = tpu.memref_slice %arg7[%add3A_304, %dma_start3A_311] : memref<512x20xf32, #tpu.memory_space<vmem>> -> memref<1x20xf32, #tpu.memory_space<vmem>>
      %dma_start3A_313 = arith.constant 0 : i32
      %dma_start3A_314 = tpu.memref_slice %arg3[%get3A_306, %dma_start3A_313] : memref<1000000x20xf32, #tpu.memory_space<hbm>> -> memref<1x20xf32, #tpu.memory_space<hbm>>
      tpu.enqueue_dma source(%dma_start3A_314 : memref<1x20xf32, #tpu.memory_space<hbm>>) target(%dma_start3A_312 : memref<1x20xf32, #tpu.memory_space<vmem>>) target_semaphore(%arg8 : memref<!tpu.dma_semaphore, #tpu.memory_space<semaphore_mem>>)
      %mul3A_315 = arith.constant 32 : i32
      %mul3A_316 = arith.muli %scan3A_8, %mul3A_315 : i32
      %add3A_317 = arith.constant 22 : i32
      %add3A_318 = arith.addi %mul3A_316, %add3A_317 : i32
      %get3A_319 = arith.index_cast %add3A_318 : i32 to index
      %get3A_320 = memref.load %arg6[%get3A_319] : memref<512xi32, #tpu.memory_space<smem>>
      %dma_start3A_321 = arith.constant 0 : i32
      %dma_start3A_322 = tpu.memref_slice %arg7[%add3A_318, %dma_start3A_321] : memref<512x20xf32, #tpu.memory_space<vmem>> -> memref<1x20xf32, #tpu.memory_space<vmem>>
      %dma_start3A_323 = arith.constant 0 : i32
      %dma_start3A_324 = tpu.memref_slice %arg3[%get3A_320, %dma_start3A_323] : memref<1000000x20xf32, #tpu.memory_space<hbm>> -> memref<1x20xf32, #tpu.memory_space<hbm>>
      %dma_start3A_325 = arith.constant 0 : i32
      %dma_start3A_326 = tpu.memref_slice %arg7[%add3A_318, %dma_start3A_325] : memref<512x20xf32, #tpu.memory_space<vmem>> -> memref<1x20xf32, #tpu.memory_space<vmem>>
      %dma_start3A_327 = arith.constant 0 : i32
      %dma_start3A_328 = tpu.memref_slice %arg3[%get3A_320, %dma_start3A_327] : memref<1000000x20xf32, #tpu.memory_space<hbm>> -> memref<1x20xf32, #tpu.memory_space<hbm>>
      tpu.enqueue_dma source(%dma_start3A_328 : memref<1x20xf32, #tpu.memory_space<hbm>>) target(%dma_start3A_326 : memref<1x20xf32, #tpu.memory_space<vmem>>) target_semaphore(%arg8 : memref<!tpu.dma_semaphore, #tpu.memory_space<semaphore_mem>>)
      %mul3A_329 = arith.constant 32 : i32
      %mul3A_330 = arith.muli %scan3A_8, %mul3A_329 : i32
      %add3A_331 = arith.constant 23 : i32
      %add3A_332 = arith.addi %mul3A_330, %add3A_331 : i32
      %get3A_333 = arith.index_cast %add3A_332 : i32 to index
      %get3A_334 = memref.load %arg6[%get3A_333] : memref<512xi32, #tpu.memory_space<smem>>
      %dma_start3A_335 = arith.constant 0 : i32
      %dma_start3A_336 = tpu.memref_slice %arg7[%add3A_332, %dma_start3A_335] : memref<512x20xf32, #tpu.memory_space<vmem>> -> memref<1x20xf32, #tpu.memory_space<vmem>>
      %dma_start3A_337 = arith.constant 0 : i32
      %dma_start3A_338 = tpu.memref_slice %arg3[%get3A_334, %dma_start3A_337] : memref<1000000x20xf32, #tpu.memory_space<hbm>> -> memref<1x20xf32, #tpu.memory_space<hbm>>
      %dma_start3A_339 = arith.constant 0 : i32
      %dma_start3A_340 = tpu.memref_slice %arg7[%add3A_332, %dma_start3A_339] : memref<512x20xf32, #tpu.memory_space<vmem>> -> memref<1x20xf32, #tpu.memory_space<vmem>>
      %dma_start3A_341 = arith.constant 0 : i32
      %dma_start3A_342 = tpu.memref_slice %arg3[%get3A_334, %dma_start3A_341] : memref<1000000x20xf32, #tpu.memory_space<hbm>> -> memref<1x20xf32, #tpu.memory_space<hbm>>
      tpu.enqueue_dma source(%dma_start3A_342 : memref<1x20xf32, #tpu.memory_space<hbm>>) target(%dma_start3A_340 : memref<1x20xf32, #tpu.memory_space<vmem>>) target_semaphore(%arg8 : memref<!tpu.dma_semaphore, #tpu.memory_space<semaphore_mem>>)
      %mul3A_343 = arith.constant 32 : i32
      %mul3A_344 = arith.muli %scan3A_8, %mul3A_343 : i32
      %add3A_345 = arith.constant 24 : i32
      %add3A_346 = arith.addi %mul3A_344, %add3A_345 : i32
      %get3A_347 = arith.index_cast %add3A_346 : i32 to index
      %get3A_348 = memref.load %arg6[%get3A_347] : memref<512xi32, #tpu.memory_space<smem>>
      %dma_start3A_349 = arith.constant 0 : i32
      %dma_start3A_350 = tpu.memref_slice %arg7[%add3A_346, %dma_start3A_349] : memref<512x20xf32, #tpu.memory_space<vmem>> -> memref<1x20xf32, #tpu.memory_space<vmem>>
      %dma_start3A_351 = arith.constant 0 : i32
      %dma_start3A_352 = tpu.memref_slice %arg3[%get3A_348, %dma_start3A_351] : memref<1000000x20xf32, #tpu.memory_space<hbm>> -> memref<1x20xf32, #tpu.memory_space<hbm>>
      %dma_start3A_353 = arith.constant 0 : i32
      %dma_start3A_354 = tpu.memref_slice %arg7[%add3A_346, %dma_start3A_353] : memref<512x20xf32, #tpu.memory_space<vmem>> -> memref<1x20xf32, #tpu.memory_space<vmem>>
      %dma_start3A_355 = arith.constant 0 : i32
      %dma_start3A_356 = tpu.memref_slice %arg3[%get3A_348, %dma_start3A_355] : memref<1000000x20xf32, #tpu.memory_space<hbm>> -> memref<1x20xf32, #tpu.memory_space<hbm>>
      tpu.enqueue_dma source(%dma_start3A_356 : memref<1x20xf32, #tpu.memory_space<hbm>>) target(%dma_start3A_354 : memref<1x20xf32, #tpu.memory_space<vmem>>) target_semaphore(%arg8 : memref<!tpu.dma_semaphore, #tpu.memory_space<semaphore_mem>>)
      %mul3A_357 = arith.constant 32 : i32
      %mul3A_358 = arith.muli %scan3A_8, %mul3A_357 : i32
      %add3A_359 = arith.constant 25 : i32
      %add3A_360 = arith.addi %mul3A_358, %add3A_359 : i32
      %get3A_361 = arith.index_cast %add3A_360 : i32 to index
      %get3A_362 = memref.load %arg6[%get3A_361] : memref<512xi32, #tpu.memory_space<smem>>
      %dma_start3A_363 = arith.constant 0 : i32
      %dma_start3A_364 = tpu.memref_slice %arg7[%add3A_360, %dma_start3A_363] : memref<512x20xf32, #tpu.memory_space<vmem>> -> memref<1x20xf32, #tpu.memory_space<vmem>>
      %dma_start3A_365 = arith.constant 0 : i32
      %dma_start3A_366 = tpu.memref_slice %arg3[%get3A_362, %dma_start3A_365] : memref<1000000x20xf32, #tpu.memory_space<hbm>> -> memref<1x20xf32, #tpu.memory_space<hbm>>
      %dma_start3A_367 = arith.constant 0 : i32
      %dma_start3A_368 = tpu.memref_slice %arg7[%add3A_360, %dma_start3A_367] : memref<512x20xf32, #tpu.memory_space<vmem>> -> memref<1x20xf32, #tpu.memory_space<vmem>>
      %dma_start3A_369 = arith.constant 0 : i32
      %dma_start3A_370 = tpu.memref_slice %arg3[%get3A_362, %dma_start3A_369] : memref<1000000x20xf32, #tpu.memory_space<hbm>> -> memref<1x20xf32, #tpu.memory_space<hbm>>
      tpu.enqueue_dma source(%dma_start3A_370 : memref<1x20xf32, #tpu.memory_space<hbm>>) target(%dma_start3A_368 : memref<1x20xf32, #tpu.memory_space<vmem>>) target_semaphore(%arg8 : memref<!tpu.dma_semaphore, #tpu.memory_space<semaphore_mem>>)
      %mul3A_371 = arith.constant 32 : i32
      %mul3A_372 = arith.muli %scan3A_8, %mul3A_371 : i32
      %add3A_373 = arith.constant 26 : i32
      %add3A_374 = arith.addi %mul3A_372, %add3A_373 : i32
      %get3A_375 = arith.index_cast %add3A_374 : i32 to index
      %get3A_376 = memref.load %arg6[%get3A_375] : memref<512xi32, #tpu.memory_space<smem>>
      %dma_start3A_377 = arith.constant 0 : i32
      %dma_start3A_378 = tpu.memref_slice %arg7[%add3A_374, %dma_start3A_377] : memref<512x20xf32, #tpu.memory_space<vmem>> -> memref<1x20xf32, #tpu.memory_space<vmem>>
      %dma_start3A_379 = arith.constant 0 : i32
      %dma_start3A_380 = tpu.memref_slice %arg3[%get3A_376, %dma_start3A_379] : memref<1000000x20xf32, #tpu.memory_space<hbm>> -> memref<1x20xf32, #tpu.memory_space<hbm>>
      %dma_start3A_381 = arith.constant 0 : i32
      %dma_start3A_382 = tpu.memref_slice %arg7[%add3A_374, %dma_start3A_381] : memref<512x20xf32, #tpu.memory_space<vmem>> -> memref<1x20xf32, #tpu.memory_space<vmem>>
      %dma_start3A_383 = arith.constant 0 : i32
      %dma_start3A_384 = tpu.memref_slice %arg3[%get3A_376, %dma_start3A_383] : memref<1000000x20xf32, #tpu.memory_space<hbm>> -> memref<1x20xf32, #tpu.memory_space<hbm>>
      tpu.enqueue_dma source(%dma_start3A_384 : memref<1x20xf32, #tpu.memory_space<hbm>>) target(%dma_start3A_382 : memref<1x20xf32, #tpu.memory_space<vmem>>) target_semaphore(%arg8 : memref<!tpu.dma_semaphore, #tpu.memory_space<semaphore_mem>>)
      %mul3A_385 = arith.constant 32 : i32
      %mul3A_386 = arith.muli %scan3A_8, %mul3A_385 : i32
      %add3A_387 = arith.constant 27 : i32
      %add3A_388 = arith.addi %mul3A_386, %add3A_387 : i32
      %get3A_389 = arith.index_cast %add3A_388 : i32 to index
      %get3A_390 = memref.load %arg6[%get3A_389] : memref<512xi32, #tpu.memory_space<smem>>
      %dma_start3A_391 = arith.constant 0 : i32
      %dma_start3A_392 = tpu.memref_slice %arg7[%add3A_388, %dma_start3A_391] : memref<512x20xf32, #tpu.memory_space<vmem>> -> memref<1x20xf32, #tpu.memory_space<vmem>>
      %dma_start3A_393 = arith.constant 0 : i32
      %dma_start3A_394 = tpu.memref_slice %arg3[%get3A_390, %dma_start3A_393] : memref<1000000x20xf32, #tpu.memory_space<hbm>> -> memref<1x20xf32, #tpu.memory_space<hbm>>
      %dma_start3A_395 = arith.constant 0 : i32
      %dma_start3A_396 = tpu.memref_slice %arg7[%add3A_388, %dma_start3A_395] : memref<512x20xf32, #tpu.memory_space<vmem>> -> memref<1x20xf32, #tpu.memory_space<vmem>>
      %dma_start3A_397 = arith.constant 0 : i32
      %dma_start3A_398 = tpu.memref_slice %arg3[%get3A_390, %dma_start3A_397] : memref<1000000x20xf32, #tpu.memory_space<hbm>> -> memref<1x20xf32, #tpu.memory_space<hbm>>
      tpu.enqueue_dma source(%dma_start3A_398 : memref<1x20xf32, #tpu.memory_space<hbm>>) target(%dma_start3A_396 : memref<1x20xf32, #tpu.memory_space<vmem>>) target_semaphore(%arg8 : memref<!tpu.dma_semaphore, #tpu.memory_space<semaphore_mem>>)
      %mul3A_399 = arith.constant 32 : i32
      %mul3A_400 = arith.muli %scan3A_8, %mul3A_399 : i32
      %add3A_401 = arith.constant 28 : i32
      %add3A_402 = arith.addi %mul3A_400, %add3A_401 : i32
      %get3A_403 = arith.index_cast %add3A_402 : i32 to index
      %get3A_404 = memref.load %arg6[%get3A_403] : memref<512xi32, #tpu.memory_space<smem>>
      %dma_start3A_405 = arith.constant 0 : i32
      %dma_start3A_406 = tpu.memref_slice %arg7[%add3A_402, %dma_start3A_405] : memref<512x20xf32, #tpu.memory_space<vmem>> -> memref<1x20xf32, #tpu.memory_space<vmem>>
      %dma_start3A_407 = arith.constant 0 : i32
      %dma_start3A_408 = tpu.memref_slice %arg3[%get3A_404, %dma_start3A_407] : memref<1000000x20xf32, #tpu.memory_space<hbm>> -> memref<1x20xf32, #tpu.memory_space<hbm>>
      %dma_start3A_409 = arith.constant 0 : i32
      %dma_start3A_410 = tpu.memref_slice %arg7[%add3A_402, %dma_start3A_409] : memref<512x20xf32, #tpu.memory_space<vmem>> -> memref<1x20xf32, #tpu.memory_space<vmem>>
      %dma_start3A_411 = arith.constant 0 : i32
      %dma_start3A_412 = tpu.memref_slice %arg3[%get3A_404, %dma_start3A_411] : memref<1000000x20xf32, #tpu.memory_space<hbm>> -> memref<1x20xf32, #tpu.memory_space<hbm>>
      tpu.enqueue_dma source(%dma_start3A_412 : memref<1x20xf32, #tpu.memory_space<hbm>>) target(%dma_start3A_410 : memref<1x20xf32, #tpu.memory_space<vmem>>) target_semaphore(%arg8 : memref<!tpu.dma_semaphore, #tpu.memory_space<semaphore_mem>>)
      %mul3A_413 = arith.constant 32 : i32
      %mul3A_414 = arith.muli %scan3A_8, %mul3A_413 : i32
      %add3A_415 = arith.constant 29 : i32
      %add3A_416 = arith.addi %mul3A_414, %add3A_415 : i32
      %get3A_417 = arith.index_cast %add3A_416 : i32 to index
      %get3A_418 = memref.load %arg6[%get3A_417] : memref<512xi32, #tpu.memory_space<smem>>
      %dma_start3A_419 = arith.constant 0 : i32
      %dma_start3A_420 = tpu.memref_slice %arg7[%add3A_416, %dma_start3A_419] : memref<512x20xf32, #tpu.memory_space<vmem>> -> memref<1x20xf32, #tpu.memory_space<vmem>>
      %dma_start3A_421 = arith.constant 0 : i32
      %dma_start3A_422 = tpu.memref_slice %arg3[%get3A_418, %dma_start3A_421] : memref<1000000x20xf32, #tpu.memory_space<hbm>> -> memref<1x20xf32, #tpu.memory_space<hbm>>
      %dma_start3A_423 = arith.constant 0 : i32
      %dma_start3A_424 = tpu.memref_slice %arg7[%add3A_416, %dma_start3A_423] : memref<512x20xf32, #tpu.memory_space<vmem>> -> memref<1x20xf32, #tpu.memory_space<vmem>>
      %dma_start3A_425 = arith.constant 0 : i32
      %dma_start3A_426 = tpu.memref_slice %arg3[%get3A_418, %dma_start3A_425] : memref<1000000x20xf32, #tpu.memory_space<hbm>> -> memref<1x20xf32, #tpu.memory_space<hbm>>
      tpu.enqueue_dma source(%dma_start3A_426 : memref<1x20xf32, #tpu.memory_space<hbm>>) target(%dma_start3A_424 : memref<1x20xf32, #tpu.memory_space<vmem>>) target_semaphore(%arg8 : memref<!tpu.dma_semaphore, #tpu.memory_space<semaphore_mem>>)
      %mul3A_427 = arith.constant 32 : i32
      %mul3A_428 = arith.muli %scan3A_8, %mul3A_427 : i32
      %add3A_429 = arith.constant 30 : i32
      %add3A_430 = arith.addi %mul3A_428, %add3A_429 : i32
      %get3A_431 = arith.index_cast %add3A_430 : i32 to index
      %get3A_432 = memref.load %arg6[%get3A_431] : memref<512xi32, #tpu.memory_space<smem>>
      %dma_start3A_433 = arith.constant 0 : i32
      %dma_start3A_434 = tpu.memref_slice %arg7[%add3A_430, %dma_start3A_433] : memref<512x20xf32, #tpu.memory_space<vmem>> -> memref<1x20xf32, #tpu.memory_space<vmem>>
      %dma_start3A_435 = arith.constant 0 : i32
      %dma_start3A_436 = tpu.memref_slice %arg3[%get3A_432, %dma_start3A_435] : memref<1000000x20xf32, #tpu.memory_space<hbm>> -> memref<1x20xf32, #tpu.memory_space<hbm>>
      %dma_start3A_437 = arith.constant 0 : i32
      %dma_start3A_438 = tpu.memref_slice %arg7[%add3A_430, %dma_start3A_437] : memref<512x20xf32, #tpu.memory_space<vmem>> -> memref<1x20xf32, #tpu.memory_space<vmem>>
      %dma_start3A_439 = arith.constant 0 : i32
      %dma_start3A_440 = tpu.memref_slice %arg3[%get3A_432, %dma_start3A_439] : memref<1000000x20xf32, #tpu.memory_space<hbm>> -> memref<1x20xf32, #tpu.memory_space<hbm>>
      tpu.enqueue_dma source(%dma_start3A_440 : memref<1x20xf32, #tpu.memory_space<hbm>>) target(%dma_start3A_438 : memref<1x20xf32, #tpu.memory_space<vmem>>) target_semaphore(%arg8 : memref<!tpu.dma_semaphore, #tpu.memory_space<semaphore_mem>>)
      %mul3A_441 = arith.constant 32 : i32
      %mul3A_442 = arith.muli %scan3A_8, %mul3A_441 : i32
      %add3A_443 = arith.constant 31 : i32
      %add3A_444 = arith.addi %mul3A_442, %add3A_443 : i32
      %get3A_445 = arith.index_cast %add3A_444 : i32 to index
      %get3A_446 = memref.load %arg6[%get3A_445] : memref<512xi32, #tpu.memory_space<smem>>
      %dma_start3A_447 = arith.constant 0 : i32
      %dma_start3A_448 = tpu.memref_slice %arg7[%add3A_444, %dma_start3A_447] : memref<512x20xf32, #tpu.memory_space<vmem>> -> memref<1x20xf32, #tpu.memory_space<vmem>>
      %dma_start3A_449 = arith.constant 0 : i32
      %dma_start3A_450 = tpu.memref_slice %arg3[%get3A_446, %dma_start3A_449] : memref<1000000x20xf32, #tpu.memory_space<hbm>> -> memref<1x20xf32, #tpu.memory_space<hbm>>
      %dma_start3A_451 = arith.constant 0 : i32
      %dma_start3A_452 = tpu.memref_slice %arg7[%add3A_444, %dma_start3A_451] : memref<512x20xf32, #tpu.memory_space<vmem>> -> memref<1x20xf32, #tpu.memory_space<vmem>>
      %dma_start3A_453 = arith.constant 0 : i32
      %dma_start3A_454 = tpu.memref_slice %arg3[%get3A_446, %dma_start3A_453] : memref<1000000x20xf32, #tpu.memory_space<hbm>> -> memref<1x20xf32, #tpu.memory_space<hbm>>
      tpu.enqueue_dma source(%dma_start3A_454 : memref<1x20xf32, #tpu.memory_space<hbm>>) target(%dma_start3A_452 : memref<1x20xf32, #tpu.memory_space<vmem>>) target_semaphore(%arg8 : memref<!tpu.dma_semaphore, #tpu.memory_space<semaphore_mem>>)
      %dma_wait3A = arith.constant 0 : i32
      %dma_wait3A_455 = tpu.memref_slice %arg7[%add3A_12, %dma_wait3A] : memref<512x20xf32, #tpu.memory_space<vmem>> -> memref<1x20xf32, #tpu.memory_space<vmem>>
      %dma_wait3A_456 = arith.constant 0 : i32
      %dma_wait3A_457 = tpu.memref_slice %arg3[%get3A_13, %dma_wait3A_456] : memref<1000000x20xf32, #tpu.memory_space<hbm>> -> memref<1x20xf32, #tpu.memory_space<hbm>>
      %dma_wait3A_458 = arith.constant 0 : i32
      %dma_wait3A_459 = tpu.memref_slice %arg7[%add3A_12, %dma_wait3A_458] : memref<512x20xf32, #tpu.memory_space<vmem>> -> memref<1x20xf32, #tpu.memory_space<vmem>>
      %dma_wait3A_460 = arith.constant 0 : i32
      %dma_wait3A_461 = tpu.memref_slice %arg3[%get3A_13, %dma_wait3A_460] : memref<1000000x20xf32, #tpu.memory_space<hbm>> -> memref<1x20xf32, #tpu.memory_space<hbm>>
      tpu.wait_dma2 semaphore(%arg8 : memref<!tpu.dma_semaphore, #tpu.memory_space<semaphore_mem>>) src(%dma_wait3A_461 : memref<1x20xf32, #tpu.memory_space<hbm>>) dst(%dma_wait3A_459 : memref<1x20xf32, #tpu.memory_space<vmem>>)
      %dma_wait3A_462 = arith.constant 0 : i32
      %dma_wait3A_463 = tpu.memref_slice %arg7[%add3A_24, %dma_wait3A_462] : memref<512x20xf32, #tpu.memory_space<vmem>> -> memref<1x20xf32, #tpu.memory_space<vmem>>
      %dma_wait3A_464 = arith.constant 0 : i32
      %dma_wait3A_465 = tpu.memref_slice %arg3[%get3A_26, %dma_wait3A_464] : memref<1000000x20xf32, #tpu.memory_space<hbm>> -> memref<1x20xf32, #tpu.memory_space<hbm>>
      %dma_wait3A_466 = arith.constant 0 : i32
      %dma_wait3A_467 = tpu.memref_slice %arg7[%add3A_24, %dma_wait3A_466] : memref<512x20xf32, #tpu.memory_space<vmem>> -> memref<1x20xf32, #tpu.memory_space<vmem>>
      %dma_wait3A_468 = arith.constant 0 : i32
      %dma_wait3A_469 = tpu.memref_slice %arg3[%get3A_26, %dma_wait3A_468] : memref<1000000x20xf32, #tpu.memory_space<hbm>> -> memref<1x20xf32, #tpu.memory_space<hbm>>
      tpu.wait_dma2 semaphore(%arg8 : memref<!tpu.dma_semaphore, #tpu.memory_space<semaphore_mem>>) src(%dma_wait3A_469 : memref<1x20xf32, #tpu.memory_space<hbm>>) dst(%dma_wait3A_467 : memref<1x20xf32, #tpu.memory_space<vmem>>)
      %dma_wait3A_470 = arith.constant 0 : i32
      %dma_wait3A_471 = tpu.memref_slice %arg7[%add3A_38, %dma_wait3A_470] : memref<512x20xf32, #tpu.memory_space<vmem>> -> memref<1x20xf32, #tpu.memory_space<vmem>>
      %dma_wait3A_472 = arith.constant 0 : i32
      %dma_wait3A_473 = tpu.memref_slice %arg3[%get3A_40, %dma_wait3A_472] : memref<1000000x20xf32, #tpu.memory_space<hbm>> -> memref<1x20xf32, #tpu.memory_space<hbm>>
      %dma_wait3A_474 = arith.constant 0 : i32
      %dma_wait3A_475 = tpu.memref_slice %arg7[%add3A_38, %dma_wait3A_474] : memref<512x20xf32, #tpu.memory_space<vmem>> -> memref<1x20xf32, #tpu.memory_space<vmem>>
      %dma_wait3A_476 = arith.constant 0 : i32
      %dma_wait3A_477 = tpu.memref_slice %arg3[%get3A_40, %dma_wait3A_476] : memref<1000000x20xf32, #tpu.memory_space<hbm>> -> memref<1x20xf32, #tpu.memory_space<hbm>>
      tpu.wait_dma2 semaphore(%arg8 : memref<!tpu.dma_semaphore, #tpu.memory_space<semaphore_mem>>) src(%dma_wait3A_477 : memref<1x20xf32, #tpu.memory_space<hbm>>) dst(%dma_wait3A_475 : memref<1x20xf32, #tpu.memory_space<vmem>>)
      %dma_wait3A_478 = arith.constant 0 : i32
      %dma_wait3A_479 = tpu.memref_slice %arg7[%add3A_52, %dma_wait3A_478] : memref<512x20xf32, #tpu.memory_space<vmem>> -> memref<1x20xf32, #tpu.memory_space<vmem>>
      %dma_wait3A_480 = arith.constant 0 : i32
      %dma_wait3A_481 = tpu.memref_slice %arg3[%get3A_54, %dma_wait3A_480] : memref<1000000x20xf32, #tpu.memory_space<hbm>> -> memref<1x20xf32, #tpu.memory_space<hbm>>
      %dma_wait3A_482 = arith.constant 0 : i32
      %dma_wait3A_483 = tpu.memref_slice %arg7[%add3A_52, %dma_wait3A_482] : memref<512x20xf32, #tpu.memory_space<vmem>> -> memref<1x20xf32, #tpu.memory_space<vmem>>
      %dma_wait3A_484 = arith.constant 0 : i32
      %dma_wait3A_485 = tpu.memref_slice %arg3[%get3A_54, %dma_wait3A_484] : memref<1000000x20xf32, #tpu.memory_space<hbm>> -> memref<1x20xf32, #tpu.memory_space<hbm>>
      tpu.wait_dma2 semaphore(%arg8 : memref<!tpu.dma_semaphore, #tpu.memory_space<semaphore_mem>>) src(%dma_wait3A_485 : memref<1x20xf32, #tpu.memory_space<hbm>>) dst(%dma_wait3A_483 : memref<1x20xf32, #tpu.memory_space<vmem>>)
      %dma_wait3A_486 = arith.constant 0 : i32
      %dma_wait3A_487 = tpu.memref_slice %arg7[%add3A_66, %dma_wait3A_486] : memref<512x20xf32, #tpu.memory_space<vmem>> -> memref<1x20xf32, #tpu.memory_space<vmem>>
      %dma_wait3A_488 = arith.constant 0 : i32
      %dma_wait3A_489 = tpu.memref_slice %arg3[%get3A_68, %dma_wait3A_488] : memref<1000000x20xf32, #tpu.memory_space<hbm>> -> memref<1x20xf32, #tpu.memory_space<hbm>>
      %dma_wait3A_490 = arith.constant 0 : i32
      %dma_wait3A_491 = tpu.memref_slice %arg7[%add3A_66, %dma_wait3A_490] : memref<512x20xf32, #tpu.memory_space<vmem>> -> memref<1x20xf32, #tpu.memory_space<vmem>>
      %dma_wait3A_492 = arith.constant 0 : i32
      %dma_wait3A_493 = tpu.memref_slice %arg3[%get3A_68, %dma_wait3A_492] : memref<1000000x20xf32, #tpu.memory_space<hbm>> -> memref<1x20xf32, #tpu.memory_space<hbm>>
      tpu.wait_dma2 semaphore(%arg8 : memref<!tpu.dma_semaphore, #tpu.memory_space<semaphore_mem>>) src(%dma_wait3A_493 : memref<1x20xf32, #tpu.memory_space<hbm>>) dst(%dma_wait3A_491 : memref<1x20xf32, #tpu.memory_space<vmem>>)
      %dma_wait3A_494 = arith.constant 0 : i32
      %dma_wait3A_495 = tpu.memref_slice %arg7[%add3A_80, %dma_wait3A_494] : memref<512x20xf32, #tpu.memory_space<vmem>> -> memref<1x20xf32, #tpu.memory_space<vmem>>
      %dma_wait3A_496 = arith.constant 0 : i32
      %dma_wait3A_497 = tpu.memref_slice %arg3[%get3A_82, %dma_wait3A_496] : memref<1000000x20xf32, #tpu.memory_space<hbm>> -> memref<1x20xf32, #tpu.memory_space<hbm>>
      %dma_wait3A_498 = arith.constant 0 : i32
      %dma_wait3A_499 = tpu.memref_slice %arg7[%add3A_80, %dma_wait3A_498] : memref<512x20xf32, #tpu.memory_space<vmem>> -> memref<1x20xf32, #tpu.memory_space<vmem>>
      %dma_wait3A_500 = arith.constant 0 : i32
      %dma_wait3A_501 = tpu.memref_slice %arg3[%get3A_82, %dma_wait3A_500] : memref<1000000x20xf32, #tpu.memory_space<hbm>> -> memref<1x20xf32, #tpu.memory_space<hbm>>
      tpu.wait_dma2 semaphore(%arg8 : memref<!tpu.dma_semaphore, #tpu.memory_space<semaphore_mem>>) src(%dma_wait3A_501 : memref<1x20xf32, #tpu.memory_space<hbm>>) dst(%dma_wait3A_499 : memref<1x20xf32, #tpu.memory_space<vmem>>)
      %dma_wait3A_502 = arith.constant 0 : i32
      %dma_wait3A_503 = tpu.memref_slice %arg7[%add3A_94, %dma_wait3A_502] : memref<512x20xf32, #tpu.memory_space<vmem>> -> memref<1x20xf32, #tpu.memory_space<vmem>>
      %dma_wait3A_504 = arith.constant 0 : i32
      %dma_wait3A_505 = tpu.memref_slice %arg3[%get3A_96, %dma_wait3A_504] : memref<1000000x20xf32, #tpu.memory_space<hbm>> -> memref<1x20xf32, #tpu.memory_space<hbm>>
      %dma_wait3A_506 = arith.constant 0 : i32
      %dma_wait3A_507 = tpu.memref_slice %arg7[%add3A_94, %dma_wait3A_506] : memref<512x20xf32, #tpu.memory_space<vmem>> -> memref<1x20xf32, #tpu.memory_space<vmem>>
      %dma_wait3A_508 = arith.constant 0 : i32
      %dma_wait3A_509 = tpu.memref_slice %arg3[%get3A_96, %dma_wait3A_508] : memref<1000000x20xf32, #tpu.memory_space<hbm>> -> memref<1x20xf32, #tpu.memory_space<hbm>>
      tpu.wait_dma2 semaphore(%arg8 : memref<!tpu.dma_semaphore, #tpu.memory_space<semaphore_mem>>) src(%dma_wait3A_509 : memref<1x20xf32, #tpu.memory_space<hbm>>) dst(%dma_wait3A_507 : memref<1x20xf32, #tpu.memory_space<vmem>>)
      %dma_wait3A_510 = arith.constant 0 : i32
      %dma_wait3A_511 = tpu.memref_slice %arg7[%add3A_108, %dma_wait3A_510] : memref<512x20xf32, #tpu.memory_space<vmem>> -> memref<1x20xf32, #tpu.memory_space<vmem>>
      %dma_wait3A_512 = arith.constant 0 : i32
      %dma_wait3A_513 = tpu.memref_slice %arg3[%get3A_110, %dma_wait3A_512] : memref<1000000x20xf32, #tpu.memory_space<hbm>> -> memref<1x20xf32, #tpu.memory_space<hbm>>
      %dma_wait3A_514 = arith.constant 0 : i32
      %dma_wait3A_515 = tpu.memref_slice %arg7[%add3A_108, %dma_wait3A_514] : memref<512x20xf32, #tpu.memory_space<vmem>> -> memref<1x20xf32, #tpu.memory_space<vmem>>
      %dma_wait3A_516 = arith.constant 0 : i32
      %dma_wait3A_517 = tpu.memref_slice %arg3[%get3A_110, %dma_wait3A_516] : memref<1000000x20xf32, #tpu.memory_space<hbm>> -> memref<1x20xf32, #tpu.memory_space<hbm>>
      tpu.wait_dma2 semaphore(%arg8 : memref<!tpu.dma_semaphore, #tpu.memory_space<semaphore_mem>>) src(%dma_wait3A_517 : memref<1x20xf32, #tpu.memory_space<hbm>>) dst(%dma_wait3A_515 : memref<1x20xf32, #tpu.memory_space<vmem>>)
      %dma_wait3A_518 = arith.constant 0 : i32
      %dma_wait3A_519 = tpu.memref_slice %arg7[%add3A_122, %dma_wait3A_518] : memref<512x20xf32, #tpu.memory_space<vmem>> -> memref<1x20xf32, #tpu.memory_space<vmem>>
      %dma_wait3A_520 = arith.constant 0 : i32
      %dma_wait3A_521 = tpu.memref_slice %arg3[%get3A_124, %dma_wait3A_520] : memref<1000000x20xf32, #tpu.memory_space<hbm>> -> memref<1x20xf32, #tpu.memory_space<hbm>>
      %dma_wait3A_522 = arith.constant 0 : i32
      %dma_wait3A_523 = tpu.memref_slice %arg7[%add3A_122, %dma_wait3A_522] : memref<512x20xf32, #tpu.memory_space<vmem>> -> memref<1x20xf32, #tpu.memory_space<vmem>>
      %dma_wait3A_524 = arith.constant 0 : i32
      %dma_wait3A_525 = tpu.memref_slice %arg3[%get3A_124, %dma_wait3A_524] : memref<1000000x20xf32, #tpu.memory_space<hbm>> -> memref<1x20xf32, #tpu.memory_space<hbm>>
      tpu.wait_dma2 semaphore(%arg8 : memref<!tpu.dma_semaphore, #tpu.memory_space<semaphore_mem>>) src(%dma_wait3A_525 : memref<1x20xf32, #tpu.memory_space<hbm>>) dst(%dma_wait3A_523 : memref<1x20xf32, #tpu.memory_space<vmem>>)
      %dma_wait3A_526 = arith.constant 0 : i32
      %dma_wait3A_527 = tpu.memref_slice %arg7[%add3A_136, %dma_wait3A_526] : memref<512x20xf32, #tpu.memory_space<vmem>> -> memref<1x20xf32, #tpu.memory_space<vmem>>
      %dma_wait3A_528 = arith.constant 0 : i32
      %dma_wait3A_529 = tpu.memref_slice %arg3[%get3A_138, %dma_wait3A_528] : memref<1000000x20xf32, #tpu.memory_space<hbm>> -> memref<1x20xf32, #tpu.memory_space<hbm>>
      %dma_wait3A_530 = arith.constant 0 : i32
      %dma_wait3A_531 = tpu.memref_slice %arg7[%add3A_136, %dma_wait3A_530] : memref<512x20xf32, #tpu.memory_space<vmem>> -> memref<1x20xf32, #tpu.memory_space<vmem>>
      %dma_wait3A_532 = arith.constant 0 : i32
      %dma_wait3A_533 = tpu.memref_slice %arg3[%get3A_138, %dma_wait3A_532] : memref<1000000x20xf32, #tpu.memory_space<hbm>> -> memref<1x20xf32, #tpu.memory_space<hbm>>
      tpu.wait_dma2 semaphore(%arg8 : memref<!tpu.dma_semaphore, #tpu.memory_space<semaphore_mem>>) src(%dma_wait3A_533 : memref<1x20xf32, #tpu.memory_space<hbm>>) dst(%dma_wait3A_531 : memref<1x20xf32, #tpu.memory_space<vmem>>)
      %dma_wait3A_534 = arith.constant 0 : i32
      %dma_wait3A_535 = tpu.memref_slice %arg7[%add3A_150, %dma_wait3A_534] : memref<512x20xf32, #tpu.memory_space<vmem>> -> memref<1x20xf32, #tpu.memory_space<vmem>>
      %dma_wait3A_536 = arith.constant 0 : i32
      %dma_wait3A_537 = tpu.memref_slice %arg3[%get3A_152, %dma_wait3A_536] : memref<1000000x20xf32, #tpu.memory_space<hbm>> -> memref<1x20xf32, #tpu.memory_space<hbm>>
      %dma_wait3A_538 = arith.constant 0 : i32
      %dma_wait3A_539 = tpu.memref_slice %arg7[%add3A_150, %dma_wait3A_538] : memref<512x20xf32, #tpu.memory_space<vmem>> -> memref<1x20xf32, #tpu.memory_space<vmem>>
      %dma_wait3A_540 = arith.constant 0 : i32
      %dma_wait3A_541 = tpu.memref_slice %arg3[%get3A_152, %dma_wait3A_540] : memref<1000000x20xf32, #tpu.memory_space<hbm>> -> memref<1x20xf32, #tpu.memory_space<hbm>>
      tpu.wait_dma2 semaphore(%arg8 : memref<!tpu.dma_semaphore, #tpu.memory_space<semaphore_mem>>) src(%dma_wait3A_541 : memref<1x20xf32, #tpu.memory_space<hbm>>) dst(%dma_wait3A_539 : memref<1x20xf32, #tpu.memory_space<vmem>>)
      %dma_wait3A_542 = arith.constant 0 : i32
      %dma_wait3A_543 = tpu.memref_slice %arg7[%add3A_164, %dma_wait3A_542] : memref<512x20xf32, #tpu.memory_space<vmem>> -> memref<1x20xf32, #tpu.memory_space<vmem>>
      %dma_wait3A_544 = arith.constant 0 : i32
      %dma_wait3A_545 = tpu.memref_slice %arg3[%get3A_166, %dma_wait3A_544] : memref<1000000x20xf32, #tpu.memory_space<hbm>> -> memref<1x20xf32, #tpu.memory_space<hbm>>
      %dma_wait3A_546 = arith.constant 0 : i32
      %dma_wait3A_547 = tpu.memref_slice %arg7[%add3A_164, %dma_wait3A_546] : memref<512x20xf32, #tpu.memory_space<vmem>> -> memref<1x20xf32, #tpu.memory_space<vmem>>
      %dma_wait3A_548 = arith.constant 0 : i32
      %dma_wait3A_549 = tpu.memref_slice %arg3[%get3A_166, %dma_wait3A_548] : memref<1000000x20xf32, #tpu.memory_space<hbm>> -> memref<1x20xf32, #tpu.memory_space<hbm>>
      tpu.wait_dma2 semaphore(%arg8 : memref<!tpu.dma_semaphore, #tpu.memory_space<semaphore_mem>>) src(%dma_wait3A_549 : memref<1x20xf32, #tpu.memory_space<hbm>>) dst(%dma_wait3A_547 : memref<1x20xf32, #tpu.memory_space<vmem>>)
      %dma_wait3A_550 = arith.constant 0 : i32
      %dma_wait3A_551 = tpu.memref_slice %arg7[%add3A_178, %dma_wait3A_550] : memref<512x20xf32, #tpu.memory_space<vmem>> -> memref<1x20xf32, #tpu.memory_space<vmem>>
      %dma_wait3A_552 = arith.constant 0 : i32
      %dma_wait3A_553 = tpu.memref_slice %arg3[%get3A_180, %dma_wait3A_552] : memref<1000000x20xf32, #tpu.memory_space<hbm>> -> memref<1x20xf32, #tpu.memory_space<hbm>>
      %dma_wait3A_554 = arith.constant 0 : i32
      %dma_wait3A_555 = tpu.memref_slice %arg7[%add3A_178, %dma_wait3A_554] : memref<512x20xf32, #tpu.memory_space<vmem>> -> memref<1x20xf32, #tpu.memory_space<vmem>>
      %dma_wait3A_556 = arith.constant 0 : i32
      %dma_wait3A_557 = tpu.memref_slice %arg3[%get3A_180, %dma_wait3A_556] : memref<1000000x20xf32, #tpu.memory_space<hbm>> -> memref<1x20xf32, #tpu.memory_space<hbm>>
      tpu.wait_dma2 semaphore(%arg8 : memref<!tpu.dma_semaphore, #tpu.memory_space<semaphore_mem>>) src(%dma_wait3A_557 : memref<1x20xf32, #tpu.memory_space<hbm>>) dst(%dma_wait3A_555 : memref<1x20xf32, #tpu.memory_space<vmem>>)
      %dma_wait3A_558 = arith.constant 0 : i32
      %dma_wait3A_559 = tpu.memref_slice %arg7[%add3A_192, %dma_wait3A_558] : memref<512x20xf32, #tpu.memory_space<vmem>> -> memref<1x20xf32, #tpu.memory_space<vmem>>
      %dma_wait3A_560 = arith.constant 0 : i32
      %dma_wait3A_561 = tpu.memref_slice %arg3[%get3A_194, %dma_wait3A_560] : memref<1000000x20xf32, #tpu.memory_space<hbm>> -> memref<1x20xf32, #tpu.memory_space<hbm>>
      %dma_wait3A_562 = arith.constant 0 : i32
      %dma_wait3A_563 = tpu.memref_slice %arg7[%add3A_192, %dma_wait3A_562] : memref<512x20xf32, #tpu.memory_space<vmem>> -> memref<1x20xf32, #tpu.memory_space<vmem>>
      %dma_wait3A_564 = arith.constant 0 : i32
      %dma_wait3A_565 = tpu.memref_slice %arg3[%get3A_194, %dma_wait3A_564] : memref<1000000x20xf32, #tpu.memory_space<hbm>> -> memref<1x20xf32, #tpu.memory_space<hbm>>
      tpu.wait_dma2 semaphore(%arg8 : memref<!tpu.dma_semaphore, #tpu.memory_space<semaphore_mem>>) src(%dma_wait3A_565 : memref<1x20xf32, #tpu.memory_space<hbm>>) dst(%dma_wait3A_563 : memref<1x20xf32, #tpu.memory_space<vmem>>)
      %dma_wait3A_566 = arith.constant 0 : i32
      %dma_wait3A_567 = tpu.memref_slice %arg7[%add3A_206, %dma_wait3A_566] : memref<512x20xf32, #tpu.memory_space<vmem>> -> memref<1x20xf32, #tpu.memory_space<vmem>>
      %dma_wait3A_568 = arith.constant 0 : i32
      %dma_wait3A_569 = tpu.memref_slice %arg3[%get3A_208, %dma_wait3A_568] : memref<1000000x20xf32, #tpu.memory_space<hbm>> -> memref<1x20xf32, #tpu.memory_space<hbm>>
      %dma_wait3A_570 = arith.constant 0 : i32
      %dma_wait3A_571 = tpu.memref_slice %arg7[%add3A_206, %dma_wait3A_570] : memref<512x20xf32, #tpu.memory_space<vmem>> -> memref<1x20xf32, #tpu.memory_space<vmem>>
      %dma_wait3A_572 = arith.constant 0 : i32
      %dma_wait3A_573 = tpu.memref_slice %arg3[%get3A_208, %dma_wait3A_572] : memref<1000000x20xf32, #tpu.memory_space<hbm>> -> memref<1x20xf32, #tpu.memory_space<hbm>>
      tpu.wait_dma2 semaphore(%arg8 : memref<!tpu.dma_semaphore, #tpu.memory_space<semaphore_mem>>) src(%dma_wait3A_573 : memref<1x20xf32, #tpu.memory_space<hbm>>) dst(%dma_wait3A_571 : memref<1x20xf32, #tpu.memory_space<vmem>>)
      %dma_wait3A_574 = arith.constant 0 : i32
      %dma_wait3A_575 = tpu.memref_slice %arg7[%add3A_220, %dma_wait3A_574] : memref<512x20xf32, #tpu.memory_space<vmem>> -> memref<1x20xf32, #tpu.memory_space<vmem>>
      %dma_wait3A_576 = arith.constant 0 : i32
      %dma_wait3A_577 = tpu.memref_slice %arg3[%get3A_222, %dma_wait3A_576] : memref<1000000x20xf32, #tpu.memory_space<hbm>> -> memref<1x20xf32, #tpu.memory_space<hbm>>
      %dma_wait3A_578 = arith.constant 0 : i32
      %dma_wait3A_579 = tpu.memref_slice %arg7[%add3A_220, %dma_wait3A_578] : memref<512x20xf32, #tpu.memory_space<vmem>> -> memref<1x20xf32, #tpu.memory_space<vmem>>
      %dma_wait3A_580 = arith.constant 0 : i32
      %dma_wait3A_581 = tpu.memref_slice %arg3[%get3A_222, %dma_wait3A_580] : memref<1000000x20xf32, #tpu.memory_space<hbm>> -> memref<1x20xf32, #tpu.memory_space<hbm>>
      tpu.wait_dma2 semaphore(%arg8 : memref<!tpu.dma_semaphore, #tpu.memory_space<semaphore_mem>>) src(%dma_wait3A_581 : memref<1x20xf32, #tpu.memory_space<hbm>>) dst(%dma_wait3A_579 : memref<1x20xf32, #tpu.memory_space<vmem>>)
      %dma_wait3A_582 = arith.constant 0 : i32
      %dma_wait3A_583 = tpu.memref_slice %arg7[%add3A_234, %dma_wait3A_582] : memref<512x20xf32, #tpu.memory_space<vmem>> -> memref<1x20xf32, #tpu.memory_space<vmem>>
      %dma_wait3A_584 = arith.constant 0 : i32
      %dma_wait3A_585 = tpu.memref_slice %arg3[%get3A_236, %dma_wait3A_584] : memref<1000000x20xf32, #tpu.memory_space<hbm>> -> memref<1x20xf32, #tpu.memory_space<hbm>>
      %dma_wait3A_586 = arith.constant 0 : i32
      %dma_wait3A_587 = tpu.memref_slice %arg7[%add3A_234, %dma_wait3A_586] : memref<512x20xf32, #tpu.memory_space<vmem>> -> memref<1x20xf32, #tpu.memory_space<vmem>>
      %dma_wait3A_588 = arith.constant 0 : i32
      %dma_wait3A_589 = tpu.memref_slice %arg3[%get3A_236, %dma_wait3A_588] : memref<1000000x20xf32, #tpu.memory_space<hbm>> -> memref<1x20xf32, #tpu.memory_space<hbm>>
      tpu.wait_dma2 semaphore(%arg8 : memref<!tpu.dma_semaphore, #tpu.memory_space<semaphore_mem>>) src(%dma_wait3A_589 : memref<1x20xf32, #tpu.memory_space<hbm>>) dst(%dma_wait3A_587 : memref<1x20xf32, #tpu.memory_space<vmem>>)
      %dma_wait3A_590 = arith.constant 0 : i32
      %dma_wait3A_591 = tpu.memref_slice %arg7[%add3A_248, %dma_wait3A_590] : memref<512x20xf32, #tpu.memory_space<vmem>> -> memref<1x20xf32, #tpu.memory_space<vmem>>
      %dma_wait3A_592 = arith.constant 0 : i32
      %dma_wait3A_593 = tpu.memref_slice %arg3[%get3A_250, %dma_wait3A_592] : memref<1000000x20xf32, #tpu.memory_space<hbm>> -> memref<1x20xf32, #tpu.memory_space<hbm>>
      %dma_wait3A_594 = arith.constant 0 : i32
      %dma_wait3A_595 = tpu.memref_slice %arg7[%add3A_248, %dma_wait3A_594] : memref<512x20xf32, #tpu.memory_space<vmem>> -> memref<1x20xf32, #tpu.memory_space<vmem>>
      %dma_wait3A_596 = arith.constant 0 : i32
      %dma_wait3A_597 = tpu.memref_slice %arg3[%get3A_250, %dma_wait3A_596] : memref<1000000x20xf32, #tpu.memory_space<hbm>> -> memref<1x20xf32, #tpu.memory_space<hbm>>
      tpu.wait_dma2 semaphore(%arg8 : memref<!tpu.dma_semaphore, #tpu.memory_space<semaphore_mem>>) src(%dma_wait3A_597 : memref<1x20xf32, #tpu.memory_space<hbm>>) dst(%dma_wait3A_595 : memref<1x20xf32, #tpu.memory_space<vmem>>)
      %dma_wait3A_598 = arith.constant 0 : i32
      %dma_wait3A_599 = tpu.memref_slice %arg7[%add3A_262, %dma_wait3A_598] : memref<512x20xf32, #tpu.memory_space<vmem>> -> memref<1x20xf32, #tpu.memory_space<vmem>>
      %dma_wait3A_600 = arith.constant 0 : i32
      %dma_wait3A_601 = tpu.memref_slice %arg3[%get3A_264, %dma_wait3A_600] : memref<1000000x20xf32, #tpu.memory_space<hbm>> -> memref<1x20xf32, #tpu.memory_space<hbm>>
      %dma_wait3A_602 = arith.constant 0 : i32
      %dma_wait3A_603 = tpu.memref_slice %arg7[%add3A_262, %dma_wait3A_602] : memref<512x20xf32, #tpu.memory_space<vmem>> -> memref<1x20xf32, #tpu.memory_space<vmem>>
      %dma_wait3A_604 = arith.constant 0 : i32
      %dma_wait3A_605 = tpu.memref_slice %arg3[%get3A_264, %dma_wait3A_604] : memref<1000000x20xf32, #tpu.memory_space<hbm>> -> memref<1x20xf32, #tpu.memory_space<hbm>>
      tpu.wait_dma2 semaphore(%arg8 : memref<!tpu.dma_semaphore, #tpu.memory_space<semaphore_mem>>) src(%dma_wait3A_605 : memref<1x20xf32, #tpu.memory_space<hbm>>) dst(%dma_wait3A_603 : memref<1x20xf32, #tpu.memory_space<vmem>>)
      %dma_wait3A_606 = arith.constant 0 : i32
      %dma_wait3A_607 = tpu.memref_slice %arg7[%add3A_276, %dma_wait3A_606] : memref<512x20xf32, #tpu.memory_space<vmem>> -> memref<1x20xf32, #tpu.memory_space<vmem>>
      %dma_wait3A_608 = arith.constant 0 : i32
      %dma_wait3A_609 = tpu.memref_slice %arg3[%get3A_278, %dma_wait3A_608] : memref<1000000x20xf32, #tpu.memory_space<hbm>> -> memref<1x20xf32, #tpu.memory_space<hbm>>
      %dma_wait3A_610 = arith.constant 0 : i32
      %dma_wait3A_611 = tpu.memref_slice %arg7[%add3A_276, %dma_wait3A_610] : memref<512x20xf32, #tpu.memory_space<vmem>> -> memref<1x20xf32, #tpu.memory_space<vmem>>
      %dma_wait3A_612 = arith.constant 0 : i32
      %dma_wait3A_613 = tpu.memref_slice %arg3[%get3A_278, %dma_wait3A_612] : memref<1000000x20xf32, #tpu.memory_space<hbm>> -> memref<1x20xf32, #tpu.memory_space<hbm>>
      tpu.wait_dma2 semaphore(%arg8 : memref<!tpu.dma_semaphore, #tpu.memory_space<semaphore_mem>>) src(%dma_wait3A_613 : memref<1x20xf32, #tpu.memory_space<hbm>>) dst(%dma_wait3A_611 : memref<1x20xf32, #tpu.memory_space<vmem>>)
      %dma_wait3A_614 = arith.constant 0 : i32
      %dma_wait3A_615 = tpu.memref_slice %arg7[%add3A_290, %dma_wait3A_614] : memref<512x20xf32, #tpu.memory_space<vmem>> -> memref<1x20xf32, #tpu.memory_space<vmem>>
      %dma_wait3A_616 = arith.constant 0 : i32
      %dma_wait3A_617 = tpu.memref_slice %arg3[%get3A_292, %dma_wait3A_616] : memref<1000000x20xf32, #tpu.memory_space<hbm>> -> memref<1x20xf32, #tpu.memory_space<hbm>>
      %dma_wait3A_618 = arith.constant 0 : i32
      %dma_wait3A_619 = tpu.memref_slice %arg7[%add3A_290, %dma_wait3A_618] : memref<512x20xf32, #tpu.memory_space<vmem>> -> memref<1x20xf32, #tpu.memory_space<vmem>>
      %dma_wait3A_620 = arith.constant 0 : i32
      %dma_wait3A_621 = tpu.memref_slice %arg3[%get3A_292, %dma_wait3A_620] : memref<1000000x20xf32, #tpu.memory_space<hbm>> -> memref<1x20xf32, #tpu.memory_space<hbm>>
      tpu.wait_dma2 semaphore(%arg8 : memref<!tpu.dma_semaphore, #tpu.memory_space<semaphore_mem>>) src(%dma_wait3A_621 : memref<1x20xf32, #tpu.memory_space<hbm>>) dst(%dma_wait3A_619 : memref<1x20xf32, #tpu.memory_space<vmem>>)
      %dma_wait3A_622 = arith.constant 0 : i32
      %dma_wait3A_623 = tpu.memref_slice %arg7[%add3A_304, %dma_wait3A_622] : memref<512x20xf32, #tpu.memory_space<vmem>> -> memref<1x20xf32, #tpu.memory_space<vmem>>
      %dma_wait3A_624 = arith.constant 0 : i32
      %dma_wait3A_625 = tpu.memref_slice %arg3[%get3A_306, %dma_wait3A_624] : memref<1000000x20xf32, #tpu.memory_space<hbm>> -> memref<1x20xf32, #tpu.memory_space<hbm>>
      %dma_wait3A_626 = arith.constant 0 : i32
      %dma_wait3A_627 = tpu.memref_slice %arg7[%add3A_304, %dma_wait3A_626] : memref<512x20xf32, #tpu.memory_space<vmem>> -> memref<1x20xf32, #tpu.memory_space<vmem>>
      %dma_wait3A_628 = arith.constant 0 : i32
      %dma_wait3A_629 = tpu.memref_slice %arg3[%get3A_306, %dma_wait3A_628] : memref<1000000x20xf32, #tpu.memory_space<hbm>> -> memref<1x20xf32, #tpu.memory_space<hbm>>
      tpu.wait_dma2 semaphore(%arg8 : memref<!tpu.dma_semaphore, #tpu.memory_space<semaphore_mem>>) src(%dma_wait3A_629 : memref<1x20xf32, #tpu.memory_space<hbm>>) dst(%dma_wait3A_627 : memref<1x20xf32, #tpu.memory_space<vmem>>)
      %dma_wait3A_630 = arith.constant 0 : i32
      %dma_wait3A_631 = tpu.memref_slice %arg7[%add3A_318, %dma_wait3A_630] : memref<512x20xf32, #tpu.memory_space<vmem>> -> memref<1x20xf32, #tpu.memory_space<vmem>>
      %dma_wait3A_632 = arith.constant 0 : i32
      %dma_wait3A_633 = tpu.memref_slice %arg3[%get3A_320, %dma_wait3A_632] : memref<1000000x20xf32, #tpu.memory_space<hbm>> -> memref<1x20xf32, #tpu.memory_space<hbm>>
      %dma_wait3A_634 = arith.constant 0 : i32
      %dma_wait3A_635 = tpu.memref_slice %arg7[%add3A_318, %dma_wait3A_634] : memref<512x20xf32, #tpu.memory_space<vmem>> -> memref<1x20xf32, #tpu.memory_space<vmem>>
      %dma_wait3A_636 = arith.constant 0 : i32
      %dma_wait3A_637 = tpu.memref_slice %arg3[%get3A_320, %dma_wait3A_636] : memref<1000000x20xf32, #tpu.memory_space<hbm>> -> memref<1x20xf32, #tpu.memory_space<hbm>>
      tpu.wait_dma2 semaphore(%arg8 : memref<!tpu.dma_semaphore, #tpu.memory_space<semaphore_mem>>) src(%dma_wait3A_637 : memref<1x20xf32, #tpu.memory_space<hbm>>) dst(%dma_wait3A_635 : memref<1x20xf32, #tpu.memory_space<vmem>>)
      %dma_wait3A_638 = arith.constant 0 : i32
      %dma_wait3A_639 = tpu.memref_slice %arg7[%add3A_332, %dma_wait3A_638] : memref<512x20xf32, #tpu.memory_space<vmem>> -> memref<1x20xf32, #tpu.memory_space<vmem>>
      %dma_wait3A_640 = arith.constant 0 : i32
      %dma_wait3A_641 = tpu.memref_slice %arg3[%get3A_334, %dma_wait3A_640] : memref<1000000x20xf32, #tpu.memory_space<hbm>> -> memref<1x20xf32, #tpu.memory_space<hbm>>
      %dma_wait3A_642 = arith.constant 0 : i32
      %dma_wait3A_643 = tpu.memref_slice %arg7[%add3A_332, %dma_wait3A_642] : memref<512x20xf32, #tpu.memory_space<vmem>> -> memref<1x20xf32, #tpu.memory_space<vmem>>
      %dma_wait3A_644 = arith.constant 0 : i32
      %dma_wait3A_645 = tpu.memref_slice %arg3[%get3A_334, %dma_wait3A_644] : memref<1000000x20xf32, #tpu.memory_space<hbm>> -> memref<1x20xf32, #tpu.memory_space<hbm>>
      tpu.wait_dma2 semaphore(%arg8 : memref<!tpu.dma_semaphore, #tpu.memory_space<semaphore_mem>>) src(%dma_wait3A_645 : memref<1x20xf32, #tpu.memory_space<hbm>>) dst(%dma_wait3A_643 : memref<1x20xf32, #tpu.memory_space<vmem>>)
      %dma_wait3A_646 = arith.constant 0 : i32
      %dma_wait3A_647 = tpu.memref_slice %arg7[%add3A_346, %dma_wait3A_646] : memref<512x20xf32, #tpu.memory_space<vmem>> -> memref<1x20xf32, #tpu.memory_space<vmem>>
      %dma_wait3A_648 = arith.constant 0 : i32
      %dma_wait3A_649 = tpu.memref_slice %arg3[%get3A_348, %dma_wait3A_648] : memref<1000000x20xf32, #tpu.memory_space<hbm>> -> memref<1x20xf32, #tpu.memory_space<hbm>>
      %dma_wait3A_650 = arith.constant 0 : i32
      %dma_wait3A_651 = tpu.memref_slice %arg7[%add3A_346, %dma_wait3A_650] : memref<512x20xf32, #tpu.memory_space<vmem>> -> memref<1x20xf32, #tpu.memory_space<vmem>>
      %dma_wait3A_652 = arith.constant 0 : i32
      %dma_wait3A_653 = tpu.memref_slice %arg3[%get3A_348, %dma_wait3A_652] : memref<1000000x20xf32, #tpu.memory_space<hbm>> -> memref<1x20xf32, #tpu.memory_space<hbm>>
      tpu.wait_dma2 semaphore(%arg8 : memref<!tpu.dma_semaphore, #tpu.memory_space<semaphore_mem>>) src(%dma_wait3A_653 : memref<1x20xf32, #tpu.memory_space<hbm>>) dst(%dma_wait3A_651 : memref<1x20xf32, #tpu.memory_space<vmem>>)
      %dma_wait3A_654 = arith.constant 0 : i32
      %dma_wait3A_655 = tpu.memref_slice %arg7[%add3A_360, %dma_wait3A_654] : memref<512x20xf32, #tpu.memory_space<vmem>> -> memref<1x20xf32, #tpu.memory_space<vmem>>
      %dma_wait3A_656 = arith.constant 0 : i32
      %dma_wait3A_657 = tpu.memref_slice %arg3[%get3A_362, %dma_wait3A_656] : memref<1000000x20xf32, #tpu.memory_space<hbm>> -> memref<1x20xf32, #tpu.memory_space<hbm>>
      %dma_wait3A_658 = arith.constant 0 : i32
      %dma_wait3A_659 = tpu.memref_slice %arg7[%add3A_360, %dma_wait3A_658] : memref<512x20xf32, #tpu.memory_space<vmem>> -> memref<1x20xf32, #tpu.memory_space<vmem>>
      %dma_wait3A_660 = arith.constant 0 : i32
      %dma_wait3A_661 = tpu.memref_slice %arg3[%get3A_362, %dma_wait3A_660] : memref<1000000x20xf32, #tpu.memory_space<hbm>> -> memref<1x20xf32, #tpu.memory_space<hbm>>
      tpu.wait_dma2 semaphore(%arg8 : memref<!tpu.dma_semaphore, #tpu.memory_space<semaphore_mem>>) src(%dma_wait3A_661 : memref<1x20xf32, #tpu.memory_space<hbm>>) dst(%dma_wait3A_659 : memref<1x20xf32, #tpu.memory_space<vmem>>)
      %dma_wait3A_662 = arith.constant 0 : i32
      %dma_wait3A_663 = tpu.memref_slice %arg7[%add3A_374, %dma_wait3A_662] : memref<512x20xf32, #tpu.memory_space<vmem>> -> memref<1x20xf32, #tpu.memory_space<vmem>>
      %dma_wait3A_664 = arith.constant 0 : i32
      %dma_wait3A_665 = tpu.memref_slice %arg3[%get3A_376, %dma_wait3A_664] : memref<1000000x20xf32, #tpu.memory_space<hbm>> -> memref<1x20xf32, #tpu.memory_space<hbm>>
      %dma_wait3A_666 = arith.constant 0 : i32
      %dma_wait3A_667 = tpu.memref_slice %arg7[%add3A_374, %dma_wait3A_666] : memref<512x20xf32, #tpu.memory_space<vmem>> -> memref<1x20xf32, #tpu.memory_space<vmem>>
      %dma_wait3A_668 = arith.constant 0 : i32
      %dma_wait3A_669 = tpu.memref_slice %arg3[%get3A_376, %dma_wait3A_668] : memref<1000000x20xf32, #tpu.memory_space<hbm>> -> memref<1x20xf32, #tpu.memory_space<hbm>>
      tpu.wait_dma2 semaphore(%arg8 : memref<!tpu.dma_semaphore, #tpu.memory_space<semaphore_mem>>) src(%dma_wait3A_669 : memref<1x20xf32, #tpu.memory_space<hbm>>) dst(%dma_wait3A_667 : memref<1x20xf32, #tpu.memory_space<vmem>>)
      %dma_wait3A_670 = arith.constant 0 : i32
      %dma_wait3A_671 = tpu.memref_slice %arg7[%add3A_388, %dma_wait3A_670] : memref<512x20xf32, #tpu.memory_space<vmem>> -> memref<1x20xf32, #tpu.memory_space<vmem>>
      %dma_wait3A_672 = arith.constant 0 : i32
      %dma_wait3A_673 = tpu.memref_slice %arg3[%get3A_390, %dma_wait3A_672] : memref<1000000x20xf32, #tpu.memory_space<hbm>> -> memref<1x20xf32, #tpu.memory_space<hbm>>
      %dma_wait3A_674 = arith.constant 0 : i32
      %dma_wait3A_675 = tpu.memref_slice %arg7[%add3A_388, %dma_wait3A_674] : memref<512x20xf32, #tpu.memory_space<vmem>> -> memref<1x20xf32, #tpu.memory_space<vmem>>
      %dma_wait3A_676 = arith.constant 0 : i32
      %dma_wait3A_677 = tpu.memref_slice %arg3[%get3A_390, %dma_wait3A_676] : memref<1000000x20xf32, #tpu.memory_space<hbm>> -> memref<1x20xf32, #tpu.memory_space<hbm>>
      tpu.wait_dma2 semaphore(%arg8 : memref<!tpu.dma_semaphore, #tpu.memory_space<semaphore_mem>>) src(%dma_wait3A_677 : memref<1x20xf32, #tpu.memory_space<hbm>>) dst(%dma_wait3A_675 : memref<1x20xf32, #tpu.memory_space<vmem>>)
      %dma_wait3A_678 = arith.constant 0 : i32
      %dma_wait3A_679 = tpu.memref_slice %arg7[%add3A_402, %dma_wait3A_678] : memref<512x20xf32, #tpu.memory_space<vmem>> -> memref<1x20xf32, #tpu.memory_space<vmem>>
      %dma_wait3A_680 = arith.constant 0 : i32
      %dma_wait3A_681 = tpu.memref_slice %arg3[%get3A_404, %dma_wait3A_680] : memref<1000000x20xf32, #tpu.memory_space<hbm>> -> memref<1x20xf32, #tpu.memory_space<hbm>>
      %dma_wait3A_682 = arith.constant 0 : i32
      %dma_wait3A_683 = tpu.memref_slice %arg7[%add3A_402, %dma_wait3A_682] : memref<512x20xf32, #tpu.memory_space<vmem>> -> memref<1x20xf32, #tpu.memory_space<vmem>>
      %dma_wait3A_684 = arith.constant 0 : i32
      %dma_wait3A_685 = tpu.memref_slice %arg3[%get3A_404, %dma_wait3A_684] : memref<1000000x20xf32, #tpu.memory_space<hbm>> -> memref<1x20xf32, #tpu.memory_space<hbm>>
      tpu.wait_dma2 semaphore(%arg8 : memref<!tpu.dma_semaphore, #tpu.memory_space<semaphore_mem>>) src(%dma_wait3A_685 : memref<1x20xf32, #tpu.memory_space<hbm>>) dst(%dma_wait3A_683 : memref<1x20xf32, #tpu.memory_space<vmem>>)
      %dma_wait3A_686 = arith.constant 0 : i32
      %dma_wait3A_687 = tpu.memref_slice %arg7[%add3A_416, %dma_wait3A_686] : memref<512x20xf32, #tpu.memory_space<vmem>> -> memref<1x20xf32, #tpu.memory_space<vmem>>
      %dma_wait3A_688 = arith.constant 0 : i32
      %dma_wait3A_689 = tpu.memref_slice %arg3[%get3A_418, %dma_wait3A_688] : memref<1000000x20xf32, #tpu.memory_space<hbm>> -> memref<1x20xf32, #tpu.memory_space<hbm>>
      %dma_wait3A_690 = arith.constant 0 : i32
      %dma_wait3A_691 = tpu.memref_slice %arg7[%add3A_416, %dma_wait3A_690] : memref<512x20xf32, #tpu.memory_space<vmem>> -> memref<1x20xf32, #tpu.memory_space<vmem>>
      %dma_wait3A_692 = arith.constant 0 : i32
      %dma_wait3A_693 = tpu.memref_slice %arg3[%get3A_418, %dma_wait3A_692] : memref<1000000x20xf32, #tpu.memory_space<hbm>> -> memref<1x20xf32, #tpu.memory_space<hbm>>
      tpu.wait_dma2 semaphore(%arg8 : memref<!tpu.dma_semaphore, #tpu.memory_space<semaphore_mem>>) src(%dma_wait3A_693 : memref<1x20xf32, #tpu.memory_space<hbm>>) dst(%dma_wait3A_691 : memref<1x20xf32, #tpu.memory_space<vmem>>)
      %dma_wait3A_694 = arith.constant 0 : i32
      %dma_wait3A_695 = tpu.memref_slice %arg7[%add3A_430, %dma_wait3A_694] : memref<512x20xf32, #tpu.memory_space<vmem>> -> memref<1x20xf32, #tpu.memory_space<vmem>>
      %dma_wait3A_696 = arith.constant 0 : i32
      %dma_wait3A_697 = tpu.memref_slice %arg3[%get3A_432, %dma_wait3A_696] : memref<1000000x20xf32, #tpu.memory_space<hbm>> -> memref<1x20xf32, #tpu.memory_space<hbm>>
      %dma_wait3A_698 = arith.constant 0 : i32
      %dma_wait3A_699 = tpu.memref_slice %arg7[%add3A_430, %dma_wait3A_698] : memref<512x20xf32, #tpu.memory_space<vmem>> -> memref<1x20xf32, #tpu.memory_space<vmem>>
      %dma_wait3A_700 = arith.constant 0 : i32
      %dma_wait3A_701 = tpu.memref_slice %arg3[%get3A_432, %dma_wait3A_700] : memref<1000000x20xf32, #tpu.memory_space<hbm>> -> memref<1x20xf32, #tpu.memory_space<hbm>>
      tpu.wait_dma2 semaphore(%arg8 : memref<!tpu.dma_semaphore, #tpu.memory_space<semaphore_mem>>) src(%dma_wait3A_701 : memref<1x20xf32, #tpu.memory_space<hbm>>) dst(%dma_wait3A_699 : memref<1x20xf32, #tpu.memory_space<vmem>>)
      %dma_wait3A_702 = arith.constant 0 : i32
      %dma_wait3A_703 = tpu.memref_slice %arg7[%add3A_444, %dma_wait3A_702] : memref<512x20xf32, #tpu.memory_space<vmem>> -> memref<1x20xf32, #tpu.memory_space<vmem>>
      %dma_wait3A_704 = arith.constant 0 : i32
      %dma_wait3A_705 = tpu.memref_slice %arg3[%get3A_446, %dma_wait3A_704] : memref<1000000x20xf32, #tpu.memory_space<hbm>> -> memref<1x20xf32, #tpu.memory_space<hbm>>
      %dma_wait3A_706 = arith.constant 0 : i32
      %dma_wait3A_707 = tpu.memref_slice %arg7[%add3A_444, %dma_wait3A_706] : memref<512x20xf32, #tpu.memory_space<vmem>> -> memref<1x20xf32, #tpu.memory_space<vmem>>
      %dma_wait3A_708 = arith.constant 0 : i32
      %dma_wait3A_709 = tpu.memref_slice %arg3[%get3A_446, %dma_wait3A_708] : memref<1000000x20xf32, #tpu.memory_space<hbm>> -> memref<1x20xf32, #tpu.memory_space<hbm>>
      tpu.wait_dma2 semaphore(%arg8 : memref<!tpu.dma_semaphore, #tpu.memory_space<semaphore_mem>>) src(%dma_wait3A_709 : memref<1x20xf32, #tpu.memory_space<hbm>>) dst(%dma_wait3A_707 : memref<1x20xf32, #tpu.memory_space<vmem>>)
    }
    %scan3A_7 = arith.constant 16 : i32
    "tpu.region"() ({
      %run_scoped3A = tpu.sem_alloc : memref<!tpu.dma_semaphore, #tpu.memory_space<semaphore_mem>>
      %dma_start3A = arith.constant 0 : i32
      %dma_start3A_8 = tpu.memref_slice %arg4[%mul3A_2, %dma_start3A] : memref<16384x20xf32, #tpu.memory_space<hbm>> -> memref<512x20xf32, #tpu.memory_space<hbm>>
      %dma_start3A_9 = arith.constant 0 : i32
      %dma_start3A_10 = tpu.memref_slice %arg4[%mul3A_2, %dma_start3A_9] : memref<16384x20xf32, #tpu.memory_space<hbm>> -> memref<512x20xf32, #tpu.memory_space<hbm>>
      tpu.enqueue_dma source(%arg7 : memref<512x20xf32, #tpu.memory_space<vmem>>) target(%dma_start3A_10 : memref<512x20xf32, #tpu.memory_space<hbm>>) target_semaphore(%run_scoped3A : memref<!tpu.dma_semaphore, #tpu.memory_space<semaphore_mem>>)
      %dma_wait3A = arith.constant 0 : i32
      %dma_wait3A_11 = tpu.memref_slice %arg4[%mul3A_2, %dma_wait3A] : memref<16384x20xf32, #tpu.memory_space<hbm>> -> memref<512x20xf32, #tpu.memory_space<hbm>>
      %dma_wait3A_12 = arith.constant 0 : i32
      %dma_wait3A_13 = tpu.memref_slice %arg4[%mul3A_2, %dma_wait3A_12] : memref<16384x20xf32, #tpu.memory_space<hbm>> -> memref<512x20xf32, #tpu.memory_space<hbm>>
      tpu.wait_dma2 semaphore(%run_scoped3A : memref<!tpu.dma_semaphore, #tpu.memory_space<semaphore_mem>>) src(%arg7 : memref<512x20xf32, #tpu.memory_space<vmem>>) dst(%dma_wait3A_13 : memref<512x20xf32, #tpu.memory_space<hbm>>)
      tpu.yield
    }) : () -> ()
    return
  }
}

module attributes {stable_mosaic.version = 14 : i64} {
  func.func @_mlp_body(%arg0: i32, %arg1: memref<2048x1x20xf32, #tpu.memory_space<vmem>>, %arg2: memref<2048x20xf32, #tpu.memory_space<vmem>>, %arg3: memref<20x10xf32, #tpu.memory_space<vmem>>, %arg4: memref<1x10xf32, #tpu.memory_space<vmem>>, %arg5: memref<1x10xf32, #tpu.memory_space<vmem>>, %arg6: memref<1x10xf32, #tpu.memory_space<vmem>>, %arg7: memref<1x10xf32, #tpu.memory_space<vmem>>, %arg8: memref<1x10xf32, #tpu.memory_space<vmem>>, %arg9: memref<20x10xf32, #tpu.memory_space<vmem>>, %arg10: memref<1x10xf32, #tpu.memory_space<vmem>>, %arg11: memref<1x10xf32, #tpu.memory_space<vmem>>, %arg12: memref<1x10xf32, #tpu.memory_space<vmem>>, %arg13: memref<1x10xf32, #tpu.memory_space<vmem>>, %arg14: memref<1x10xf32, #tpu.memory_space<vmem>>, %arg15: memref<10x20xf32, #tpu.memory_space<vmem>>, %arg16: memref<10x20xf32, #tpu.memory_space<vmem>>, %arg17: memref<1x20xf32, #tpu.memory_space<vmem>>, %arg18: memref<1x20xf32, #tpu.memory_space<vmem>>, %arg19: memref<1x20xf32, #tpu.memory_space<vmem>>, %arg20: memref<1x20xf32, #tpu.memory_space<vmem>>, %arg21: memref<1x20xf32, #tpu.memory_space<vmem>>, %arg22: memref<20x1xf32, #tpu.memory_space<vmem>>, %arg23: memref<1x1xf32, #tpu.memory_space<vmem>>, %arg24: memref<2048x1xf32, #tpu.memory_space<vmem>>) attributes {dimension_semantics = [#tpu.dimension_semantics<arbitrary>], iteration_bounds = array<i64: 8>, scalar_prefetch = 0 : i64, scratch_operands = 0 : i64, tpu.core_type = #tpu.core_type<tc>, window_params = [{transform_indices = @transform_0, window_bounds = array<i64: 2048, 1, 20>}, {transform_indices = @transform_1, window_bounds = array<i64: 2048, 20>}, {pipeline_mode = #tpu.pipeline_mode<synchronous>, transform_indices = @transform_2, window_bounds = array<i64: 20, 10>}, {pipeline_mode = #tpu.pipeline_mode<synchronous>, transform_indices = @transform_3, window_bounds = array<i64: 1, 10>}, {pipeline_mode = #tpu.pipeline_mode<synchronous>, transform_indices = @transform_4, window_bounds = array<i64: 1, 10>}, {pipeline_mode = #tpu.pipeline_mode<synchronous>, transform_indices = @transform_5, window_bounds = array<i64: 1, 10>}, {pipeline_mode = #tpu.pipeline_mode<synchronous>, transform_indices = @transform_6, window_bounds = array<i64: 1, 10>}, {pipeline_mode = #tpu.pipeline_mode<synchronous>, transform_indices = @transform_7, window_bounds = array<i64: 1, 10>}, {pipeline_mode = #tpu.pipeline_mode<synchronous>, transform_indices = @transform_8, window_bounds = array<i64: 20, 10>}, {pipeline_mode = #tpu.pipeline_mode<synchronous>, transform_indices = @transform_9, window_bounds = array<i64: 1, 10>}, {pipeline_mode = #tpu.pipeline_mode<synchronous>, transform_indices = @transform_10, window_bounds = array<i64: 1, 10>}, {pipeline_mode = #tpu.pipeline_mode<synchronous>, transform_indices = @transform_11, window_bounds = array<i64: 1, 10>}, {pipeline_mode = #tpu.pipeline_mode<synchronous>, transform_indices = @transform_12, window_bounds = array<i64: 1, 10>}, {pipeline_mode = #tpu.pipeline_mode<synchronous>, transform_indices = @transform_13, window_bounds = array<i64: 1, 10>}, {pipeline_mode = #tpu.pipeline_mode<synchronous>, transform_indices = @transform_14, window_bounds = array<i64: 10, 20>}, {pipeline_mode = #tpu.pipeline_mode<synchronous>, transform_indices = @transform_15, window_bounds = array<i64: 10, 20>}, {pipeline_mode = #tpu.pipeline_mode<synchronous>, transform_indices = @transform_16, window_bounds = array<i64: 1, 20>}, {pipeline_mode = #tpu.pipeline_mode<synchronous>, transform_indices = @transform_17, window_bounds = array<i64: 1, 20>}, {pipeline_mode = #tpu.pipeline_mode<synchronous>, transform_indices = @transform_18, window_bounds = array<i64: 1, 20>}, {pipeline_mode = #tpu.pipeline_mode<synchronous>, transform_indices = @transform_19, window_bounds = array<i64: 1, 20>}, {pipeline_mode = #tpu.pipeline_mode<synchronous>, transform_indices = @transform_20, window_bounds = array<i64: 1, 20>}, {pipeline_mode = #tpu.pipeline_mode<synchronous>, transform_indices = @transform_21, window_bounds = array<i64: 20, 1>}, {pipeline_mode = #tpu.pipeline_mode<synchronous>, transform_indices = @transform_22, window_bounds = array<i64: 1, 1>}, {transform_indices = @transform_23, window_bounds = array<i64: 2048, 1>}]} {
    %get3A = arith.constant 0 : index
    %get3A_0 = arith.constant 0 : index
    %get3A_1 = arith.constant 0 : index
    %get3A_2 = vector.load %arg1[%get3A, %get3A_0, %get3A_1] : memref<2048x1x20xf32, #tpu.memory_space<vmem>>, vector<2048x1x20xf32>
    %reshape3A = vector.shape_cast %get3A_2 : vector<2048x1x20xf32> to vector<2048x20xf32>
    %get3A_3 = arith.constant 0 : index
    %get3A_4 = arith.constant 0 : index
    %get3A_5 = vector.load %arg2[%get3A_3, %get3A_4] : memref<2048x20xf32, #tpu.memory_space<vmem>>, vector<2048x20xf32>
    %get3A_6 = arith.constant 0 : index
    %get3A_7 = arith.constant 0 : index
    %get3A_8 = vector.load %arg5[%get3A_6, %get3A_7] : memref<1x10xf32, #tpu.memory_space<vmem>>, vector<1x10xf32>
    %get3A_9 = arith.constant 0 : index
    %get3A_10 = arith.constant 0 : index
    %get3A_11 = vector.load %arg8[%get3A_9, %get3A_10] : memref<1x10xf32, #tpu.memory_space<vmem>>, vector<1x10xf32>
    %add3A = arith.constant 1.000000e-03 : f32
    %add3A_12 = vector.broadcast %add3A : f32 to vector<1x10xf32>
    %add3A_13 = arith.addf %get3A_11, %add3A_12 : vector<1x10xf32>
    %sqrt3A = math.sqrt %add3A_13 : vector<1x10xf32>
    %div3A = arith.divf %get3A_8, %sqrt3A : vector<1x10xf32>
    %get3A_14 = arith.constant 0 : index
    %get3A_15 = arith.constant 0 : index
    %get3A_16 = vector.load %arg6[%get3A_14, %get3A_15] : memref<1x10xf32, #tpu.memory_space<vmem>>, vector<1x10xf32>
    %get3A_17 = arith.constant 0 : index
    %get3A_18 = arith.constant 0 : index
    %get3A_19 = vector.load %arg7[%get3A_17, %get3A_18] : memref<1x10xf32, #tpu.memory_space<vmem>>, vector<1x10xf32>
    %mul3A = arith.mulf %get3A_19, %div3A : vector<1x10xf32>
    %sub3A = arith.subf %get3A_16, %mul3A : vector<1x10xf32>
    %get3A_20 = arith.constant 0 : index
    %get3A_21 = arith.constant 0 : index
    %get3A_22 = vector.load %arg11[%get3A_20, %get3A_21] : memref<1x10xf32, #tpu.memory_space<vmem>>, vector<1x10xf32>
    %get3A_23 = arith.constant 0 : index
    %get3A_24 = arith.constant 0 : index
    %get3A_25 = vector.load %arg14[%get3A_23, %get3A_24] : memref<1x10xf32, #tpu.memory_space<vmem>>, vector<1x10xf32>
    %add3A_26 = arith.constant 1.000000e-03 : f32
    %add3A_27 = vector.broadcast %add3A_26 : f32 to vector<1x10xf32>
    %add3A_28 = arith.addf %get3A_25, %add3A_27 : vector<1x10xf32>
    %sqrt3A_29 = math.sqrt %add3A_28 : vector<1x10xf32>
    %div3A_30 = arith.divf %get3A_22, %sqrt3A_29 : vector<1x10xf32>
    %get3A_31 = arith.constant 0 : index
    %get3A_32 = arith.constant 0 : index
    %get3A_33 = vector.load %arg12[%get3A_31, %get3A_32] : memref<1x10xf32, #tpu.memory_space<vmem>>, vector<1x10xf32>
    %get3A_34 = arith.constant 0 : index
    %get3A_35 = arith.constant 0 : index
    %get3A_36 = vector.load %arg13[%get3A_34, %get3A_35] : memref<1x10xf32, #tpu.memory_space<vmem>>, vector<1x10xf32>
    %mul3A_37 = arith.mulf %get3A_36, %div3A_30 : vector<1x10xf32>
    %sub3A_38 = arith.subf %get3A_33, %mul3A_37 : vector<1x10xf32>
    %get3A_39 = arith.constant 0 : index
    %get3A_40 = arith.constant 0 : index
    %get3A_41 = vector.load %arg18[%get3A_39, %get3A_40] : memref<1x20xf32, #tpu.memory_space<vmem>>, vector<1x20xf32>
    %get3A_42 = arith.constant 0 : index
    %get3A_43 = arith.constant 0 : index
    %get3A_44 = vector.load %arg21[%get3A_42, %get3A_43] : memref<1x20xf32, #tpu.memory_space<vmem>>, vector<1x20xf32>
    %add3A_45 = arith.constant 1.000000e-03 : f32
    %add3A_46 = vector.broadcast %add3A_45 : f32 to vector<1x20xf32>
    %add3A_47 = arith.addf %get3A_44, %add3A_46 : vector<1x20xf32>
    %sqrt3A_48 = math.sqrt %add3A_47 : vector<1x20xf32>
    %div3A_49 = arith.divf %get3A_41, %sqrt3A_48 : vector<1x20xf32>
    %get3A_50 = arith.constant 0 : index
    %get3A_51 = arith.constant 0 : index
    %get3A_52 = vector.load %arg19[%get3A_50, %get3A_51] : memref<1x20xf32, #tpu.memory_space<vmem>>, vector<1x20xf32>
    %get3A_53 = arith.constant 0 : index
    %get3A_54 = arith.constant 0 : index
    %get3A_55 = vector.load %arg20[%get3A_53, %get3A_54] : memref<1x20xf32, #tpu.memory_space<vmem>>, vector<1x20xf32>
    %mul3A_56 = arith.mulf %get3A_55, %div3A_49 : vector<1x20xf32>
    %sub3A_57 = arith.subf %get3A_52, %mul3A_56 : vector<1x20xf32>
    %get3A_58 = arith.constant 0 : index
    %get3A_59 = arith.constant 0 : index
    %get3A_60 = vector.load %arg3[%get3A_58, %get3A_59] : memref<20x10xf32, #tpu.memory_space<vmem>>, vector<20x10xf32>
    %dot_general3A = arith.constant dense<0.000000e+00> : vector<2048x10xf32>
    %dot_general3A_61 = tpu.matmul %reshape3A, %get3A_60, %dot_general3A {dimension_numbers = #tpu.dot_dimension_numbers<[1], [0], [0], [1], [0, 0, 1, 1], [], []>, transpose_lhs_hint = false} : vector<2048x20xf32>, vector<20x10xf32>, vector<2048x10xf32> -> vector<2048x10xf32>
    %get3A_62 = arith.constant 0 : index
    %get3A_63 = arith.constant 0 : index
    %get3A_64 = vector.load %arg4[%get3A_62, %get3A_63] : memref<1x10xf32, #tpu.memory_space<vmem>>, vector<1x10xf32>
    %add3A_65 = vector.broadcast %get3A_64 : vector<1x10xf32> to vector<2048x10xf32>
    %add3A_66 = arith.addf %dot_general3A_61, %add3A_65 : vector<2048x10xf32>
    %max3A = arith.constant 0.000000e+00 : f32
    %max3A_67 = vector.broadcast %max3A : f32 to vector<2048x10xf32>
    %max3A_68 = arith.maximumf %add3A_66, %max3A_67 : vector<2048x10xf32>
    %mul3A_69 = vector.broadcast %div3A : vector<1x10xf32> to vector<2048x10xf32>
    %mul3A_70 = arith.mulf %max3A_68, %mul3A_69 : vector<2048x10xf32>
    %add3A_71 = vector.broadcast %sub3A : vector<1x10xf32> to vector<2048x10xf32>
    %add3A_72 = arith.addf %mul3A_70, %add3A_71 : vector<2048x10xf32>
    %get3A_73 = arith.constant 0 : index
    %get3A_74 = arith.constant 0 : index
    %get3A_75 = vector.load %arg9[%get3A_73, %get3A_74] : memref<20x10xf32, #tpu.memory_space<vmem>>, vector<20x10xf32>
    %dot_general3A_76 = arith.constant dense<0.000000e+00> : vector<2048x10xf32>
    %dot_general3A_77 = tpu.matmul %get3A_5, %get3A_75, %dot_general3A_76 {dimension_numbers = #tpu.dot_dimension_numbers<[1], [0], [0], [1], [0, 0, 1, 1], [], []>, transpose_lhs_hint = false} : vector<2048x20xf32>, vector<20x10xf32>, vector<2048x10xf32> -> vector<2048x10xf32>
    %get3A_78 = arith.constant 0 : index
    %get3A_79 = arith.constant 0 : index
    %get3A_80 = vector.load %arg10[%get3A_78, %get3A_79] : memref<1x10xf32, #tpu.memory_space<vmem>>, vector<1x10xf32>
    %add3A_81 = vector.broadcast %get3A_80 : vector<1x10xf32> to vector<2048x10xf32>
    %add3A_82 = arith.addf %dot_general3A_77, %add3A_81 : vector<2048x10xf32>
    %max3A_83 = arith.constant 0.000000e+00 : f32
    %max3A_84 = vector.broadcast %max3A_83 : f32 to vector<2048x10xf32>
    %max3A_85 = arith.maximumf %add3A_82, %max3A_84 : vector<2048x10xf32>
    %mul3A_86 = vector.broadcast %div3A_30 : vector<1x10xf32> to vector<2048x10xf32>
    %mul3A_87 = arith.mulf %max3A_85, %mul3A_86 : vector<2048x10xf32>
    %add3A_88 = vector.broadcast %sub3A_38 : vector<1x10xf32> to vector<2048x10xf32>
    %add3A_89 = arith.addf %mul3A_87, %add3A_88 : vector<2048x10xf32>
    %get3A_90 = arith.constant 0 : index
    %get3A_91 = arith.constant 0 : index
    %get3A_92 = vector.load %arg15[%get3A_90, %get3A_91] : memref<10x20xf32, #tpu.memory_space<vmem>>, vector<10x20xf32>
    %dot_general3A_93 = arith.constant dense<0.000000e+00> : vector<2048x20xf32>
    %dot_general3A_94 = tpu.matmul %add3A_72, %get3A_92, %dot_general3A_93 {dimension_numbers = #tpu.dot_dimension_numbers<[1], [0], [0], [1], [0, 0, 1, 1], [], []>, transpose_lhs_hint = false} : vector<2048x10xf32>, vector<10x20xf32>, vector<2048x20xf32> -> vector<2048x20xf32>
    %get3A_95 = arith.constant 0 : index
    %get3A_96 = arith.constant 0 : index
    %get3A_97 = vector.load %arg16[%get3A_95, %get3A_96] : memref<10x20xf32, #tpu.memory_space<vmem>>, vector<10x20xf32>
    %dot_general3A_98 = arith.constant dense<0.000000e+00> : vector<2048x20xf32>
    %dot_general3A_99 = tpu.matmul %add3A_89, %get3A_97, %dot_general3A_98 {dimension_numbers = #tpu.dot_dimension_numbers<[1], [0], [0], [1], [0, 0, 1, 1], [], []>, transpose_lhs_hint = false} : vector<2048x10xf32>, vector<10x20xf32>, vector<2048x20xf32> -> vector<2048x20xf32>
    %add3A_100 = arith.addf %dot_general3A_94, %dot_general3A_99 : vector<2048x20xf32>
    %get3A_101 = arith.constant 0 : index
    %get3A_102 = arith.constant 0 : index
    %get3A_103 = vector.load %arg17[%get3A_101, %get3A_102] : memref<1x20xf32, #tpu.memory_space<vmem>>, vector<1x20xf32>
    %add3A_104 = vector.broadcast %get3A_103 : vector<1x20xf32> to vector<2048x20xf32>
    %add3A_105 = arith.addf %add3A_100, %add3A_104 : vector<2048x20xf32>
    %max3A_106 = arith.constant 0.000000e+00 : f32
    %max3A_107 = vector.broadcast %max3A_106 : f32 to vector<2048x20xf32>
    %max3A_108 = arith.maximumf %add3A_105, %max3A_107 : vector<2048x20xf32>
    %mul3A_109 = vector.broadcast %div3A_49 : vector<1x20xf32> to vector<2048x20xf32>
    %mul3A_110 = arith.mulf %max3A_108, %mul3A_109 : vector<2048x20xf32>
    %add3A_111 = vector.broadcast %sub3A_57 : vector<1x20xf32> to vector<2048x20xf32>
    %add3A_112 = arith.addf %mul3A_110, %add3A_111 : vector<2048x20xf32>
    %get3A_113 = arith.constant 0 : index
    %get3A_114 = arith.constant 0 : index
    %get3A_115 = vector.load %arg22[%get3A_113, %get3A_114] : memref<20x1xf32, #tpu.memory_space<vmem>>, vector<20x1xf32>
    %dot_general3A_116 = arith.constant dense<0.000000e+00> : vector<2048x1xf32>
    %dot_general3A_117 = tpu.matmul %add3A_112, %get3A_115, %dot_general3A_116 {dimension_numbers = #tpu.dot_dimension_numbers<[1], [0], [0], [1], [0, 0, 1, 1], [], []>, transpose_lhs_hint = false} : vector<2048x20xf32>, vector<20x1xf32>, vector<2048x1xf32> -> vector<2048x1xf32>
    %get3A_118 = arith.constant 0 : index
    %get3A_119 = arith.constant 0 : index
    %get3A_120 = vector.load %arg23[%get3A_118, %get3A_119] : memref<1x1xf32, #tpu.memory_space<vmem>>, vector<1x1xf32>
    %add3A_121 = vector.broadcast %get3A_120 : vector<1x1xf32> to vector<2048x1xf32>
    %add3A_122 = arith.addf %dot_general3A_117, %add3A_121 : vector<2048x1xf32>
    %neg3A = arith.constant 0.000000e+00 : f32
    %neg3A_123 = vector.broadcast %neg3A : f32 to vector<2048x1xf32>
    %neg3A_124 = arith.subf %neg3A_123, %add3A_122 : vector<2048x1xf32>
    %exp3A = math.exp %neg3A_124 : vector<2048x1xf32>
    %add3A_125 = arith.constant 1.000000e+00 : f32
    %add3A_126 = vector.broadcast %add3A_125 : f32 to vector<2048x1xf32>
    %add3A_127 = arith.addf %add3A_126, %exp3A : vector<2048x1xf32>
    %div3A_128 = arith.constant 1.000000e+00 : f32
    %div3A_129 = vector.broadcast %div3A_128 : f32 to vector<2048x1xf32>
    %div3A_130 = arith.divf %div3A_129, %add3A_127 : vector<2048x1xf32>
    %swap3A = arith.constant 0 : index
    %swap3A_131 = arith.constant 0 : index
    %swap3A_132 = vector.load %arg24[%swap3A, %swap3A_131] : memref<2048x1xf32, #tpu.memory_space<vmem>>, vector<2048x1xf32>
    tpu.vector_store %arg24[%swap3A, %swap3A_131], %div3A_130 {strides = array<i32>} : memref<2048x1xf32, #tpu.memory_space<vmem>>, vector<2048x1xf32>,
    return
  }
  func.func @transform_0(%arg0: i32) -> (i32, i32, i32) {
    %c0_i32 = arith.constant 0 : i32
    %c0_i32_0 = arith.constant 0 : i32
    %c0_i32_1 = arith.constant 0 : i32
    return %arg0, %c0_i32, %c0_i32_0 : i32, i32, i32
  }
  func.func @transform_1(%arg0: i32) -> (i32, i32) {
    %c0_i32 = arith.constant 0 : i32
    %c0_i32_0 = arith.constant 0 : i32
    return %arg0, %c0_i32 : i32, i32
  }
  func.func @transform_2(%arg0: i32) -> (i32, i32) {
    %c0_i32 = arith.constant 0 : i32
    %c0_i32_0 = arith.constant 0 : i32
    %c0_i32_1 = arith.constant 0 : i32
    return %c0_i32, %c0_i32_0 : i32, i32
  }
  func.func @transform_3(%arg0: i32) -> (i32, i32) {
    %c0_i32 = arith.constant 0 : i32
    %c0_i32_0 = arith.constant 0 : i32
    %c0_i32_1 = arith.constant 0 : i32
    return %c0_i32, %c0_i32_0 : i32, i32
  }
  func.func @transform_4(%arg0: i32) -> (i32, i32) {
    %c0_i32 = arith.constant 0 : i32
    %c0_i32_0 = arith.constant 0 : i32
    %c0_i32_1 = arith.constant 0 : i32
    return %c0_i32, %c0_i32_0 : i32, i32
  }
  func.func @transform_5(%arg0: i32) -> (i32, i32) {
    %c0_i32 = arith.constant 0 : i32
    %c0_i32_0 = arith.constant 0 : i32
    %c0_i32_1 = arith.constant 0 : i32
    return %c0_i32, %c0_i32_0 : i32, i32
  }
  func.func @transform_6(%arg0: i32) -> (i32, i32) {
    %c0_i32 = arith.constant 0 : i32
    %c0_i32_0 = arith.constant 0 : i32
    %c0_i32_1 = arith.constant 0 : i32
    return %c0_i32, %c0_i32_0 : i32, i32
  }
  func.func @transform_7(%arg0: i32) -> (i32, i32) {
    %c0_i32 = arith.constant 0 : i32
    %c0_i32_0 = arith.constant 0 : i32
    %c0_i32_1 = arith.constant 0 : i32
    return %c0_i32, %c0_i32_0 : i32, i32
  }
  func.func @transform_8(%arg0: i32) -> (i32, i32) {
    %c0_i32 = arith.constant 0 : i32
    %c0_i32_0 = arith.constant 0 : i32
    %c0_i32_1 = arith.constant 0 : i32
    return %c0_i32, %c0_i32_0 : i32, i32
  }
  func.func @transform_9(%arg0: i32) -> (i32, i32) {
    %c0_i32 = arith.constant 0 : i32
    %c0_i32_0 = arith.constant 0 : i32
    %c0_i32_1 = arith.constant 0 : i32
    return %c0_i32, %c0_i32_0 : i32, i32
  }
  func.func @transform_10(%arg0: i32) -> (i32, i32) {
    %c0_i32 = arith.constant 0 : i32
    %c0_i32_0 = arith.constant 0 : i32
    %c0_i32_1 = arith.constant 0 : i32
    return %c0_i32, %c0_i32_0 : i32, i32
  }
  func.func @transform_11(%arg0: i32) -> (i32, i32) {
    %c0_i32 = arith.constant 0 : i32
    %c0_i32_0 = arith.constant 0 : i32
    %c0_i32_1 = arith.constant 0 : i32
    return %c0_i32, %c0_i32_0 : i32, i32
  }
  func.func @transform_12(%arg0: i32) -> (i32, i32) {
    %c0_i32 = arith.constant 0 : i32
    %c0_i32_0 = arith.constant 0 : i32
    %c0_i32_1 = arith.constant 0 : i32
    return %c0_i32, %c0_i32_0 : i32, i32
  }
  func.func @transform_13(%arg0: i32) -> (i32, i32) {
    %c0_i32 = arith.constant 0 : i32
    %c0_i32_0 = arith.constant 0 : i32
    %c0_i32_1 = arith.constant 0 : i32
    return %c0_i32, %c0_i32_0 : i32, i32
  }
  func.func @transform_14(%arg0: i32) -> (i32, i32) {
    %c0_i32 = arith.constant 0 : i32
    %c0_i32_0 = arith.constant 0 : i32
    %c0_i32_1 = arith.constant 0 : i32
    return %c0_i32, %c0_i32_0 : i32, i32
  }
  func.func @transform_15(%arg0: i32) -> (i32, i32) {
    %c0_i32 = arith.constant 0 : i32
    %c0_i32_0 = arith.constant 0 : i32
    %c0_i32_1 = arith.constant 0 : i32
    return %c0_i32, %c0_i32_0 : i32, i32
  }
  func.func @transform_16(%arg0: i32) -> (i32, i32) {
    %c0_i32 = arith.constant 0 : i32
    %c0_i32_0 = arith.constant 0 : i32
    %c0_i32_1 = arith.constant 0 : i32
    return %c0_i32, %c0_i32_0 : i32, i32
  }
  func.func @transform_17(%arg0: i32) -> (i32, i32) {
    %c0_i32 = arith.constant 0 : i32
    %c0_i32_0 = arith.constant 0 : i32
    %c0_i32_1 = arith.constant 0 : i32
    return %c0_i32, %c0_i32_0 : i32, i32
  }
  func.func @transform_18(%arg0: i32) -> (i32, i32) {
    %c0_i32 = arith.constant 0 : i32
    %c0_i32_0 = arith.constant 0 : i32
    %c0_i32_1 = arith.constant 0 : i32
    return %c0_i32, %c0_i32_0 : i32, i32
  }
  func.func @transform_19(%arg0: i32) -> (i32, i32) {
    %c0_i32 = arith.constant 0 : i32
    %c0_i32_0 = arith.constant 0 : i32
    %c0_i32_1 = arith.constant 0 : i32
    return %c0_i32, %c0_i32_0 : i32, i32
  }
  func.func @transform_20(%arg0: i32) -> (i32, i32) {
    %c0_i32 = arith.constant 0 : i32
    %c0_i32_0 = arith.constant 0 : i32
    %c0_i32_1 = arith.constant 0 : i32
    return %c0_i32, %c0_i32_0 : i32, i32
  }
  func.func @transform_21(%arg0: i32) -> (i32, i32) {
    %c0_i32 = arith.constant 0 : i32
    %c0_i32_0 = arith.constant 0 : i32
    %c0_i32_1 = arith.constant 0 : i32
    return %c0_i32, %c0_i32_0 : i32, i32
  }
  func.func @transform_22(%arg0: i32) -> (i32, i32) {
    %c0_i32 = arith.constant 0 : i32
    %c0_i32_0 = arith.constant 0 : i32
    %c0_i32_1 = arith.constant 0 : i32
    return %c0_i32, %c0_i32_0 : i32, i32
  }
  func.func @transform_23(%arg0: i32) -> (i32, i32) {
    %c0_i32 = arith.constant 0 : i32
    %c0_i32_0 = arith.constant 0 : i32
    return %arg0, %c0_i32 : i32, i32
  }
}

</mosaic_0001>

<sc_bundles>
// kernel: kernel.5.cloned.1.call-start
scs
__scs_entry_jumppad:
0x0: {  	(pc) =	sbr.rel $0x88, $3  }
0x1: {  	(tag) =	ssettag $0x0;
	lr =	simm.s32 $0x1  }
0x2: {  	[smem:$0x3F8A] =	sst lr;
	_ =	strace $0xD0000000  }
0x3: {  	_ = 	snop  }
0x4: {  	_ = 	snop  }
0x5: {  	_ = 	snop  }
0x6: {  	_ = 	snop  }
0x7: {  	_ = 	snop  }
__scs_overlays_trampoline_lowered:
0x8: {  	[smem:$0x3F99] =	sst s0  }
0x9: {  	[smem:$0x3F9A] =	sst s1  }
0xa: {  	[smem:$0x3F9B] =	sst s2  }
0xb: {  	[smem:$0x3F9C] =	sst s3  }
0xc: {  	[smem:$0x3F9D] =	sst s4  }
0xd: {  	[smem:$0x3F9E] =	sst s5  }
0xe: {  	[smem:$0x3F9F] =	sst s6  }
0xf: {  	[smem:$0x3FA0] =	sst s7  }
0x10: {  	[smem:$0x3FA1] =	sst s8  }
0x11: {  	[smem:$0x3FA2] =	sst s9;
	s0 =	simm.s32 @!p0 $0x0  }
0x12: {  	s1 =	sld [smem:$0x3F88];
	s0 =	simm.s32 @p0 $0x1  }
0x13: {  	[smem:$0x3FA3] =	sst s0;
	s0 =	simm.s32 @!p1 $0x0  }
0x14: {  	s2 =	sld [smem:$0x3F87];
	s0 =	simm.s32 @p1 $0x1  }
0x15: {  	[smem:$0x3FA4] =	sst s0;
	s0 =	simm.s32 @!p2 $0x0  }
0x16: {  	s3 =	sld [smem:$0x3FDB];
	s0 =	simm.s32 @p2 $0x1  }
0x17: {  	s4 =	simm.s32 $0x1BF5;
	[smem:$0x3FA6] =	sst s0  }
0x18: {  	s0 =	sld [smem:$0x3F89];
	_ =	swait.ge [sflag:s4], $0x0  }
0x19: {  	s7 =	sld [smem:$0x3F8A]  }
0x1a: {  	s8 =	sadd.s32 $0xFFFFE003, lr  }
0x1b: {  	s9 =	sadd.s32 $0xFFFFFEF7, lr;
	s5 =	simm.s32 $0xFFFFFFFF;
	p2 =	slt.u32 s8, $0xFFFFF086  }
0x1c: {  	p1 =	slt.u32 s9, $0xF7A;
	s5 =	simm.s32 @!p2 $0x0  }
0x1d: {  	s5 =	simm.s32 @p1 $0x1;
	p0 =	seq.s32 s7, s2  }
0x1e: {  	s7 =	smul.u32 @!p0 $0xF7A, s2;
	p2 =	seq.s32 @!p0 s5, $0x0  }
0x1f: {  	s9 =	smul.u32 $0xF7A, s1;
	s8 =	simm.s32 @!p0 $0x1BF5;
	p2 =	por !p2, p0  }
0x20: {  	[sflag:s8] =	ssyncset.s32 @!p0 $0xFFFFF086;
	s6 =	sadd.s32 @!p0 s3, s7;
	s7 =	simm.s32 @!p0 $0x108  }
0x21: {  	s3 =	sadd.s32 s3, s9;
	s6 =	sadd.s32 @!p0 $0x88, s6;
	s7 =	simm.s32 @p2 $0x1082  }
0x22: {  	[simem:s7], [sflag:s8] =	dma.local @!p0 [hbm:s6], $0xF7A  }
0x23: {  	s9 =	sor.u32 $0xD0000000, s2;
	s6 =	simm.s32 $0x108;
	_ =	swait.ge @!p0 [sflag:s8], $0x0  }
0x24: {  	s3 =	sadd.s32 $0x88, s3;
	s6 =	simm.s32 @!p1 $0x1082;
	[sflag:s4] =	ssyncset.s32 $0xFFFFF086  }
0x25: {  	[simem:s6], [sflag:s4] =	dma.local [hbm:s3], $0xF7A  }
0x26: {  	[smem:$0x3F8A] =	sst s1;
	(tag) =	ssettag s2;
	_ =	strace s9  }
0x27: {  	s1 =	sld [smem:$0x3F9A]  }
0x28: {  	s2 =	sld [smem:$0x3F9B]  }
0x29: {  	s4 =	sld [smem:$0x3F9D]  }
0x2a: {  	p0 =	seq.s32 s5, $0x0;
	s5 =	sld [smem:$0x3F9E]  }
0x2b: {  	s6 =	sld [smem:$0x3F9F]  }
0x2c: {  	s7 =	sld [smem:$0x3FA0]  }
0x2d: {  	s3 =	simm.s32 $0x108;
	s8 =	sld [smem:$0x3FA1]  }
0x2e: {  	s3 =	simm.s32 @!p0 $0x1082;
	s9 =	sld [smem:$0x3FA2]  }
0x2f: {  	lr =	sadd.s32 s0, s3;
	s0 =	sld [smem:$0x3F99]  }
0x30: {  	s3 =	sld [smem:$0x3F9C]  }
0x31: {  	[smem:$0x3FA5] =	sst s10  }
0x32: {  	s10 =	sld [smem:$0x3FA3];
	_ =	sdelay $0x3  }
0x33: {  	p0 =	seq.s32 s10, $0x1;
	s10 =	sld [smem:$0x3FA5];
	_ =	sdelay $0x3  }
0x34: {  	[smem:$0x3FA5] =	sst s10  }
0x35: {  	s10 =	sld [smem:$0x3FA4];
	_ =	sdelay $0x3  }
0x36: {  	p1 =	seq.s32 s10, $0x1;
	s10 =	sld [smem:$0x3FA5];
	_ =	sdelay $0x3  }
0x37: {  	[smem:$0x3FA5] =	sst s10  }
0x38: {  	s10 =	sld [smem:$0x3FA6]  }
0x39: {  	_ = 	snop;
	(pc) =	sbr.ind lr, $3  }
0x3a: {  	_ = 	snop  }
0x3b: {  	_ = 	snop  }
0x3c: {  	p2 =	seq.s32 s10, $0x1;
	s10 =	sld [smem:$0x3FA5]  }
0x3d: {  	_ =	shalt  }
0x3e: {  	_ =	shalt  }
0x3f: {  	_ =	shalt  }
0x40: {  	_ =	shalt  }
0x41: {  	_ =	shalt  }
0x42: {  	_ =	shalt  }
0x43: {  	_ =	shalt  }
0x44: {  	_ =	shalt  }
0x45: {  	_ =	shalt  }
0x46: {  	_ =	shalt  }
0x47: {  	_ =	shalt  }
0x48: {  	_ =	shalt  }
0x49: {  	_ =	shalt  }
0x4a: {  	_ =	shalt  }
0x4b: {  	_ =	shalt  }
0x4c: {  	_ =	shalt  }
0x4d: {  	_ =	shalt  }
0x4e: {  	_ =	shalt  }
0x4f: {  	_ =	shalt  }
0x50: {  	_ =	shalt  }
0x51: {  	_ =	shalt  }
0x52: {  	_ =	shalt  }
0x53: {  	_ =	shalt  }
0x54: {  	_ =	shalt  }
0x55: {  	_ =	shalt  }
0x56: {  	_ =	shalt  }
0x57: {  	_ =	shalt  }
0x58: {  	_ =	shalt  }
0x59: {  	_ =	shalt  }
0x5a: {  	_ =	shalt  }
0x5b: {  	_ =	shalt  }
0x5c: {  	_ =	shalt  }
0x5d: {  	_ =	shalt  }
0x5e: {  	_ =	shalt  }
0x5f: {  	_ =	shalt  }
0x60: {  	_ =	shalt  }
0x61: {  	_ =	shalt  }
0x62: {  	_ =	shalt  }
0x63: {  	_ =	shalt  }
0x64: {  	_ =	shalt  }
0x65: {  	_ =	shalt  }
0x66: {  	_ =	shalt  }
0x67: {  	_ =	shalt  }
0x68: {  	_ =	shalt  }
0x69: {  	_ =	shalt  }
0x6a: {  	_ =	shalt  }
0x6b: {  	_ =	shalt  }
0x6c: {  	_ =	shalt  }
0x6d: {  	_ =	shalt  }
0x6e: {  	_ =	shalt  }
0x6f: {  	_ =	shalt  }
0x70: {  	_ =	shalt  }
0x71: {  	_ =	shalt  }
0x72: {  	_ =	shalt  }
0x73: {  	_ =	shalt  }
0x74: {  	_ =	shalt  }
0x75: {  	_ =	shalt  }
0x76: {  	_ =	shalt  }
0x77: {  	_ =	shalt  }
0x78: {  	_ =	shalt  }
0x79: {  	_ =	shalt  }
0x7a: {  	_ =	shalt  }
0x7b: {  	_ =	shalt  }
0x7c: {  	_ =	shalt  }
0x7d: {  	_ =	shalt  }
0x7e: {  	_ =	shalt  }
0x7f: {  	_ =	shalt  }
0x80: {  	_ =	shalt  }
0x81: {  	_ =	shalt  }
0x82: {  	_ =	shalt  }
0x83: {  	_ =	shalt  }
0x84: {  	_ =	shalt  }
0x85: {  	_ =	shalt  }
0x86: {  	_ =	shalt  }
0x87: {  	_ =	shalt  }
.Lfunc_end0:
.L_simem_size_0:
called_computation_lowered:
.L_overlay_start_0:
0x88: {  	s2 =	sld [smem:$0x3FD9]  }
0x89: {  	s3 =	sld [smem:$0x3FFE];
	_ =	sdelay $0x1  }
0x8a: {  	s1 =	srdreg.scid  }
0x8b: {  	s0 =	sand.u32 $0x1, s1  }
0x8c: {  	s16 =	sshll.u32 s0, $0xA;
	s2 =	sadd.s32 s3, s2  }
0x8d: {  	s2 =	sadd.s32 s2, s16  }
0x8e: {  	[smem:$0x3FB1] =	sst s2  }
0x8f: {  	_ = 	snop  }
0x90: {  	(tm) =	ssettm $0x1  }
0x91: {  	s17 =	sld [smem:$0x3FFB];
	_ =	sdelay $0x3  }
0x92: {  	_ =	strace s17  }
0x93: {  	s2 =	sld [smem:$0x3FFC];
	_ =	sdelay $0x3  }
0x94: {  	_ =	strace s2  }
0x95: {  	s2 =	sld [smem:$0x3FFD];
	_ =	sdelay $0x3  }
0x96: {  	_ =	strace s2  }
0x97: {  	_ =	strace $0x8FFFFFFF  }
0x98: {  	s18 =	sld [smem:$0x3FDB];
	_ =	sdelay $0x1  }
0x99: {  	s19 =	simm.s32 $_scs_section_size  }
0x9a: {  	s4 =	simm.s32 $_size__tile_overlayer_lowered;
	s5 =	simm.s32 $_tile_overlayer_lowered  }
0x9b: {  	s22 =	simm.s32 $0x1BFF;
	s21 =	sshll.u32 s5, $0x1;
	s2 =	sadd.s32 s19, s18  }
0x9c: {  	s6 =	simm.s32 $0x0;
	s20 =	sshll.u32 s4, $0x1;
	s4 =	sadd.s32 s21, s2  }
0x9d: {  	[timem:s6], [sflag:s22] =	dma.local [hbm:s4], s20  }
0x9e: {  	_ =	swait.ge [sflag:s22], s20  }
0x9f: {  	s3 =	ssub.s32 $0x0, s20;
	[sflag:s22] =	ssyncset.done $0x0  }
0xa0: {  	[sflag:s22] =	ssyncadd.s32 s3;
	_ =	sdelay $0x1  }
0xa1: {  	s23 =	simm.s32 $0x1B8B  }
0xa2: {  	_ =	swait.ge [sflag:s23], $0x1  }
0xa3: {  	[sflag:s23] =	ssyncset.done $0x0  }
0xa4: {  	s25 =	simm.s32 $0x1B8E;
	s24 =	sld [smem:$0x3FFE];
	[sflag:s23] =	ssyncadd.s32 $0xFFFFFFFF  }
0xa5: {  	s26 =	simm.s32 $execute0_lowered;
	[smem:$0x3FD2] =	sst s25  }
0xa6: {  	s4 =	sshll.u32 s26, $0x1;
	_ =	strace $0x80000046;
	[dreg:$0x1] =	wrdreg $0xFFFFFFFF  }
0xa7: {  	s28 =	simm.s32 $_size_execute0_lowered;
	s2 =	sadd.s32 s2, s4;
	[dreg:$0x0] =	wrdreg $0x0  }
0xa8: {  	s4 =	sshll.u32 s28, $0x1;
	[dreg:$0x2] =	wrdreg s2  }
0xa9: {  	[dreg:$0x3] =	wrdreg s4  }
0xaa: {  	[dreg:$0x4] =	wrdreg $0xC0  }
0xab: {  	_ =	task [dreg:s6], $0x5FFFF  }
0xac: {  	[dreg:$0x1] =	wrdreg $0xFFFFFFFF  }
0xad: {  	[dreg:$0x0] =	wrdreg $0x60  }
0xae: {  	[dreg:$0x2] =	wrdreg s24  }
0xaf: {  	[dreg:$0x3] =	wrdreg $0x0  }
0xb0: {  	[dreg:$0x4] =	wrdreg $0x4000  }
0xb1: {  	[dreg:$0x5] =	wrdreg $0x9  }
0xb2: {  	_ =	task.clear_ibuf [dreg:s6], $0x6FFFF;
	_ =	strace $0x90000046  }
0xb3: {  	s29 =	simm.s32 $0x9;
	_ =	strace $0x80000048  }
0xb4: {  	_ =	swait.ge [sflag:s29], $0x1  }
0xb5: {  	[sflag:s29] =	ssyncadd.s32 $0xFFFFFFFF  }
0xb6: {  	_ =	strace $0x90000048  }
0xb7: {  	_ =	sfence  }
0xb8: {  	s30 =	sld [smem:$0x0];
	_ =	sdelay $0x2  }
0xb9: {  	s31 =	sshll.u32 s1, $0xD;
	s1 =	sshrl.u32 s1, $0x2  }
0xba: {  	s3 =	sand.u32 $0x4000, s31;
	s1 =	sadd.s32 s1, s30  }
0xbb: {  	s0 =	sor.u32 s3, s0;
	s1 =	sshll.u32 s1, $0x11  }
0xbc: {  	s0 =	sor.u32 s1, s0  }
0xbd: {  	s0 =	sadd.s32 $0x8F2B, s0  }
0xbe: {  	[sflag:s0] =	ssyncadd.remote.s32 $0x1  }
0xbf: {  	_ =	sfence.sel $0xFFFF  }
0xc0: {  	[dreg:$0x0] =	wrdreg $0xFFFFFFFF;
	(pc) =	sbr.abs _section_cstart, $3  }
0xc1: {  	[dreg:$0x1] =	wrdreg $0xFFFFFFFF  }
0xc2: {  	_ =	task.clear_ibuf [dreg:s6], $0x2FFFF;
	_ =	strace $0x9FFFFFFF  }
0xc3: {  	(tm) =	ssettm $0x7FFFFFFF  }
tec
execute0_lowered:
.L_overlay_start_1:
0x0: {  	(tag) =	ssettag $0x1  }
0x1: {  	s0 =	rddreg [dreg:$0x0]  }
0x2: {  	s1 =	rddreg [dreg:$0x1];
	s2 =	srdreg.scid  }
0x3: {  	s11 =	stileid.u32;
	s7 =	rddreg [dreg:$0x2];
	s18 =	simm.s32 $0x1  }
0x4: {  	s19 =	simm.s32 $0x80;
	s20 =	simm.s32 $0x2;
	s28 =	simm.s32 $0x380  }
0x5: {  	s29 =	simm.s32 $0x800;
	s30 =	simm.s32 $0x0;
	s4 =	sand.u32 $0x1, s2  }
0x6: {  	s3 =	sshll.u32 s11, $0x1;
	s2 =	simm.s32 $0x0;
	s6 =	sshll.u32 s11, $0xA  }
0x7: {  	s31 =	sshll.u32 s11, $0x6;
	s5 =	sor.u32 s4, s3;
	[smem:$0x7FF] =	sst s2  }
0x8: {  	s4 =	ssub.s32 $0x2, s4;
	s3 =	sshll.u32 s5, $0x6;
	_ =	strace $0x80000047  }
0x9: {  	s9 =	sshll.u32 s5, $0x7;
	s5 =	sshll.u32 s5, $0xD;
	s10 =	sshrl.u32 s4, $0x1  }
0xa: {  	s8 =	sadd.s32 s3, s0;
	s3 =	sadd.s32 $0x4400, s0;
	s6 =	sor.u32 s6, s9  }
0xb: {  	s0 =	sadd.s32 s5, s0;
	s10 =	ssub.s32 s4, s10;
	s9 =	sand.u32 $0x3380, s6  }
0xc: {  	s5 =	sadd.s32 $0x3400, s8;
	s6 =	sor.u32 $0x1C02, s31;
	s8 =	sadd.s32 $0x3C00, s8  }
0xd: {  	s10 =	smax.u32 s10, $0x1;
	s4 =	sadd.s32 s9, s1;
	s7 =	sadd.s32 s9, s7  }
0xe: {  	s9 =	sadd.s32 $0xF46800, s0;
	s11 =	sadd.s32 $0x400, s4;
	s12 =	sadd.s32 $0x800, s4  }
0xf: {  	s13 =	sadd.s32 $0xC00, s4;
	s14 =	sadd.s32 $0x400, s7;
	s15 =	sadd.s32 $0x800, s7  }
0x10: {  	s16 =	sadd.s32 $0xC00, s7;
	s17 =	sshrl.u32 s4, $0x3;
	s21 =	sshrl.u32 s7, $0x3  }
.LBB2_1:
0x11: {  	s31 =	simm.s32 $0x10  }
0x12: {  	[spmem:s17@s19], [sflag:s6] =	dma.strided [hbm:s5@s31], $0x40, s18, $0x10   }
0x13: {  	_ =	swait.ge [sflag:s20], $0x40  }
0x14: {  	[sflag:s20] =	ssyncset.done $0x0  }
0x15: {  	[sflag:s20] =	ssyncadd.s32 $0xFFFFFFC0  }
0x16: {  	[spmem:s21@s19], [sflag:s6] =	dma.strided [hbm:s8@s31], $0x40, s18, $0x10   }
0x17: {  	_ =	swait.ge [sflag:s20], $0x40  }
0x18: {  	[sflag:s20] =	ssyncset.done $0x0  }
0x19: {  	[sflag:s20] =	ssyncadd.s32 $0xFFFFFFC0  }
0x1a: {  	[smem:s2], [sflag:$0x2] =	stream.linear.gather [spmem:s4], $0x80, $0x38;
	[tilespmem:$0x10800] =	vst v63  }
0x1b: {  	_ = 	snop  }
0x1c: {  	[smem:s19], [sflag:$0x2] =	stream.linear.gather [spmem:s11], $0x80, $0x38;
	[tilespmem:$0x10800] =	vst v63  }
0x1d: {  	s0 =	simm.s32 $0x100  }
0x1e: {  	[smem:s0], [sflag:$0x2] =	stream.linear.gather [spmem:s12], $0x80, $0x38;
	[tilespmem:$0x10800] =	vst v63  }
0x1f: {  	s23 =	simm.s32 $0x180  }
0x20: {  	[smem:s23], [sflag:$0x2] =	stream.linear.gather [spmem:s13], $0x80, $0x38;
	[tilespmem:$0x10800] =	vst v63  }
0x21: {  	_ =	swait.ge [sflag:s20], $0x200  }
0x22: {  	[sflag:s20] =	ssyncset.done $0x0  }
0x23: {  	s24 =	simm.s32 $0x200;
	[sflag:s20] =	ssyncadd.s32 $0xFFFFFE00  }
0x24: {  	[smem:s24], [sflag:$0x2] =	stream.linear.gather [spmem:s7], $0x80, $0x38;
	[tilespmem:$0x10800] =	vst v63  }
0x25: {  	s25 =	simm.s32 $0x280  }
0x26: {  	[smem:s25], [sflag:$0x2] =	stream.linear.gather [spmem:s14], $0x80, $0x38;
	[tilespmem:$0x10800] =	vst v63  }
0x27: {  	s26 =	simm.s32 $0x300  }
0x28: {  	[smem:s26], [sflag:$0x2] =	stream.linear.gather [spmem:s15], $0x80, $0x38;
	[tilespmem:$0x10800] =	vst v63  }
0x29: {  	_ = 	snop  }
0x2a: {  	[smem:s28], [sflag:$0x2] =	stream.linear.gather [spmem:s16], $0x80, $0x38;
	[tilespmem:$0x10800] =	vst v63  }
0x2b: {  	_ =	swait.ge [sflag:s20], $0x200  }
0x2c: {  	[sflag:s20] =	ssyncset.done $0x0  }
0x2d: {  	s1 =	simm.s32 $0x210;
	s0 =	simm.s32 $0x0;
	[sflag:s20] =	ssyncadd.s32 $0xFFFFFE00  }
.LBB2_2:
0x2e: {  	s22 =	sld [smem:s1+$0xFFFFFFF0]  }
0x2f: {  	s23 =	sld [smem:s31+$0xFFFFFFF0];
	_ =	sdelay $0x1  }
0x30: {  	s22 =	sshll.u32 s22, $0x7  }
0x31: {  	s23 =	sshll.u32 s23, $0xA;
	s24 =	sand.u32 $0xFFFFFC00, s22  }
0x32: {  	s22 =	sand.u32 $0x380, s22;
	s23 =	sadd.s32 s23, s24  }
0x33: {  	s23 =	sor.u32 s22, s23  }
0x34: {  	s24 =	sld [smem:s1+$0xFFFFFFF1];
	s22 =	sshra.s32 s0, $0x2;
	s23 =	sshrl.u32 s23, $0x3  }
0x35: {  	s26 =	sld [smem:s31+$0xFFFFFFF1];
	s25 =	sadd.s32 $0x800, s22;
	s23 =	sadd.s32 s3, s23  }
0x36: {  	[tilespmem:s25], [sflag:$0x1] =	stream.linear.gather [hbm4b:s23+s2], $0x80, $0x38;
	[tilespmem:$0x10800] =	vst v63  }
0x37: {  	s23 =	sshll.u32 s24, $0x7  }
0x38: {  	s25 =	sshll.u32 s26, $0xA;
	s26 =	sand.u32 $0xFFFFFC00, s23  }
0x39: {  	s23 =	sand.u32 $0x380, s23;
	s24 =	sadd.s32 s25, s26  }
0x3a: {  	s23 =	sor.u32 s23, s24  }
0x3b: {  	s24 =	sld [smem:s1+$0xFFFFFFF2];
	s23 =	sshrl.u32 s23, $0x3  }
0x3c: {  	s25 =	sadd.s32 $0x880, s22;
	s26 =	sld [smem:s31+$0xFFFFFFF2];
	s23 =	sadd.s32 s3, s23  }
0x3d: {  	[tilespmem:s25], [sflag:$0x1] =	stream.linear.gather [hbm4b:s23+s2], $0x80, $0x38;
	[tilespmem:$0x10800] =	vst v63  }
0x3e: {  	s23 =	sshll.u32 s24, $0x7  }
0x3f: {  	s25 =	sshll.u32 s26, $0xA;
	s26 =	sand.u32 $0xFFFFFC00, s23  }
0x40: {  	s23 =	sand.u32 $0x380, s23;
	s24 =	sadd.s32 s25, s26  }
0x41: {  	s23 =	sor.u32 s23, s24  }
0x42: {  	s24 =	sld [smem:s1+$0xFFFFFFF3];
	s23 =	sshrl.u32 s23, $0x3  }
0x43: {  	s25 =	sadd.s32 $0x900, s22;
	s26 =	sld [smem:s31+$0xFFFFFFF3];
	s23 =	sadd.s32 s3, s23  }
0x44: {  	[tilespmem:s25], [sflag:$0x1] =	stream.linear.gather [hbm4b:s23+s2], $0x80, $0x38;
	[tilespmem:$0x10800] =	vst v63  }
0x45: {  	s23 =	sshll.u32 s24, $0x7  }
0x46: {  	s25 =	sshll.u32 s26, $0xA;
	s26 =	sand.u32 $0xFFFFFC00, s23  }
0x47: {  	s23 =	sand.u32 $0x380, s23;
	s24 =	sadd.s32 s25, s26  }
0x48: {  	s23 =	sor.u32 s23, s24  }
0x49: {  	s24 =	sld [smem:s1+$0xFFFFFFF4];
	s23 =	sshrl.u32 s23, $0x3  }
0x4a: {  	s25 =	sadd.s32 $0x980, s22;
	s26 =	sld [smem:s31+$0xFFFFFFF4];
	s23 =	sadd.s32 s3, s23  }
0x4b: {  	[tilespmem:s25], [sflag:$0x1] =	stream.linear.gather [hbm4b:s23+s2], $0x80, $0x38;
	[tilespmem:$0x10800] =	vst v63  }
0x4c: {  	s23 =	sshll.u32 s24, $0x7  }
0x4d: {  	s25 =	sshll.u32 s26, $0xA;
	s26 =	sand.u32 $0xFFFFFC00, s23  }
0x4e: {  	s23 =	sand.u32 $0x380, s23;
	s24 =	sadd.s32 s25, s26  }
0x4f: {  	s23 =	sor.u32 s23, s24  }
0x50: {  	s24 =	sld [smem:s1+$0xFFFFFFF5];
	s23 =	sshrl.u32 s23, $0x3  }
0x51: {  	s25 =	sadd.s32 $0xA00, s22;
	s26 =	sld [smem:s31+$0xFFFFFFF5];
	s23 =	sadd.s32 s3, s23  }
0x52: {  	[tilespmem:s25], [sflag:$0x1] =	stream.linear.gather [hbm4b:s23+s2], $0x80, $0x38;
	[tilespmem:$0x10800] =	vst v63  }
0x53: {  	s23 =	sshll.u32 s24, $0x7  }
0x54: {  	s25 =	sshll.u32 s26, $0xA;
	s26 =	sand.u32 $0xFFFFFC00, s23  }
0x55: {  	s23 =	sand.u32 $0x380, s23;
	s24 =	sadd.s32 s25, s26  }
0x56: {  	s23 =	sor.u32 s23, s24  }
0x57: {  	s24 =	sld [smem:s1+$0xFFFFFFF6];
	s23 =	sshrl.u32 s23, $0x3  }
0x58: {  	s25 =	sadd.s32 $0xA80, s22;
	s26 =	sld [smem:s31+$0xFFFFFFF6];
	s23 =	sadd.s32 s3, s23  }
0x59: {  	[tilespmem:s25], [sflag:$0x1] =	stream.linear.gather [hbm4b:s23+s2], $0x80, $0x38;
	[tilespmem:$0x10800] =	vst v63  }
0x5a: {  	s23 =	sshll.u32 s24, $0x7  }
0x5b: {  	s25 =	sshll.u32 s26, $0xA;
	s26 =	sand.u32 $0xFFFFFC00, s23  }
0x5c: {  	s23 =	sand.u32 $0x380, s23;
	s24 =	sadd.s32 s25, s26  }
0x5d: {  	s23 =	sor.u32 s23, s24  }
0x5e: {  	s24 =	sld [smem:s1+$0xFFFFFFF7];
	s23 =	sshrl.u32 s23, $0x3  }
0x5f: {  	s25 =	sadd.s32 $0xB00, s22;
	s26 =	sld [smem:s31+$0xFFFFFFF7];
	s23 =	sadd.s32 s3, s23  }
0x60: {  	[tilespmem:s25], [sflag:$0x1] =	stream.linear.gather [hbm4b:s23+s2], $0x80, $0x38;
	[tilespmem:$0x10800] =	vst v63  }
0x61: {  	s23 =	sshll.u32 s24, $0x7  }
0x62: {  	s25 =	sshll.u32 s26, $0xA;
	s26 =	sand.u32 $0xFFFFFC00, s23  }
0x63: {  	s23 =	sand.u32 $0x380, s23;
	s24 =	sadd.s32 s25, s26  }
0x64: {  	s23 =	sor.u32 s23, s24  }
0x65: {  	s24 =	sld [smem:s1+$0xFFFFFFF8];
	s23 =	sshrl.u32 s23, $0x3  }
0x66: {  	s25 =	sadd.s32 $0xB80, s22;
	s26 =	sld [smem:s31+$0xFFFFFFF8];
	s23 =	sadd.s32 s3, s23  }
0x67: {  	[tilespmem:s25], [sflag:$0x1] =	stream.linear.gather [hbm4b:s23+s2], $0x80, $0x38;
	[tilespmem:$0x10800] =	vst v63  }
0x68: {  	s23 =	sshll.u32 s24, $0x7  }
0x69: {  	s25 =	sshll.u32 s26, $0xA;
	s26 =	sand.u32 $0xFFFFFC00, s23  }
0x6a: {  	s23 =	sand.u32 $0x380, s23;
	s24 =	sadd.s32 s25, s26  }
0x6b: {  	s23 =	sor.u32 s23, s24  }
0x6c: {  	s24 =	sld [smem:s1+$0xFFFFFFF9];
	s23 =	sshrl.u32 s23, $0x3  }
0x6d: {  	s25 =	sadd.s32 $0xC00, s22;
	s26 =	sld [smem:s31+$0xFFFFFFF9];
	s23 =	sadd.s32 s3, s23  }
0x6e: {  	[tilespmem:s25], [sflag:$0x1] =	stream.linear.gather [hbm4b:s23+s2], $0x80, $0x38;
	[tilespmem:$0x10800] =	vst v63  }
0x6f: {  	s23 =	sshll.u32 s24, $0x7  }
0x70: {  	s25 =	sshll.u32 s26, $0xA;
	s26 =	sand.u32 $0xFFFFFC00, s23  }
0x71: {  	s23 =	sand.u32 $0x380, s23;
	s24 =	sadd.s32 s25, s26  }
0x72: {  	s23 =	sor.u32 s23, s24  }
0x73: {  	s24 =	sld [smem:s1+$0xFFFFFFFA];
	s23 =	sshrl.u32 s23, $0x3  }
0x74: {  	s25 =	sadd.s32 $0xC80, s22;
	s26 =	sld [smem:s31+$0xFFFFFFFA];
	s23 =	sadd.s32 s3, s23  }
0x75: {  	[tilespmem:s25], [sflag:$0x1] =	stream.linear.gather [hbm4b:s23+s2], $0x80, $0x38;
	[tilespmem:$0x10800] =	vst v63  }
0x76: {  	s23 =	sshll.u32 s24, $0x7  }
0x77: {  	s25 =	sshll.u32 s26, $0xA;
	s26 =	sand.u32 $0xFFFFFC00, s23  }
0x78: {  	s23 =	sand.u32 $0x380, s23;
	s24 =	sadd.s32 s25, s26  }
0x79: {  	s23 =	sor.u32 s23, s24  }
0x7a: {  	s24 =	sld [smem:s1+$0xFFFFFFFB];
	s23 =	sshrl.u32 s23, $0x3  }
0x7b: {  	s25 =	sadd.s32 $0xD00, s22;
	s26 =	sld [smem:s31+$0xFFFFFFFB];
	s23 =	sadd.s32 s3, s23  }
0x7c: {  	[tilespmem:s25], [sflag:$0x1] =	stream.linear.gather [hbm4b:s23+s2], $0x80, $0x38;
	[tilespmem:$0x10800] =	vst v63  }
0x7d: {  	s23 =	sshll.u32 s24, $0x7  }
0x7e: {  	s25 =	sshll.u32 s26, $0xA;
	s26 =	sand.u32 $0xFFFFFC00, s23  }
0x7f: {  	s23 =	sand.u32 $0x380, s23;
	s24 =	sadd.s32 s25, s26  }
0x80: {  	s23 =	sor.u32 s23, s24  }
0x81: {  	s24 =	sld [smem:s1+$0xFFFFFFFC];
	s23 =	sshrl.u32 s23, $0x3  }
0x82: {  	s25 =	sadd.s32 $0xD80, s22;
	s26 =	sld [smem:s31+$0xFFFFFFFC];
	s23 =	sadd.s32 s3, s23  }
0x83: {  	[tilespmem:s25], [sflag:$0x1] =	stream.linear.gather [hbm4b:s23+s2], $0x80, $0x38;
	[tilespmem:$0x10800] =	vst v63  }
0x84: {  	s23 =	sshll.u32 s24, $0x7  }
0x85: {  	s25 =	sshll.u32 s26, $0xA;
	s26 =	sand.u32 $0xFFFFFC00, s23  }
0x86: {  	s23 =	sand.u32 $0x380, s23;
	s24 =	sadd.s32 s25, s26  }
0x87: {  	s23 =	sor.u32 s23, s24  }
0x88: {  	s24 =	sld [smem:s1+$0xFFFFFFFD];
	s23 =	sshrl.u32 s23, $0x3  }
0x89: {  	s25 =	sadd.s32 $0xE00, s22;
	s26 =	sld [smem:s31+$0xFFFFFFFD];
	s23 =	sadd.s32 s3, s23  }
0x8a: {  	[tilespmem:s25], [sflag:$0x1] =	stream.linear.gather [hbm4b:s23+s2], $0x80, $0x38;
	[tilespmem:$0x10800] =	vst v63  }
0x8b: {  	s23 =	sshll.u32 s24, $0x7  }
0x8c: {  	s25 =	sshll.u32 s26, $0xA;
	s26 =	sand.u32 $0xFFFFFC00, s23  }
0x8d: {  	s23 =	sand.u32 $0x380, s23;
	s24 =	sadd.s32 s25, s26  }
0x8e: {  	s23 =	sor.u32 s23, s24  }
0x8f: {  	s24 =	sld [smem:s1+$0xFFFFFFFE];
	s23 =	sshrl.u32 s23, $0x3  }
0x90: {  	s25 =	sadd.s32 $0xE80, s22;
	s26 =	sld [smem:s31+$0xFFFFFFFE];
	s23 =	sadd.s32 s3, s23  }
0x91: {  	[tilespmem:s25], [sflag:$0x1] =	stream.linear.gather [hbm4b:s23+s2], $0x80, $0x38;
	[tilespmem:$0x10800] =	vst v63  }
0x92: {  	s23 =	sshll.u32 s24, $0x7  }
0x93: {  	s25 =	sshll.u32 s26, $0xA;
	s26 =	sand.u32 $0xFFFFFC00, s23  }
0x94: {  	s23 =	sand.u32 $0x380, s23;
	s24 =	sadd.s32 s25, s26  }
0x95: {  	s23 =	sor.u32 s23, s24  }
0x96: {  	s24 =	sld [smem:s1+$0xFFFFFFFF];
	s23 =	sshrl.u32 s23, $0x3  }
0x97: {  	s25 =	sadd.s32 $0xF00, s22;
	s26 =	sld [smem:s31+$0xFFFFFFFF];
	s23 =	sadd.s32 s3, s23  }
0x98: {  	[tilespmem:s25], [sflag:$0x1] =	stream.linear.gather [hbm4b:s23+s2], $0x80, $0x38;
	[tilespmem:$0x10800] =	vst v63  }
0x99: {  	s23 =	sshll.u32 s24, $0x7  }
0x9a: {  	s25 =	sshll.u32 s26, $0xA;
	s26 =	sand.u32 $0xFFFFFC00, s23  }
0x9b: {  	s23 =	sand.u32 $0x380, s23;
	s24 =	sadd.s32 s25, s26  }
0x9c: {  	s23 =	sor.u32 s23, s24  }
0x9d: {  	s24 =	sld [smem:s1+$0x0];
	s23 =	sshrl.u32 s23, $0x3  }
0x9e: {  	s25 =	sadd.s32 $0xF80, s22;
	s26 =	sld [smem:s31+$0x0];
	s23 =	sadd.s32 s3, s23  }
0x9f: {  	[tilespmem:s25], [sflag:$0x1] =	stream.linear.gather [hbm4b:s23+s2], $0x80, $0x38;
	[tilespmem:$0x10800] =	vst v63  }
0xa0: {  	s23 =	sshll.u32 s24, $0x7  }
0xa1: {  	s25 =	sshll.u32 s26, $0xA;
	s26 =	sand.u32 $0xFFFFFC00, s23  }
0xa2: {  	s23 =	sand.u32 $0x380, s23;
	s24 =	sadd.s32 s25, s26  }
0xa3: {  	s23 =	sor.u32 s23, s24  }
0xa4: {  	s24 =	sld [smem:s1+$0x1];
	s23 =	sshrl.u32 s23, $0x3  }
0xa5: {  	s25 =	sadd.s32 $0x1000, s22;
	s26 =	sld [smem:s31+$0x1];
	s23 =	sadd.s32 s3, s23  }
0xa6: {  	[tilespmem:s25], [sflag:$0x1] =	stream.linear.gather [hbm4b:s23+s2], $0x80, $0x38;
	[tilespmem:$0x10800] =	vst v63  }
0xa7: {  	s23 =	sshll.u32 s24, $0x7  }
0xa8: {  	s25 =	sshll.u32 s26, $0xA;
	s26 =	sand.u32 $0xFFFFFC00, s23  }
0xa9: {  	s23 =	sand.u32 $0x380, s23;
	s24 =	sadd.s32 s25, s26  }
0xaa: {  	s23 =	sor.u32 s23, s24  }
0xab: {  	s24 =	sld [smem:s1+$0x2];
	s23 =	sshrl.u32 s23, $0x3  }
0xac: {  	s25 =	sadd.s32 $0x1080, s22;
	s26 =	sld [smem:s31+$0x2];
	s23 =	sadd.s32 s3, s23  }
0xad: {  	[tilespmem:s25], [sflag:$0x1] =	stream.linear.gather [hbm4b:s23+s2], $0x80, $0x38;
	[tilespmem:$0x10800] =	vst v63  }
0xae: {  	s23 =	sshll.u32 s24, $0x7  }
0xaf: {  	s25 =	sshll.u32 s26, $0xA;
	s26 =	sand.u32 $0xFFFFFC00, s23  }
0xb0: {  	s23 =	sand.u32 $0x380, s23;
	s24 =	sadd.s32 s25, s26  }
0xb1: {  	s23 =	sor.u32 s23, s24  }
0xb2: {  	s24 =	sld [smem:s1+$0x3];
	s23 =	sshrl.u32 s23, $0x3  }
0xb3: {  	s25 =	sadd.s32 $0x1100, s22;
	s26 =	sld [smem:s31+$0x3];
	s23 =	sadd.s32 s3, s23  }
0xb4: {  	[tilespmem:s25], [sflag:$0x1] =	stream.linear.gather [hbm4b:s23+s2], $0x80, $0x38;
	[tilespmem:$0x10800] =	vst v63  }
0xb5: {  	s23 =	sshll.u32 s24, $0x7  }
0xb6: {  	s25 =	sshll.u32 s26, $0xA;
	s26 =	sand.u32 $0xFFFFFC00, s23  }
0xb7: {  	s23 =	sand.u32 $0x380, s23;
	s24 =	sadd.s32 s25, s26  }
0xb8: {  	s23 =	sor.u32 s23, s24  }
0xb9: {  	s24 =	sld [smem:s1+$0x4];
	s23 =	sshrl.u32 s23, $0x3  }
0xba: {  	s25 =	sadd.s32 $0x1180, s22;
	s26 =	sld [smem:s31+$0x4];
	s23 =	sadd.s32 s3, s23  }
0xbb: {  	[tilespmem:s25], [sflag:$0x1] =	stream.linear.gather [hbm4b:s23+s2], $0x80, $0x38;
	[tilespmem:$0x10800] =	vst v63  }
0xbc: {  	s23 =	sshll.u32 s24, $0x7  }
0xbd: {  	s25 =	sshll.u32 s26, $0xA;
	s26 =	sand.u32 $0xFFFFFC00, s23  }
0xbe: {  	s23 =	sand.u32 $0x380, s23;
	s24 =	sadd.s32 s25, s26  }
0xbf: {  	s23 =	sor.u32 s23, s24  }
0xc0: {  	s24 =	sld [smem:s1+$0x5];
	s23 =	sshrl.u32 s23, $0x3  }
0xc1: {  	s25 =	sadd.s32 $0x1200, s22;
	s26 =	sld [smem:s31+$0x5];
	s23 =	sadd.s32 s3, s23  }
0xc2: {  	[tilespmem:s25], [sflag:$0x1] =	stream.linear.gather [hbm4b:s23+s2], $0x80, $0x38;
	[tilespmem:$0x10800] =	vst v63  }
0xc3: {  	s23 =	sshll.u32 s24, $0x7  }
0xc4: {  	s25 =	sshll.u32 s26, $0xA;
	s26 =	sand.u32 $0xFFFFFC00, s23  }
0xc5: {  	s23 =	sand.u32 $0x380, s23;
	s24 =	sadd.s32 s25, s26  }
0xc6: {  	s23 =	sor.u32 s23, s24  }
0xc7: {  	s24 =	sld [smem:s1+$0x6];
	s23 =	sshrl.u32 s23, $0x3  }
0xc8: {  	s25 =	sadd.s32 $0x1280, s22;
	s26 =	sld [smem:s31+$0x6];
	s23 =	sadd.s32 s3, s23  }
0xc9: {  	[tilespmem:s25], [sflag:$0x1] =	stream.linear.gather [hbm4b:s23+s2], $0x80, $0x38;
	[tilespmem:$0x10800] =	vst v63  }
0xca: {  	s23 =	sshll.u32 s24, $0x7  }
0xcb: {  	s25 =	sshll.u32 s26, $0xA;
	s26 =	sand.u32 $0xFFFFFC00, s23  }
0xcc: {  	s23 =	sand.u32 $0x380, s23;
	s24 =	sadd.s32 s25, s26  }
0xcd: {  	s23 =	sor.u32 s23, s24  }
0xce: {  	s24 =	sld [smem:s1+$0x7];
	s23 =	sshrl.u32 s23, $0x3  }
0xcf: {  	s25 =	sadd.s32 $0x1300, s22;
	s26 =	sld [smem:s31+$0x7];
	s23 =	sadd.s32 s3, s23  }
0xd0: {  	[tilespmem:s25], [sflag:$0x1] =	stream.linear.gather [hbm4b:s23+s2], $0x80, $0x38;
	[tilespmem:$0x10800] =	vst v63  }
0xd1: {  	s23 =	sshll.u32 s24, $0x7  }
0xd2: {  	s25 =	sshll.u32 s26, $0xA;
	s26 =	sand.u32 $0xFFFFFC00, s23  }
0xd3: {  	s23 =	sand.u32 $0x380, s23;
	s24 =	sadd.s32 s25, s26  }
0xd4: {  	s23 =	sor.u32 s23, s24  }
0xd5: {  	s24 =	sld [smem:s1+$0x8];
	s23 =	sshrl.u32 s23, $0x3  }
0xd6: {  	s25 =	sadd.s32 $0x1380, s22;
	s26 =	sld [smem:s31+$0x8];
	s23 =	sadd.s32 s3, s23  }
0xd7: {  	[tilespmem:s25], [sflag:$0x1] =	stream.linear.gather [hbm4b:s23+s2], $0x80, $0x38;
	[tilespmem:$0x10800] =	vst v63  }
0xd8: {  	s23 =	sshll.u32 s24, $0x7  }
0xd9: {  	s25 =	sshll.u32 s26, $0xA;
	s26 =	sand.u32 $0xFFFFFC00, s23  }
0xda: {  	s23 =	sand.u32 $0x380, s23;
	s24 =	sadd.s32 s25, s26  }
0xdb: {  	s23 =	sor.u32 s23, s24  }
0xdc: {  	s24 =	sld [smem:s1+$0x9];
	s23 =	sshrl.u32 s23, $0x3  }
0xdd: {  	s25 =	sadd.s32 $0x1400, s22;
	s26 =	sld [smem:s31+$0x9];
	s23 =	sadd.s32 s3, s23  }
0xde: {  	[tilespmem:s25], [sflag:$0x1] =	stream.linear.gather [hbm4b:s23+s2], $0x80, $0x38;
	[tilespmem:$0x10800] =	vst v63  }
0xdf: {  	s23 =	sshll.u32 s24, $0x7  }
0xe0: {  	s25 =	sshll.u32 s26, $0xA;
	s26 =	sand.u32 $0xFFFFFC00, s23  }
0xe1: {  	s23 =	sand.u32 $0x380, s23;
	s24 =	sadd.s32 s25, s26  }
0xe2: {  	s23 =	sor.u32 s23, s24  }
0xe3: {  	s24 =	sld [smem:s1+$0xA];
	s23 =	sshrl.u32 s23, $0x3  }
0xe4: {  	s25 =	sadd.s32 $0x1480, s22;
	s26 =	sld [smem:s31+$0xA];
	s23 =	sadd.s32 s3, s23  }
0xe5: {  	[tilespmem:s25], [sflag:$0x1] =	stream.linear.gather [hbm4b:s23+s2], $0x80, $0x38;
	[tilespmem:$0x10800] =	vst v63  }
0xe6: {  	s23 =	sshll.u32 s24, $0x7  }
0xe7: {  	s25 =	sshll.u32 s26, $0xA;
	s26 =	sand.u32 $0xFFFFFC00, s23  }
0xe8: {  	s23 =	sand.u32 $0x380, s23;
	s24 =	sadd.s32 s25, s26  }
0xe9: {  	s23 =	sor.u32 s23, s24  }
0xea: {  	s24 =	sld [smem:s1+$0xB];
	s23 =	sshrl.u32 s23, $0x3  }
0xeb: {  	s25 =	sadd.s32 $0x1500, s22;
	s26 =	sld [smem:s31+$0xB];
	s23 =	sadd.s32 s3, s23  }
0xec: {  	[tilespmem:s25], [sflag:$0x1] =	stream.linear.gather [hbm4b:s23+s2], $0x80, $0x38;
	[tilespmem:$0x10800] =	vst v63  }
0xed: {  	s23 =	sshll.u32 s24, $0x7  }
0xee: {  	s25 =	sshll.u32 s26, $0xA;
	s26 =	sand.u32 $0xFFFFFC00, s23  }
0xef: {  	s23 =	sand.u32 $0x380, s23;
	s24 =	sadd.s32 s25, s26  }
0xf0: {  	s23 =	sor.u32 s23, s24  }
0xf1: {  	s24 =	sld [smem:s1+$0xC];
	s23 =	sshrl.u32 s23, $0x3  }
0xf2: {  	s25 =	sadd.s32 $0x1580, s22;
	s26 =	sld [smem:s31+$0xC];
	s23 =	sadd.s32 s3, s23  }
0xf3: {  	[tilespmem:s25], [sflag:$0x1] =	stream.linear.gather [hbm4b:s23+s2], $0x80, $0x38;
	[tilespmem:$0x10800] =	vst v63  }
0xf4: {  	s23 =	sshll.u32 s24, $0x7  }
0xf5: {  	s25 =	sshll.u32 s26, $0xA;
	s26 =	sand.u32 $0xFFFFFC00, s23  }
0xf6: {  	s23 =	sand.u32 $0x380, s23;
	s24 =	sadd.s32 s25, s26  }
0xf7: {  	s23 =	sor.u32 s23, s24  }
0xf8: {  	s24 =	sld [smem:s1+$0xD];
	s23 =	sshrl.u32 s23, $0x3  }
0xf9: {  	s25 =	sadd.s32 $0x1600, s22;
	s26 =	sld [smem:s31+$0xD];
	s23 =	sadd.s32 s3, s23  }
0xfa: {  	[tilespmem:s25], [sflag:$0x1] =	stream.linear.gather [hbm4b:s23+s2], $0x80, $0x38;
	[tilespmem:$0x10800] =	vst v63  }
0xfb: {  	s23 =	sshll.u32 s24, $0x7  }
0xfc: {  	s25 =	sshll.u32 s26, $0xA;
	s26 =	sand.u32 $0xFFFFFC00, s23  }
0xfd: {  	s23 =	sand.u32 $0x380, s23;
	s24 =	sadd.s32 s25, s26  }
0xfe: {  	s23 =	sor.u32 s23, s24  }
0xff: {  	s24 =	sld [smem:s1+$0xE];
	s23 =	sshrl.u32 s23, $0x3  }
0x100: {  	s25 =	sadd.s32 $0x1680, s22;
	s26 =	sld [smem:s31+$0xE];
	s23 =	sadd.s32 s3, s23  }
0x101: {  	[tilespmem:s25], [sflag:$0x1] =	stream.linear.gather [hbm4b:s23+s2], $0x80, $0x38;
	[tilespmem:$0x10800] =	vst v63  }
0x102: {  	s23 =	sshll.u32 s24, $0x7  }
0x103: {  	s25 =	sshll.u32 s26, $0xA;
	s26 =	sand.u32 $0xFFFFFC00, s23  }
0x104: {  	s23 =	sand.u32 $0x380, s23;
	s24 =	sadd.s32 s25, s26  }
0x105: {  	s23 =	sor.u32 s23, s24  }
0x106: {  	s24 =	sld [smem:s1+$0xF];
	s23 =	sshrl.u32 s23, $0x3  }
0x107: {  	s25 =	sadd.s32 $0x1700, s22;
	s26 =	sld [smem:s31+$0xF];
	s23 =	sadd.s32 s3, s23  }
0x108: {  	[tilespmem:s25], [sflag:$0x1] =	stream.linear.gather [hbm4b:s23+s2], $0x80, $0x38;
	[tilespmem:$0x10800] =	vst v63  }
0x109: {  	s23 =	sshll.u32 s24, $0x7  }
0x10a: {  	s25 =	sshll.u32 s26, $0xA;
	s26 =	sand.u32 $0xFFFFFC00, s23  }
0x10b: {  	s23 =	sand.u32 $0x380, s23;
	s24 =	sadd.s32 s25, s26  }
0x10c: {  	s23 =	sor.u32 s23, s24  }
0x10d: {  	s23 =	sshrl.u32 s23, $0x3  }
0x10e: {  	s22 =	sadd.s32 $0x1780, s22;
	s23 =	sadd.s32 s3, s23  }
0x10f: {  	[tilespmem:s22], [sflag:$0x1] =	stream.linear.gather [hbm4b:s23+s2], $0x80, $0x38;
	[tilespmem:$0x10800] =	vst v63  }
0x110: {  	_ =	swait.ge [sflag:s18], $0x80  }
0x111: {  	[sflag:s18] =	ssyncset.done $0x0  }
0x112: {  	[sflag:s18] =	ssyncadd.s32 $0xFFFFFF80  }
0x113: {  	_ =	swait.ge [sflag:s18], $0x80  }
0x114: {  	[sflag:s18] =	ssyncset.done $0x0  }
0x115: {  	[sflag:s18] =	ssyncadd.s32 $0xFFFFFF80  }
0x116: {  	_ =	swait.ge [sflag:s18], $0x80  }
0x117: {  	[sflag:s18] =	ssyncset.done $0x0  }
0x118: {  	[sflag:s18] =	ssyncadd.s32 $0xFFFFFF80  }
0x119: {  	_ =	swait.ge [sflag:s18], $0x80  }
0x11a: {  	[sflag:s18] =	ssyncset.done $0x0  }
0x11b: {  	[sflag:s18] =	ssyncadd.s32 $0xFFFFFF80  }
0x11c: {  	_ =	swait.ge [sflag:s18], $0x80  }
0x11d: {  	[sflag:s18] =	ssyncset.done $0x0  }
0x11e: {  	[sflag:s18] =	ssyncadd.s32 $0xFFFFFF80  }
0x11f: {  	_ =	swait.ge [sflag:s18], $0x80  }
0x120: {  	[sflag:s18] =	ssyncset.done $0x0  }
0x121: {  	[sflag:s18] =	ssyncadd.s32 $0xFFFFFF80  }
0x122: {  	_ =	swait.ge [sflag:s18], $0x80  }
0x123: {  	[sflag:s18] =	ssyncset.done $0x0  }
0x124: {  	[sflag:s18] =	ssyncadd.s32 $0xFFFFFF80  }
0x125: {  	_ =	swait.ge [sflag:s18], $0x80  }
0x126: {  	[sflag:s18] =	ssyncset.done $0x0  }
0x127: {  	[sflag:s18] =	ssyncadd.s32 $0xFFFFFF80  }
0x128: {  	_ =	swait.ge [sflag:s18], $0x80  }
0x129: {  	[sflag:s18] =	ssyncset.done $0x0  }
0x12a: {  	[sflag:s18] =	ssyncadd.s32 $0xFFFFFF80  }
0x12b: {  	_ =	swait.ge [sflag:s18], $0x80  }
0x12c: {  	[sflag:s18] =	ssyncset.done $0x0  }
0x12d: {  	[sflag:s18] =	ssyncadd.s32 $0xFFFFFF80  }
0x12e: {  	_ =	swait.ge [sflag:s18], $0x80  }
0x12f: {  	[sflag:s18] =	ssyncset.done $0x0  }
0x130: {  	[sflag:s18] =	ssyncadd.s32 $0xFFFFFF80  }
0x131: {  	_ =	swait.ge [sflag:s18], $0x80  }
0x132: {  	[sflag:s18] =	ssyncset.done $0x0  }
0x133: {  	[sflag:s18] =	ssyncadd.s32 $0xFFFFFF80  }
0x134: {  	_ =	swait.ge [sflag:s18], $0x80  }
0x135: {  	[sflag:s18] =	ssyncset.done $0x0  }
0x136: {  	[sflag:s18] =	ssyncadd.s32 $0xFFFFFF80  }
0x137: {  	_ =	swait.ge [sflag:s18], $0x80  }
0x138: {  	[sflag:s18] =	ssyncset.done $0x0  }
0x139: {  	[sflag:s18] =	ssyncadd.s32 $0xFFFFFF80  }
0x13a: {  	_ =	swait.ge [sflag:s18], $0x80  }
0x13b: {  	[sflag:s18] =	ssyncset.done $0x0  }
0x13c: {  	[sflag:s18] =	ssyncadd.s32 $0xFFFFFF80  }
0x13d: {  	_ =	swait.ge [sflag:s18], $0x80  }
0x13e: {  	[sflag:s18] =	ssyncset.done $0x0  }
0x13f: {  	[sflag:s18] =	ssyncadd.s32 $0xFFFFFF80  }
0x140: {  	_ =	swait.ge [sflag:s18], $0x80  }
0x141: {  	[sflag:s18] =	ssyncset.done $0x0  }
0x142: {  	[sflag:s18] =	ssyncadd.s32 $0xFFFFFF80  }
0x143: {  	_ =	swait.ge [sflag:s18], $0x80  }
0x144: {  	[sflag:s18] =	ssyncset.done $0x0  }
0x145: {  	[sflag:s18] =	ssyncadd.s32 $0xFFFFFF80  }
0x146: {  	_ =	swait.ge [sflag:s18], $0x80  }
0x147: {  	[sflag:s18] =	ssyncset.done $0x0  }
0x148: {  	[sflag:s18] =	ssyncadd.s32 $0xFFFFFF80  }
0x149: {  	_ =	swait.ge [sflag:s18], $0x80  }
0x14a: {  	[sflag:s18] =	ssyncset.done $0x0  }
0x14b: {  	[sflag:s18] =	ssyncadd.s32 $0xFFFFFF80  }
0x14c: {  	_ =	swait.ge [sflag:s18], $0x80  }
0x14d: {  	[sflag:s18] =	ssyncset.done $0x0  }
0x14e: {  	[sflag:s18] =	ssyncadd.s32 $0xFFFFFF80  }
0x14f: {  	_ =	swait.ge [sflag:s18], $0x80  }
0x150: {  	[sflag:s18] =	ssyncset.done $0x0  }
0x151: {  	[sflag:s18] =	ssyncadd.s32 $0xFFFFFF80  }
0x152: {  	_ =	swait.ge [sflag:s18], $0x80  }
0x153: {  	[sflag:s18] =	ssyncset.done $0x0  }
0x154: {  	[sflag:s18] =	ssyncadd.s32 $0xFFFFFF80  }
0x155: {  	_ =	swait.ge [sflag:s18], $0x80  }
0x156: {  	[sflag:s18] =	ssyncset.done $0x0  }
0x157: {  	[sflag:s18] =	ssyncadd.s32 $0xFFFFFF80  }
0x158: {  	_ =	swait.ge [sflag:s18], $0x80  }
0x159: {  	[sflag:s18] =	ssyncset.done $0x0  }
0x15a: {  	[sflag:s18] =	ssyncadd.s32 $0xFFFFFF80  }
0x15b: {  	_ =	swait.ge [sflag:s18], $0x80  }
0x15c: {  	[sflag:s18] =	ssyncset.done $0x0  }
0x15d: {  	[sflag:s18] =	ssyncadd.s32 $0xFFFFFF80  }
0x15e: {  	_ =	swait.ge [sflag:s18], $0x80  }
0x15f: {  	[sflag:s18] =	ssyncset.done $0x0  }
0x160: {  	[sflag:s18] =	ssyncadd.s32 $0xFFFFFF80  }
0x161: {  	_ =	swait.ge [sflag:s18], $0x80  }
0x162: {  	[sflag:s18] =	ssyncset.done $0x0  }
0x163: {  	[sflag:s18] =	ssyncadd.s32 $0xFFFFFF80  }
0x164: {  	_ =	swait.ge [sflag:s18], $0x80  }
0x165: {  	[sflag:s18] =	ssyncset.done $0x0  }
0x166: {  	[sflag:s18] =	ssyncadd.s32 $0xFFFFFF80  }
0x167: {  	_ =	swait.ge [sflag:s18], $0x80  }
0x168: {  	[sflag:s18] =	ssyncset.done $0x0  }
0x169: {  	[sflag:s18] =	ssyncadd.s32 $0xFFFFFF80  }
0x16a: {  	p0 =	sne.s32 s0, $0x3C000;
	_ =	swait.ge [sflag:s18], $0x80  }
.Ltmp0:
0x16b: {  	[sflag:s18] =	ssyncset.done $0x0;
	(pc) =	sbr.rel @p0 .LBB2_2-.Ltmp0, $4  }
0x16c: {  	[sflag:s18] =	ssyncadd.s32 $0xFFFFFF80  }
0x16d: {  	_ =	swait.ge [sflag:s18], $0x80  }
0x16e: {  	s0 =	sadd.s32 $0x4000, s0;
	[sflag:s18] =	ssyncset.done $0x0  }
0x16f: {  	s31 =	sadd.s32 $0x20, s31;
	s1 =	sadd.s32 $0x20, s1;
	[sflag:s18] =	ssyncadd.s32 $0xFFFFFF80  }
0x170: {  	s30 =	sadd.s32 $0x1, s30  }
0x171: {  	p0 =	sne.s32 s30, s10  }
.Ltmp1:
0x172: {  	_ = 	snop;
	(pc) =	sbr.rel @p0 .LBB2_1-.Ltmp1, $4  }
0x173: {  	[hbm4b:s9+s2] =	stream.linear.scatter [tilespmem:s29], [sflag:$0x2], $0x10000, $0x38;
	[tilespmem:$0x10800] =	vst v63  }
0x174: {  	_ =	swait.ge [sflag:s20], $0x10000  }
0x175: {  	[sflag:s20] =	ssyncset.done $0x0  }
0x176: {  	[sflag:s20] =	ssyncadd.s32 $0xFFFF0000  }
0x177: {  	_ =	sfence.sel $0x180000  }
0x178: {  	[bflag:$0x0] =	sbarrier.arrive $0xFFFF  }
0x179: {  	_ =	strace $0x90000047  }
0x17a: {  	s0 =	stileid.u32;
	[bflag:$0x2] =	sbarrier.arrive $0xFFFF  }
0x17b: {  	p0 =	sne.s32 s0, $0x0;
	s0 =	rddreg [dreg:$0x3]  }
0x17c: {  	s0 =	sadd.s32 @!p0 $0x100000, s0  }
0x17d: {  	[sflag:s0] =	ssyncadd.tile.s32 @!p0 $0x1;
	_ =	shalt  }
.Lfunc_end2:
_tile_overlayer_lowered:
.L_overlay_start_2:
0x17e: {  	(tag) =	ssettag $0x2  }
0x17f: {  	s0 =	rddreg [dreg:$0x0];
	s2 =	stileid.u32  }
0x180: {  	s1 =	rddreg [dreg:$0x1];
	p0 =	sne.s32 s2, $0x0  }
0x181: {  	s3 =	rddreg [dreg:$0x2];
	[bflag:$0x3] =	sbarrier.arrive $0xFFFF;
	s2 =	simm.s32 @!p0 $0x1C02  }
0x182: {  	[timem:s3], [sflag:s2] =	dma.local @!p0 [hbm:s0], s1  }
0x183: {  	s0 =	simm.s32 @!p0 $0x2  }
0x184: {  	_ =	swait.ge @!p0 [sflag:s0], s1  }
0x185: {  	s1 =	ssub.s32 @!p0 $0x0, s1;
	[sflag:s0] =	ssyncset.done @!p0 $0x0  }
0x186: {  	[sflag:s0] =	ssyncadd.s32 @!p0 s1  }
0x187: {  	[bflag:$0x3] =	sbarrier.arrive $0xFFFF  }
0x188: {  	_ =	shalt  }

// kernel: kernel.8.cloned.1.call-start
scs
__scs_entry_jumppad:
0x0: {  	(pc) =	sbr.rel $0x88, $3  }
0x1: {  	(tag) =	ssettag $0x0;
	lr =	simm.s32 $0x1  }
0x2: {  	[smem:$0x3F8A] =	sst lr;
	_ =	strace $0xD0000000  }
0x3: {  	_ = 	snop  }
0x4: {  	_ = 	snop  }
0x5: {  	_ = 	snop  }
0x6: {  	_ = 	snop  }
0x7: {  	_ = 	snop  }
__scs_overlays_trampoline_lowered:
0x8: {  	[smem:$0x3F99] =	sst s0  }
0x9: {  	[smem:$0x3F9A] =	sst s1  }
0xa: {  	[smem:$0x3F9B] =	sst s2  }
0xb: {  	[smem:$0x3F9C] =	sst s3  }
0xc: {  	[smem:$0x3F9D] =	sst s4  }
0xd: {  	[smem:$0x3F9E] =	sst s5  }
0xe: {  	[smem:$0x3F9F] =	sst s6  }
0xf: {  	[smem:$0x3FA0] =	sst s7  }
0x10: {  	[smem:$0x3FA1] =	sst s8  }
0x11: {  	[smem:$0x3FA2] =	sst s9;
	s0 =	simm.s32 @!p0 $0x0  }
0x12: {  	s1 =	sld [smem:$0x3F88];
	s0 =	simm.s32 @p0 $0x1  }
0x13: {  	[smem:$0x3FA3] =	sst s0;
	s0 =	simm.s32 @!p1 $0x0  }
0x14: {  	s2 =	sld [smem:$0x3F87];
	s0 =	simm.s32 @p1 $0x1  }
0x15: {  	[smem:$0x3FA4] =	sst s0;
	s0 =	simm.s32 @!p2 $0x0  }
0x16: {  	s3 =	sld [smem:$0x3FDB];
	s0 =	simm.s32 @p2 $0x1  }
0x17: {  	s4 =	simm.s32 $0x1BF5;
	[smem:$0x3FA6] =	sst s0  }
0x18: {  	s0 =	sld [smem:$0x3F89];
	_ =	swait.ge [sflag:s4], $0x0  }
0x19: {  	s7 =	sld [smem:$0x3F8A]  }
0x1a: {  	s8 =	sadd.s32 $0xFFFFE003, lr  }
0x1b: {  	s9 =	sadd.s32 $0xFFFFFEF7, lr;
	s5 =	simm.s32 $0xFFFFFFFF;
	p2 =	slt.u32 s8, $0xFFFFF086  }
0x1c: {  	p1 =	slt.u32 s9, $0xF7A;
	s5 =	simm.s32 @!p2 $0x0  }
0x1d: {  	s5 =	simm.s32 @p1 $0x1;
	p0 =	seq.s32 s7, s2  }
0x1e: {  	s7 =	smul.u32 @!p0 $0xF7A, s2;
	p2 =	seq.s32 @!p0 s5, $0x0  }
0x1f: {  	s9 =	smul.u32 $0xF7A, s1;
	s8 =	simm.s32 @!p0 $0x1BF5;
	p2 =	por !p2, p0  }
0x20: {  	[sflag:s8] =	ssyncset.s32 @!p0 $0xFFFFF086;
	s6 =	sadd.s32 @!p0 s3, s7;
	s7 =	simm.s32 @!p0 $0x108  }
0x21: {  	s3 =	sadd.s32 s3, s9;
	s6 =	sadd.s32 @!p0 $0x88, s6;
	s7 =	simm.s32 @p2 $0x1082  }
0x22: {  	[simem:s7], [sflag:s8] =	dma.local @!p0 [hbm:s6], $0xF7A  }
0x23: {  	s9 =	sor.u32 $0xD0000000, s2;
	s6 =	simm.s32 $0x108;
	_ =	swait.ge @!p0 [sflag:s8], $0x0  }
0x24: {  	s3 =	sadd.s32 $0x88, s3;
	s6 =	simm.s32 @!p1 $0x1082;
	[sflag:s4] =	ssyncset.s32 $0xFFFFF086  }
0x25: {  	[simem:s6], [sflag:s4] =	dma.local [hbm:s3], $0xF7A  }
0x26: {  	[smem:$0x3F8A] =	sst s1;
	(tag) =	ssettag s2;
	_ =	strace s9  }
0x27: {  	s1 =	sld [smem:$0x3F9A]  }
0x28: {  	s2 =	sld [smem:$0x3F9B]  }
0x29: {  	s4 =	sld [smem:$0x3F9D]  }
0x2a: {  	p0 =	seq.s32 s5, $0x0;
	s5 =	sld [smem:$0x3F9E]  }
0x2b: {  	s6 =	sld [smem:$0x3F9F]  }
0x2c: {  	s7 =	sld [smem:$0x3FA0]  }
0x2d: {  	s3 =	simm.s32 $0x108;
	s8 =	sld [smem:$0x3FA1]  }
0x2e: {  	s3 =	simm.s32 @!p0 $0x1082;
	s9 =	sld [smem:$0x3FA2]  }
0x2f: {  	lr =	sadd.s32 s0, s3;
	s0 =	sld [smem:$0x3F99]  }
0x30: {  	s3 =	sld [smem:$0x3F9C]  }
0x31: {  	[smem:$0x3FA5] =	sst s10  }
0x32: {  	s10 =	sld [smem:$0x3FA3];
	_ =	sdelay $0x3  }
0x33: {  	p0 =	seq.s32 s10, $0x1;
	s10 =	sld [smem:$0x3FA5];
	_ =	sdelay $0x3  }
0x34: {  	[smem:$0x3FA5] =	sst s10  }
0x35: {  	s10 =	sld [smem:$0x3FA4];
	_ =	sdelay $0x3  }
0x36: {  	p1 =	seq.s32 s10, $0x1;
	s10 =	sld [smem:$0x3FA5];
	_ =	sdelay $0x3  }
0x37: {  	[smem:$0x3FA5] =	sst s10  }
0x38: {  	s10 =	sld [smem:$0x3FA6]  }
0x39: {  	_ = 	snop;
	(pc) =	sbr.ind lr, $3  }
0x3a: {  	_ = 	snop  }
0x3b: {  	_ = 	snop  }
0x3c: {  	p2 =	seq.s32 s10, $0x1;
	s10 =	sld [smem:$0x3FA5]  }
0x3d: {  	_ =	shalt  }
0x3e: {  	_ =	shalt  }
0x3f: {  	_ =	shalt  }
0x40: {  	_ =	shalt  }
0x41: {  	_ =	shalt  }
0x42: {  	_ =	shalt  }
0x43: {  	_ =	shalt  }
0x44: {  	_ =	shalt  }
0x45: {  	_ =	shalt  }
0x46: {  	_ =	shalt  }
0x47: {  	_ =	shalt  }
0x48: {  	_ =	shalt  }
0x49: {  	_ =	shalt  }
0x4a: {  	_ =	shalt  }
0x4b: {  	_ =	shalt  }
0x4c: {  	_ =	shalt  }
0x4d: {  	_ =	shalt  }
0x4e: {  	_ =	shalt  }
0x4f: {  	_ =	shalt  }
0x50: {  	_ =	shalt  }
0x51: {  	_ =	shalt  }
0x52: {  	_ =	shalt  }
0x53: {  	_ =	shalt  }
0x54: {  	_ =	shalt  }
0x55: {  	_ =	shalt  }
0x56: {  	_ =	shalt  }
0x57: {  	_ =	shalt  }
0x58: {  	_ =	shalt  }
0x59: {  	_ =	shalt  }
0x5a: {  	_ =	shalt  }
0x5b: {  	_ =	shalt  }
0x5c: {  	_ =	shalt  }
0x5d: {  	_ =	shalt  }
0x5e: {  	_ =	shalt  }
0x5f: {  	_ =	shalt  }
0x60: {  	_ =	shalt  }
0x61: {  	_ =	shalt  }
0x62: {  	_ =	shalt  }
0x63: {  	_ =	shalt  }
0x64: {  	_ =	shalt  }
0x65: {  	_ =	shalt  }
0x66: {  	_ =	shalt  }
0x67: {  	_ =	shalt  }
0x68: {  	_ =	shalt  }
0x69: {  	_ =	shalt  }
0x6a: {  	_ =	shalt  }
0x6b: {  	_ =	shalt  }
0x6c: {  	_ =	shalt  }
0x6d: {  	_ =	shalt  }
0x6e: {  	_ =	shalt  }
0x6f: {  	_ =	shalt  }
0x70: {  	_ =	shalt  }
0x71: {  	_ =	shalt  }
0x72: {  	_ =	shalt  }
0x73: {  	_ =	shalt  }
0x74: {  	_ =	shalt  }
0x75: {  	_ =	shalt  }
0x76: {  	_ =	shalt  }
0x77: {  	_ =	shalt  }
0x78: {  	_ =	shalt  }
0x79: {  	_ =	shalt  }
0x7a: {  	_ =	shalt  }
0x7b: {  	_ =	shalt  }
0x7c: {  	_ =	shalt  }
0x7d: {  	_ =	shalt  }
0x7e: {  	_ =	shalt  }
0x7f: {  	_ =	shalt  }
0x80: {  	_ =	shalt  }
0x81: {  	_ =	shalt  }
0x82: {  	_ =	shalt  }
0x83: {  	_ =	shalt  }
0x84: {  	_ =	shalt  }
0x85: {  	_ =	shalt  }
0x86: {  	_ =	shalt  }
0x87: {  	_ =	shalt  }
.Lfunc_end0:
.L_simem_size_0:
called_computation.1_lowered:
.L_overlay_start_0:
0x88: {  	s2 =	sld [smem:$0x3FD9]  }
0x89: {  	s3 =	sld [smem:$0x3FFE];
	_ =	sdelay $0x1  }
0x8a: {  	s1 =	srdreg.scid  }
0x8b: {  	s0 =	sand.u32 $0x1, s1  }
0x8c: {  	s17 =	sshll.u32 s0, $0xA;
	s2 =	sadd.s32 s3, s2  }
0x8d: {  	s2 =	sadd.s32 s2, s17  }
0x8e: {  	[smem:$0x3FB1] =	sst s2  }
0x8f: {  	_ = 	snop  }
0x90: {  	s18 =	sld [smem:$0x3FD0];
	(tm) =	ssettm $0x1  }
0x91: {  	s19 =	sld [smem:$0x3FFB];
	_ =	sdelay $0x3  }
0x92: {  	_ =	strace s19  }
0x93: {  	s2 =	sld [smem:$0x3FFC];
	_ =	sdelay $0x3  }
0x94: {  	_ =	strace s2  }
0x95: {  	s2 =	sld [smem:$0x3FFD];
	_ =	sdelay $0x3  }
0x96: {  	_ =	strace s2  }
0x97: {  	_ =	strace $0x8FFFFFFF  }
0x98: {  	s20 =	sld [smem:$0x3FDB];
	_ =	sdelay $0x1  }
0x99: {  	s4 =	simm.s32 $_scs_section_size  }
0x9a: {  	s5 =	simm.s32 $_size__tile_overlayer_lowered;
	s6 =	simm.s32 $_tile_overlayer_lowered  }
0x9b: {  	s7 =	simm.s32 $0x1BFF;
	s21 =	sshll.u32 s6, $0x1;
	s4 =	sadd.s32 s4, s20  }
0x9c: {  	s22 =	simm.s32 $0x0;
	s5 =	sshll.u32 s5, $0x1;
	s6 =	sadd.s32 s21, s4  }
0x9d: {  	[timem:s22], [sflag:s7] =	dma.local [hbm:s6], s5  }
0x9e: {  	_ =	swait.ge [sflag:s7], s5  }
0x9f: {  	s5 =	ssub.s32 $0x0, s5;
	[sflag:s7] =	ssyncset.done $0x0  }
0xa0: {  	[sflag:s7] =	ssyncadd.s32 s5;
	_ =	sdelay $0x1  }
0xa1: {  	s23 =	simm.s32 $0x1B8B  }
0xa2: {  	_ =	swait.ge [sflag:s23], $0x1  }
0xa3: {  	[sflag:s23] =	ssyncset.done $0x0  }
0xa4: {  	[sflag:s23] =	ssyncadd.s32 $0xFFFFFFFF  }
0xa5: {  	s5 =	sld [smem:$0x0]  }
0xa6: {  	s6 =	sand.u32 $0xFFFFFFFE, s1  }
0xa7: {  	p0 =	sne.s32 s1, s6  }
0xa8: {  	s6 =	sshll.u32 @p0 s6, $0xE  }
0xa9: {  	s6 =	sadd.s32 @p0 $0x11B8D, s6;
	s7 =	sshll.u32 @p0 s5, $0x11  }
0xaa: {  	s6 =	sor.u32 @p0 s7, s6  }
0xab: {  	[sflag:s6] =	ssyncadd.remote.s32 @p0 $0x1;
	_ =	sdelay $0x1  }
0xac: {  	s6 =	simm.s32 @p0 $0x1B8D  }
0xad: {  	_ =	swait.eq @p0 [sflag:s6], $0x1  }
0xae: {  	[sflag:s6] =	ssyncadd.s32 @p0 $0xFFFFFFFF  }
0xaf: {  	s7 =	sshll.u32 @!p0 s1, $0xE  }
0xb0: {  	s7 =	sor.u32 @!p0 $0x4000, s7;
	s6 =	simm.s32 @!p0 $0x1B8D  }
0xb1: {  	s5 =	sshll.u32 @!p0 s5, $0x11;
	s7 =	sadd.s32 @!p0 $0x11B8D, s7;
	_ =	swait.eq @!p0 [sflag:s6], $0x1  }
0xb2: {  	s5 =	sor.u32 @!p0 s5, s7;
	[sflag:s6] =	ssyncadd.s32 @!p0 $0xFFFFFFFF  }
0xb3: {  	s25 =	simm.s32 $0x1B8E;
	s24 =	sld [smem:$0x3FFE];
	[sflag:s5] =	ssyncadd.remote.s32 @!p0 $0x1  }
0xb4: {  	s26 =	simm.s32 $execute0_lowered;
	[smem:$0x3FD2] =	sst s25  }
0xb5: {  	s6 =	sshll.u32 s26, $0x1;
	_ =	strace $0x80000049;
	[dreg:$0x1] =	wrdreg $0xFFFFFFFF  }
0xb6: {  	s28 =	simm.s32 $_size_execute0_lowered;
	s4 =	sadd.s32 s4, s6;
	[dreg:$0x0] =	wrdreg $0x0  }
0xb7: {  	s6 =	sshll.u32 s28, $0x1;
	[dreg:$0x2] =	wrdreg s4  }
0xb8: {  	[dreg:$0x3] =	wrdreg s6  }
0xb9: {  	[dreg:$0x4] =	wrdreg $0xC0  }
0xba: {  	_ =	task [dreg:s22], $0x5FFFF  }
0xbb: {  	[dreg:$0x1] =	wrdreg $0xFFFFFFFF  }
0xbc: {  	[dreg:$0x0] =	wrdreg $0x60  }
0xbd: {  	[dreg:$0x2] =	wrdreg s18  }
0xbe: {  	[dreg:$0x3] =	wrdreg s24  }
0xbf: {  	[dreg:$0x4] =	wrdreg $0x0  }
0xc0: {  	[dreg:$0x5] =	wrdreg $0xA  }
0xc1: {  	_ =	task.clear_ibuf [dreg:s22], $0x6FFFF;
	_ =	strace $0x90000049  }
0xc2: {  	s29 =	simm.s32 $0xA;
	_ =	strace $0x8000004B  }
0xc3: {  	_ =	swait.ge [sflag:s29], $0x1  }
0xc4: {  	[sflag:s29] =	ssyncadd.s32 $0xFFFFFFFF  }
0xc5: {  	_ =	strace $0x9000004B  }
0xc6: {  	_ =	sfence  }
0xc7: {  	s30 =	sld [smem:$0x0];
	_ =	sdelay $0x2  }
0xc8: {  	s31 =	sshll.u32 s1, $0xD;
	s1 =	sshrl.u32 s1, $0x2  }
0xc9: {  	s4 =	sand.u32 $0x4000, s31;
	s1 =	sadd.s32 s1, s30  }
0xca: {  	s0 =	sor.u32 s4, s0;
	s1 =	sshll.u32 s1, $0x11  }
0xcb: {  	s0 =	sor.u32 s1, s0  }
0xcc: {  	s0 =	sadd.s32 $0x8F2B, s0  }
0xcd: {  	[sflag:s0] =	ssyncadd.remote.s32 $0x1  }
0xce: {  	_ =	sfence.sel $0xFFFF  }
0xcf: {  	[dreg:$0x0] =	wrdreg $0xFFFFFFFF;
	(pc) =	sbr.abs _section_cstart, $3  }
0xd0: {  	[dreg:$0x1] =	wrdreg $0xFFFFFFFF  }
0xd1: {  	_ =	task.clear_ibuf [dreg:s22], $0x2FFFF;
	_ =	strace $0x9FFFFFFF  }
0xd2: {  	(tm) =	ssettm $0x7FFFFFFF  }
0xd3: {  	_ =	shalt  }
tec
execute0_lowered:
.L_overlay_start_1:
0x0: {  	(tag) =	ssettag $0x1  }
0x1: {  	s5 =	rddreg [dreg:$0x0]  }
0x2: {  	s4 =	rddreg [dreg:$0x1]  }
0x3: {  	s6 =	rddreg [dreg:$0x2];
	s2 =	simm.s32 $0x0;
	s3 =	srdreg.scid  }
0x4: {  	s0 =	stileid.u32;
	[smem:$0x7FF] =	sst s2;
	s7 =	sand.u32 $0x1, s3  }
0x5: {  	s17 =	sshll.u32 s0, $0x1;
	s3 =	sadd.s32 $0xF86800, s4;
	s19 =	sshll.u32 s0, $0xA  }
0x6: {  	s22 =	sshll.u32 s0, $0x6;
	_ =	strace $0x8000004A;
	s8 =	sor.u32 s7, s17  }
0x7: {  	s18 =	ssub.s32 $0x2, s7;
	s7 =	sand.u32 $0x3000, s19;
	s24 =	sor.u32 $0x1C02, s22  }
0x8: {  	s9 =	sshll.u32 s8, $0xD;
	s10 =	sshrl.u32 s18, $0x1;
	s11 =	sshll.u32 s8, $0x7  }
0x9: {  	s6 =	sadd.s32 s7, s6;
	s21 =	sshll.u32 s8, $0x6;
	[dreg:$0x5] =	wrdreg s24  }
0xa: {  	s9 =	sadd.s32 s9, s4;
	s10 =	ssub.s32 s18, s10;
	s23 =	sadd.s32 s5, s21  }
0xb: {  	s20 =	sand.u32 $0x380, s11;
	[dreg:$0x4] =	wrdreg s23;
	s25 =	sadd.s32 $0x1EC8C00, s9  }
0xc: {  	s4 =	sadd.s32 s20, s6;
	s26 =	smax.u32 s10, $0x1;
	[dreg:$0x6] =	wrdreg s25  }
0xd: {  	[dreg:$0x7] =	wrdreg s26;
	s28 =	sadd.s32 $0x400, s4  }
0xe: {  	s29 =	sadd.s32 $0x800, s4;
	[dreg:$0x8] =	wrdreg s28  }
0xf: {  	s30 =	sadd.s32 $0xC00, s4;
	[dreg:$0x9] =	wrdreg s29  }
0x10: {  	s13 =	simm.s32 $0x1;
	s31 =	sshrl.u32 s4, $0x3;
	[dreg:$0xa] =	wrdreg s30  }
0x11: {  	s15 =	simm.s32 $0x2;
	s19 =	simm.s32 $0x0;
	[dreg:$0xb] =	wrdreg s31  }
.LBB2_1:
0x12: {  	s0 =	rddreg [dreg:$0x4]  }
0x13: {  	s1 =	rddreg [dreg:$0x5]  }
0x14: {  	s20 =	simm.s32 $0x10;
	s5 =	rddreg [dreg:$0xb];
	s6 =	simm.s32 $0x80  }
0x15: {  	[spmem:s5@s6], [sflag:s1] =	dma.strided [hbm:s0@s20], $0x40, s13, $0x10   }
0x16: {  	_ =	swait.ge [sflag:s15], $0x40  }
0x17: {  	[sflag:s15] =	ssyncset.done $0x0  }
0x18: {  	[sflag:s15] =	ssyncadd.s32 $0xFFFFFFC0  }
0x19: {  	[smem:s2], [sflag:$0x2] =	stream.linear.gather [spmem:s4], $0x80, $0x38;
	[tilespmem:$0x10400] =	vst v63  }
0x1a: {  	s7 =	rddreg [dreg:$0x8]  }
0x1b: {  	[smem:s6], [sflag:$0x2] =	stream.linear.gather [spmem:s7], $0x80, $0x38;
	[tilespmem:$0x10400] =	vst v63  }
0x1c: {  	s8 =	simm.s32 $0x100;
	s0 =	rddreg [dreg:$0x9]  }
0x1d: {  	[smem:s8], [sflag:$0x2] =	stream.linear.gather [spmem:s0], $0x80, $0x38;
	[tilespmem:$0x10400] =	vst v63  }
0x1e: {  	s9 =	simm.s32 $0x180;
	s0 =	rddreg [dreg:$0xa]  }
0x1f: {  	[smem:s9], [sflag:$0x2] =	stream.linear.gather [spmem:s0], $0x80, $0x38;
	[tilespmem:$0x10400] =	vst v63  }
0x20: {  	_ =	swait.ge [sflag:s15], $0x200  }
0x21: {  	[sflag:s15] =	ssyncset.done $0x0  }
0x22: {  	[sflag:s15] =	ssyncadd.s32 $0xFFFFFE00  }
0x23: {  	s23 =	sld [smem:$0x2]  }
0x24: {  	s24 =	sld [smem:$0x3]  }
0x25: {  	s21 =	sld [smem:$0x15]  }
0x26: {  	s25 =	sld [smem:$0x0]  }
0x27: {  	s22 =	sld [smem:$0xD]  }
0x28: {  	s26 =	sld [smem:$0x4]  }
0x29: {  	s28 =	sld [smem:$0x5]  }
0x2a: {  	s29 =	sld [smem:$0x9]  }
0x2b: {  	s25 =	sshll.u32 s25, $0x4;
	s30 =	sld [smem:$0x6]  }
0x2c: {  	s25 =	sand.u32 $0x1FFFFFF0, s25;
	s31 =	sld [smem:$0xC]  }
0x2d: {  	s10 =	simm.s32 $0x400;
	s25 =	sadd.s32 s3, s25;
	s1 =	sld [smem:$0x7]  }
0x2e: {  	[tilespmem:s10], [sflag:$0x1] =	stream.linear.gather [hbm4b:s25+s2], $0x80, $0x38;
	[tilespmem:$0x10400] =	vst v63  }
0x2f: {  	s17 =	simm.s32 $0x480;
	s0 =	sld [smem:$0xA]  }
0x30: {  	s14 =	simm.s32 $0x500;
	s5 =	simm.s32 $0x600;
	s11 =	sld [smem:$0x1]  }
0x31: {  	s7 =	simm.s32 $0x680;
	s12 =	sshll.u32 s23, $0x4;
	s24 =	sshll.u32 s24, $0x4  }
0x32: {  	s26 =	sshll.u32 s26, $0x4;
	s6 =	sshll.u32 s28, $0x4;
	s28 =	sshll.u32 s22, $0x4  }
0x33: {  	s8 =	sand.u32 $0x1FFFFFF0, s6;
	s6 =	simm.s32 $0xA80;
	s25 =	sshll.u32 s11, $0x4  }
0x34: {  	s9 =	sshll.u32 s30, $0x4;
	s16 =	sld [smem:$0x8];
	s25 =	sand.u32 $0x1FFFFFF0, s25  }
0x35: {  	s23 =	sadd.s32 s3, s8;
	s18 =	sld [smem:$0xB];
	s25 =	sadd.s32 s3, s25  }
0x36: {  	[tilespmem:s17], [sflag:$0x1] =	stream.linear.gather [hbm4b:s25+s2], $0x80, $0x38;
	[tilespmem:$0x10400] =	vst v63  }
0x37: {  	s30 =	simm.s32 $0x900;
	s1 =	sshll.u32 s1, $0x4;
	s17 =	sand.u32 $0x1FFFFFF0, s12  }
0x38: {  	s1 =	sand.u32 $0x1FFFFFF0, s1;
	s0 =	sshll.u32 s0, $0x4;
	s17 =	sadd.s32 s3, s17  }
0x39: {  	[tilespmem:s14], [sflag:$0x1] =	stream.linear.gather [hbm4b:s17+s2], $0x80, $0x38;
	[tilespmem:$0x10400] =	vst v63  }
0x3a: {  	s11 =	simm.s32 $0x700;
	s1 =	sadd.s32 s3, s1;
	s17 =	sand.u32 $0x1FFFFFF0, s24  }
0x3b: {  	s0 =	sand.u32 $0x1FFFFFF0, s0;
	s25 =	simm.s32 $0x580;
	s17 =	sadd.s32 s3, s17  }
0x3c: {  	[tilespmem:s25], [sflag:$0x1] =	stream.linear.gather [hbm4b:s17+s2], $0x80, $0x38;
	[tilespmem:$0x10400] =	vst v63  }
0x3d: {  	s16 =	sshll.u32 s16, $0x4;
	s18 =	sshll.u32 s18, $0x4;
	s17 =	sand.u32 $0x1FFFFFF0, s26  }
0x3e: {  	s0 =	sadd.s32 s3, s0;
	s18 =	sand.u32 $0x1FFFFFF0, s18;
	s17 =	sadd.s32 s3, s17  }
0x3f: {  	[tilespmem:s5], [sflag:$0x1] =	stream.linear.gather [hbm4b:s17+s2], $0x80, $0x38;
	[tilespmem:$0x10400] =	vst v63  }
0x40: {  	s18 =	sadd.s32 s3, s18;
	s24 =	sand.u32 $0x1FFFFFF0, s9;
	s25 =	sld [smem:$0xE]  }
0x41: {  	[tilespmem:s7], [sflag:$0x1] =	stream.linear.gather [hbm4b:s23+s2], $0x80, $0x38;
	[tilespmem:$0x10400] =	vst v63  }
0x42: {  	s14 =	simm.s32 $0x780;
	s10 =	sadd.s32 s3, s24;
	s12 =	sld [smem:$0xF]  }
0x43: {  	[tilespmem:s11], [sflag:$0x1] =	stream.linear.gather [hbm4b:s10+s2], $0x80, $0x38;
	[tilespmem:$0x10400] =	vst v63  }
0x44: {  	s26 =	simm.s32 $0x880;
	s17 =	sshll.u32 s29, $0x4;
	s29 =	sshll.u32 s31, $0x4  }
0x45: {  	[tilespmem:s14], [sflag:$0x1] =	stream.linear.gather [hbm4b:s1+s2], $0x80, $0x38;
	[tilespmem:$0x10400] =	vst v63  }
0x46: {  	s31 =	simm.s32 $0x980;
	s5 =	simm.s32 $0xA00;
	s1 =	sand.u32 $0x1FFFFFF0, s16  }
0x47: {  	s23 =	simm.s32 $0x800;
	s16 =	sand.u32 $0x1FFFFFF0, s17;
	s1 =	sadd.s32 s3, s1  }
0x48: {  	[tilespmem:s23], [sflag:$0x1] =	stream.linear.gather [hbm4b:s1+s2], $0x80, $0x38;
	[tilespmem:$0x10400] =	vst v63  }
0x49: {  	s22 =	sand.u32 $0x1FFFFFF0, s29;
	s16 =	sadd.s32 s3, s16;
	s17 =	sld [smem:$0x10]  }
0x4a: {  	[tilespmem:s26], [sflag:$0x1] =	stream.linear.gather [hbm4b:s16+s2], $0x80, $0x38;
	[tilespmem:$0x10400] =	vst v63  }
0x4b: {  	s8 =	sadd.s32 s3, s22;
	s10 =	simm.s32 $0xB00;
	s25 =	sshll.u32 s25, $0x4  }
0x4c: {  	[tilespmem:s30], [sflag:$0x1] =	stream.linear.gather [hbm4b:s0+s2], $0x80, $0x38;
	[tilespmem:$0x10400] =	vst v63  }
0x4d: {  	s11 =	simm.s32 $0xB80;
	s14 =	simm.s32 $0xC00;
	s7 =	sand.u32 $0x1FFFFFF0, s25  }
0x4e: {  	[tilespmem:s31], [sflag:$0x1] =	stream.linear.gather [hbm4b:s18+s2], $0x80, $0x38;
	[tilespmem:$0x10400] =	vst v63  }
0x4f: {  	s24 =	sshll.u32 s12, $0x4;
	s16 =	sand.u32 $0x1FFFFFF0, s28;
	s22 =	sld [smem:$0x1F]  }
0x50: {  	[tilespmem:s5], [sflag:$0x1] =	stream.linear.gather [hbm4b:s8+s2], $0x80, $0x38;
	[tilespmem:$0x10400] =	vst v63  }
0x51: {  	s9 =	sand.u32 $0x1FFFFFF0, s24;
	s16 =	sadd.s32 s3, s16;
	s25 =	sld [smem:$0x11]  }
0x52: {  	[tilespmem:s6], [sflag:$0x1] =	stream.linear.gather [hbm4b:s16+s2], $0x80, $0x38;
	[tilespmem:$0x10400] =	vst v63  }
0x53: {  	s17 =	sshll.u32 s17, $0x4;
	s18 =	sadd.s32 s3, s7;
	s23 =	sld [smem:$0x1E]  }
0x54: {  	[tilespmem:s10], [sflag:$0x1] =	stream.linear.gather [hbm4b:s18+s2], $0x80, $0x38;
	[tilespmem:$0x10400] =	vst v63  }
0x55: {  	s12 =	sadd.s32 s3, s9;
	s17 =	sand.u32 $0x1FFFFFF0, s17;
	s26 =	sld [smem:$0x12]  }
0x56: {  	[tilespmem:s11], [sflag:$0x1] =	stream.linear.gather [hbm4b:s12+s2], $0x80, $0x38;
	[tilespmem:$0x10400] =	vst v63  }
0x57: {  	s28 =	sadd.s32 s3, s17;
	s25 =	sshll.u32 s25, $0x4;
	s24 =	sld [smem:$0x1D]  }
0x58: {  	[tilespmem:s14], [sflag:$0x1] =	stream.linear.gather [hbm4b:s28+s2], $0x80, $0x38;
	[tilespmem:$0x10400] =	vst v63  }
0x59: {  	s1 =	simm.s32 $0xC80;
	s29 =	sand.u32 $0x1FFFFFF0, s25  }
0x5a: {  	s5 =	sld [smem:$0x13];
	s30 =	sadd.s32 s3, s29;
	s31 =	sshll.u32 s26, $0x4  }
0x5b: {  	[tilespmem:s1], [sflag:$0x1] =	stream.linear.gather [hbm4b:s30+s2], $0x80, $0x38;
	[tilespmem:$0x10400] =	vst v63  }
0x5c: {  	s6 =	simm.s32 $0xD00;
	s7 =	sand.u32 $0x1FFFFFF0, s31;
	s16 =	sld [smem:$0x1C]  }
0x5d: {  	s1 =	sadd.s32 s3, s7;
	s17 =	sshll.u32 s5, $0x4;
	s8 =	sld [smem:$0x14]  }
0x5e: {  	[tilespmem:s6], [sflag:$0x1] =	stream.linear.gather [hbm4b:s1+s2], $0x80, $0x38;
	[tilespmem:$0x10400] =	vst v63  }
0x5f: {  	s9 =	sand.u32 $0x1FFFFFF0, s17  }
0x60: {  	s10 =	simm.s32 $0xD80;
	s1 =	sld [smem:$0x19];
	s0 =	sadd.s32 s3, s9  }
0x61: {  	[tilespmem:s10], [sflag:$0x1] =	stream.linear.gather [hbm4b:s0+s2], $0x80, $0x38;
	[tilespmem:$0x10400] =	vst v63  }
0x62: {  	s12 =	simm.s32 $0xE00;
	s18 =	sshll.u32 s8, $0x4  }
0x63: {  	s28 =	simm.s32 $0xE80;
	s17 =	sld [smem:$0x16];
	s11 =	sand.u32 $0x1FFFFFF0, s18  }
0x64: {  	s26 =	sshll.u32 s21, $0x4;
	s14 =	sld [smem:$0x17];
	s0 =	sadd.s32 s3, s11  }
0x65: {  	[tilespmem:s12], [sflag:$0x1] =	stream.linear.gather [hbm4b:s0+s2], $0x80, $0x38;
	[tilespmem:$0x10400] =	vst v63  }
0x66: {  	s31 =	simm.s32 $0xF00;
	s0 =	sand.u32 $0x1FFFFFF0, s26;
	s17 =	sshll.u32 s17, $0x4  }
0x67: {  	s0 =	sadd.s32 s3, s0;
	s29 =	sand.u32 $0x1FFFFFF0, s17;
	s30 =	sshll.u32 s14, $0x4  }
0x68: {  	[tilespmem:s28], [sflag:$0x1] =	stream.linear.gather [hbm4b:s0+s2], $0x80, $0x38;
	[tilespmem:$0x10400] =	vst v63  }
0x69: {  	s0 =	sadd.s32 s3, s29;
	s17 =	sand.u32 $0x1FFFFFF0, s30;
	s18 =	sld [smem:$0x18]  }
0x6a: {  	[tilespmem:s31], [sflag:$0x1] =	stream.linear.gather [hbm4b:s0+s2], $0x80, $0x38;
	[tilespmem:$0x10400] =	vst v63  }
0x6b: {  	s5 =	simm.s32 $0xF80;
	s17 =	sadd.s32 s3, s17  }
0x6c: {  	[tilespmem:s5], [sflag:$0x1] =	stream.linear.gather [hbm4b:s17+s2], $0x80, $0x38;
	[tilespmem:$0x10400] =	vst v63  }
0x6d: {  	s18 =	sshll.u32 s18, $0x4  }
0x6e: {  	s7 =	simm.s32 $0x1000;
	s17 =	sld [smem:$0x1A];
	s6 =	sand.u32 $0x1FFFFFF0, s18  }
0x6f: {  	s9 =	sshll.u32 s1, $0x4;
	s8 =	sld [smem:$0x1B];
	s0 =	sadd.s32 s3, s6  }
0x70: {  	[tilespmem:s7], [sflag:$0x1] =	stream.linear.gather [hbm4b:s0+s2], $0x80, $0x38;
	[tilespmem:$0x10400] =	vst v63  }
0x71: {  	s0 =	sand.u32 $0x1FFFFFF0, s9  }
0x72: {  	s10 =	simm.s32 $0x1080;
	s11 =	sshll.u32 s17, $0x4;
	s0 =	sadd.s32 s3, s0  }
0x73: {  	[tilespmem:s10], [sflag:$0x1] =	stream.linear.gather [hbm4b:s0+s2], $0x80, $0x38;
	[tilespmem:$0x10400] =	vst v63  }
0x74: {  	s0 =	sand.u32 $0x1FFFFFF0, s11  }
0x75: {  	s12 =	simm.s32 $0x1100;
	s14 =	sshll.u32 s8, $0x4;
	s0 =	sadd.s32 s3, s0  }
0x76: {  	[tilespmem:s12], [sflag:$0x1] =	stream.linear.gather [hbm4b:s0+s2], $0x80, $0x38;
	[tilespmem:$0x10400] =	vst v63  }
0x77: {  	s0 =	sand.u32 $0x1FFFFFF0, s14  }
0x78: {  	s18 =	sshll.u32 s16, $0x4;
	s17 =	simm.s32 $0x1180;
	s0 =	sadd.s32 s3, s0  }
0x79: {  	[tilespmem:s17], [sflag:$0x1] =	stream.linear.gather [hbm4b:s0+s2], $0x80, $0x38;
	[tilespmem:$0x10400] =	vst v63  }
0x7a: {  	s0 =	sand.u32 $0x1FFFFFF0, s18  }
0x7b: {  	s21 =	simm.s32 $0x1200;
	s25 =	sshll.u32 s24, $0x4;
	s0 =	sadd.s32 s3, s0  }
0x7c: {  	[tilespmem:s21], [sflag:$0x1] =	stream.linear.gather [hbm4b:s0+s2], $0x80, $0x38;
	[tilespmem:$0x10400] =	vst v63  }
0x7d: {  	s0 =	sand.u32 $0x1FFFFFF0, s25  }
0x7e: {  	s26 =	simm.s32 $0x1280;
	s28 =	sshll.u32 s23, $0x4;
	s0 =	sadd.s32 s3, s0  }
0x7f: {  	[tilespmem:s26], [sflag:$0x1] =	stream.linear.gather [hbm4b:s0+s2], $0x80, $0x38;
	[tilespmem:$0x10400] =	vst v63  }
0x80: {  	s0 =	sand.u32 $0x1FFFFFF0, s28  }
0x81: {  	s29 =	simm.s32 $0x1300;
	s30 =	sshll.u32 s22, $0x4;
	s0 =	sadd.s32 s3, s0  }
0x82: {  	[tilespmem:s29], [sflag:$0x1] =	stream.linear.gather [hbm4b:s0+s2], $0x80, $0x38;
	[tilespmem:$0x10400] =	vst v63  }
0x83: {  	s0 =	sand.u32 $0x1FFFFFF0, s30  }
0x84: {  	s31 =	simm.s32 $0x1380;
	s0 =	sadd.s32 s3, s0  }
0x85: {  	[tilespmem:s31], [sflag:$0x1] =	stream.linear.gather [hbm4b:s0+s2], $0x80, $0x38;
	[tilespmem:$0x10400] =	vst v63  }
0x86: {  	_ =	swait.ge [sflag:s13], $0x80  }
0x87: {  	[sflag:s13] =	ssyncset.done $0x0  }
0x88: {  	[sflag:s13] =	ssyncadd.s32 $0xFFFFFF80  }
0x89: {  	_ =	swait.ge [sflag:s13], $0x80  }
0x8a: {  	[sflag:s13] =	ssyncset.done $0x0  }
0x8b: {  	[sflag:s13] =	ssyncadd.s32 $0xFFFFFF80  }
0x8c: {  	_ =	swait.ge [sflag:s13], $0x80  }
0x8d: {  	[sflag:s13] =	ssyncset.done $0x0  }
0x8e: {  	[sflag:s13] =	ssyncadd.s32 $0xFFFFFF80  }
0x8f: {  	_ =	swait.ge [sflag:s13], $0x80  }
0x90: {  	[sflag:s13] =	ssyncset.done $0x0  }
0x91: {  	[sflag:s13] =	ssyncadd.s32 $0xFFFFFF80  }
0x92: {  	_ =	swait.ge [sflag:s13], $0x80  }
0x93: {  	[sflag:s13] =	ssyncset.done $0x0  }
0x94: {  	[sflag:s13] =	ssyncadd.s32 $0xFFFFFF80  }
0x95: {  	_ =	swait.ge [sflag:s13], $0x80  }
0x96: {  	[sflag:s13] =	ssyncset.done $0x0  }
0x97: {  	[sflag:s13] =	ssyncadd.s32 $0xFFFFFF80  }
0x98: {  	_ =	swait.ge [sflag:s13], $0x80  }
0x99: {  	[sflag:s13] =	ssyncset.done $0x0  }
0x9a: {  	[sflag:s13] =	ssyncadd.s32 $0xFFFFFF80  }
0x9b: {  	_ =	swait.ge [sflag:s13], $0x80  }
0x9c: {  	[sflag:s13] =	ssyncset.done $0x0  }
0x9d: {  	[sflag:s13] =	ssyncadd.s32 $0xFFFFFF80  }
0x9e: {  	_ =	swait.ge [sflag:s13], $0x80  }
0x9f: {  	[sflag:s13] =	ssyncset.done $0x0  }
0xa0: {  	[sflag:s13] =	ssyncadd.s32 $0xFFFFFF80  }
0xa1: {  	_ =	swait.ge [sflag:s13], $0x80  }
0xa2: {  	[sflag:s13] =	ssyncset.done $0x0  }
0xa3: {  	[sflag:s13] =	ssyncadd.s32 $0xFFFFFF80  }
0xa4: {  	_ =	swait.ge [sflag:s13], $0x80  }
0xa5: {  	[sflag:s13] =	ssyncset.done $0x0  }
0xa6: {  	[sflag:s13] =	ssyncadd.s32 $0xFFFFFF80  }
0xa7: {  	_ =	swait.ge [sflag:s13], $0x80  }
0xa8: {  	[sflag:s13] =	ssyncset.done $0x0  }
0xa9: {  	[sflag:s13] =	ssyncadd.s32 $0xFFFFFF80  }
0xaa: {  	_ =	swait.ge [sflag:s13], $0x80  }
0xab: {  	[sflag:s13] =	ssyncset.done $0x0  }
0xac: {  	[sflag:s13] =	ssyncadd.s32 $0xFFFFFF80  }
0xad: {  	_ =	swait.ge [sflag:s13], $0x80  }
0xae: {  	[sflag:s13] =	ssyncset.done $0x0  }
0xaf: {  	[sflag:s13] =	ssyncadd.s32 $0xFFFFFF80  }
0xb0: {  	_ =	swait.ge [sflag:s13], $0x80  }
0xb1: {  	[sflag:s13] =	ssyncset.done $0x0  }
0xb2: {  	[sflag:s13] =	ssyncadd.s32 $0xFFFFFF80  }
0xb3: {  	_ =	swait.ge [sflag:s13], $0x80  }
0xb4: {  	[sflag:s13] =	ssyncset.done $0x0  }
0xb5: {  	[sflag:s13] =	ssyncadd.s32 $0xFFFFFF80  }
0xb6: {  	_ =	swait.ge [sflag:s13], $0x80  }
0xb7: {  	[sflag:s13] =	ssyncset.done $0x0  }
0xb8: {  	[sflag:s13] =	ssyncadd.s32 $0xFFFFFF80  }
0xb9: {  	_ =	swait.ge [sflag:s13], $0x80  }
0xba: {  	[sflag:s13] =	ssyncset.done $0x0  }
0xbb: {  	[sflag:s13] =	ssyncadd.s32 $0xFFFFFF80  }
0xbc: {  	_ =	swait.ge [sflag:s13], $0x80  }
0xbd: {  	[sflag:s13] =	ssyncset.done $0x0  }
0xbe: {  	[sflag:s13] =	ssyncadd.s32 $0xFFFFFF80  }
0xbf: {  	_ =	swait.ge [sflag:s13], $0x80  }
0xc0: {  	[sflag:s13] =	ssyncset.done $0x0  }
0xc1: {  	[sflag:s13] =	ssyncadd.s32 $0xFFFFFF80  }
0xc2: {  	_ =	swait.ge [sflag:s13], $0x80  }
0xc3: {  	[sflag:s13] =	ssyncset.done $0x0  }
0xc4: {  	[sflag:s13] =	ssyncadd.s32 $0xFFFFFF80  }
0xc5: {  	_ =	swait.ge [sflag:s13], $0x80  }
0xc6: {  	[sflag:s13] =	ssyncset.done $0x0  }
0xc7: {  	[sflag:s13] =	ssyncadd.s32 $0xFFFFFF80  }
0xc8: {  	_ =	swait.ge [sflag:s13], $0x80  }
0xc9: {  	[sflag:s13] =	ssyncset.done $0x0  }
0xca: {  	[sflag:s13] =	ssyncadd.s32 $0xFFFFFF80  }
0xcb: {  	s21 =	simm.s32 $0x4000;
	_ =	swait.ge [sflag:s13], $0x80  }
.LBB2_2:
0xcc: {  	p0 =	sne.s32 s21, $0x3C000;
	[sflag:s13] =	ssyncset.done $0x0;
	s20 =	sadd.s32 $0x20, s20  }
0xcd: {  	s0 =	smov.u32 s21;
	s21 =	sadd.s32 $0x4000, s21;
	[sflag:s13] =	ssyncadd.s32 $0xFFFFFF80  }
0xce: {  	_ =	swait.ge [sflag:s13], $0x80  }
0xcf: {  	[sflag:s13] =	ssyncset.done $0x0  }
0xd0: {  	[sflag:s13] =	ssyncadd.s32 $0xFFFFFF80  }
0xd1: {  	_ =	swait.ge [sflag:s13], $0x80  }
0xd2: {  	[sflag:s13] =	ssyncset.done $0x0  }
0xd3: {  	[sflag:s13] =	ssyncadd.s32 $0xFFFFFF80  }
0xd4: {  	_ =	swait.ge [sflag:s13], $0x80  }
0xd5: {  	[sflag:s13] =	ssyncset.done $0x0  }
0xd6: {  	[sflag:s13] =	ssyncadd.s32 $0xFFFFFF80  }
0xd7: {  	_ =	swait.ge [sflag:s13], $0x80  }
0xd8: {  	[sflag:s13] =	ssyncset.done $0x0  }
0xd9: {  	[sflag:s13] =	ssyncadd.s32 $0xFFFFFF80  }
0xda: {  	_ =	swait.ge [sflag:s13], $0x80  }
0xdb: {  	[sflag:s13] =	ssyncset.done $0x0  }
0xdc: {  	[sflag:s13] =	ssyncadd.s32 $0xFFFFFF80  }
0xdd: {  	_ =	swait.ge [sflag:s13], $0x80  }
0xde: {  	[sflag:s13] =	ssyncset.done $0x0  }
0xdf: {  	[sflag:s13] =	ssyncadd.s32 $0xFFFFFF80  }
0xe0: {  	_ =	swait.ge [sflag:s13], $0x80  }
0xe1: {  	[sflag:s13] =	ssyncset.done $0x0  }
0xe2: {  	[sflag:s13] =	ssyncadd.s32 $0xFFFFFF80  }
0xe3: {  	_ =	swait.ge [sflag:s13], $0x80  }
0xe4: {  	[sflag:s13] =	ssyncset.done $0x0  }
0xe5: {  	s22 =	sshra.s32 s0, $0x2;
	[sflag:s13] =	ssyncadd.s32 $0xFFFFFF80  }
0xe6: {  	s23 =	sadd.s32 $0xC80, s22;
	s0 =	sld [smem:s20+$0xFFFFFFF2]  }
0xe7: {  	s25 =	sadd.s32 $0x480, s22;
	s1 =	sld [smem:s20+$0xFFFFFFF3]  }
0xe8: {  	s16 =	sadd.s32 $0x400, s22;
	s17 =	sld [smem:s20+$0x5]  }
0xe9: {  	s18 =	sld [smem:s20+$0xFFFFFFF0];
	s0 =	sshll.u32 s0, $0x4  }
0xea: {  	s28 =	sadd.s32 $0x500, s22;
	s0 =	sand.u32 $0x1FFFFFF0, s0;
	s26 =	sld [smem:s20+$0xFFFFFFFD]  }
0xeb: {  	s1 =	sshll.u32 s1, $0x4;
	s31 =	sld [smem:s20+$0xFFFFFFF4];
	s24 =	sshll.u32 s17, $0x4  }
0xec: {  	s29 =	sadd.s32 $0x580, s22;
	s17 =	sshll.u32 s18, $0x4;
	s18 =	sld [smem:s20+$0xFFFFFFF5]  }
0xed: {  	s17 =	sand.u32 $0x1FFFFFF0, s17;
	s14 =	sld [smem:s20+$0xFFFFFFF9];
	s26 =	sshll.u32 s26, $0x4  }
0xee: {  	s30 =	sadd.s32 $0x600, s22;
	s31 =	sshll.u32 s31, $0x4;
	s5 =	sld [smem:s20+$0xFFFFFFF6]  }
0xef: {  	s17 =	sadd.s32 s3, s17;
	s26 =	sand.u32 $0x1FFFFFF0, s26;
	s6 =	sld [smem:s20+$0xFFFFFFFC]  }
0xf0: {  	s7 =	sand.u32 $0x1FFFFFF0, s31;
	s31 =	sadd.s32 $0x680, s22;
	s18 =	sshll.u32 s18, $0x4  }
0xf1: {  	s7 =	sadd.s32 s3, s7;
	s18 =	sand.u32 $0x1FFFFFF0, s18;
	s5 =	sshll.u32 s5, $0x4  }
0xf2: {  	s18 =	sadd.s32 s3, s18;
	s5 =	sand.u32 $0x1FFFFFF0, s5;
	s8 =	sld [smem:s20+$0xFFFFFFF7]  }
0xf3: {  	[tilespmem:s16], [sflag:$0x1] =	stream.linear.gather [hbm4b:s17+s2], $0x80, $0x38;
	[tilespmem:$0x10400] =	vst v63  }
0xf4: {  	s6 =	sshll.u32 s6, $0x4;
	s5 =	sadd.s32 s3, s5;
	s16 =	sld [smem:s20+$0xFFFFFFFA]  }
0xf5: {  	s1 =	sand.u32 $0x1FFFFFF0, s1;
	s17 =	sld [smem:s20+$0xFFFFFFF1]  }
0xf6: {  	s1 =	sadd.s32 s3, s1;
	s8 =	sshll.u32 s8, $0x4;
	s9 =	sld [smem:s20+$0xFFFFFFF8]  }
0xf7: {  	s10 =	sadd.s32 $0x700, s22;
	s8 =	sand.u32 $0x1FFFFFF0, s8;
	s11 =	sld [smem:s20+$0xFFFFFFFB]  }
0xf8: {  	s0 =	sadd.s32 s3, s0;
	s14 =	sshll.u32 s14, $0x4;
	s17 =	sshll.u32 s17, $0x4  }
0xf9: {  	s12 =	sadd.s32 $0x780, s22;
	s17 =	sand.u32 $0x1FFFFFF0, s17;
	s9 =	sshll.u32 s9, $0x4  }
0xfa: {  	s16 =	sshll.u32 s16, $0x4;
	s17 =	sadd.s32 s3, s17;
	s9 =	sand.u32 $0x1FFFFFF0, s9  }
0xfb: {  	[tilespmem:s25], [sflag:$0x1] =	stream.linear.gather [hbm4b:s17+s2], $0x80, $0x38;
	[tilespmem:$0x10400] =	vst v63  }
0xfc: {  	s14 =	sand.u32 $0x1FFFFFF0, s14;
	s9 =	sadd.s32 s3, s9;
	s17 =	sadd.s32 $0x880, s22  }
0xfd: {  	[tilespmem:s28], [sflag:$0x1] =	stream.linear.gather [hbm4b:s0+s2], $0x80, $0x38;
	[tilespmem:$0x10400] =	vst v63  }
0xfe: {  	s16 =	sand.u32 $0x1FFFFFF0, s16;
	s0 =	sadd.s32 s3, s14;
	s14 =	sadd.s32 $0x900, s22  }
0xff: {  	[tilespmem:s29], [sflag:$0x1] =	stream.linear.gather [hbm4b:s1+s2], $0x80, $0x38;
	[tilespmem:$0x10400] =	vst v63  }
0x100: {  	s11 =	sshll.u32 s11, $0x4;
	s1 =	sadd.s32 s3, s16;
	s16 =	sadd.s32 $0x980, s22  }
0x101: {  	[tilespmem:s30], [sflag:$0x1] =	stream.linear.gather [hbm4b:s7+s2], $0x80, $0x38;
	[tilespmem:$0x10400] =	vst v63  }
0x102: {  	s7 =	sand.u32 $0x1FFFFFF0, s11;
	s11 =	sadd.s32 $0xA00, s22;
	s25 =	sld [smem:s20+$0xFFFFFFFE]  }
0x103: {  	[tilespmem:s31], [sflag:$0x1] =	stream.linear.gather [hbm4b:s18+s2], $0x80, $0x38;
	[tilespmem:$0x10400] =	vst v63  }
0x104: {  	s6 =	sand.u32 $0x1FFFFFF0, s6;
	s18 =	sadd.s32 $0xA80, s22;
	s28 =	sld [smem:s20+$0xFFFFFFFF]  }
0x105: {  	[tilespmem:s10], [sflag:$0x1] =	stream.linear.gather [hbm4b:s5+s2], $0x80, $0x38;
	[tilespmem:$0x10400] =	vst v63  }
0x106: {  	s5 =	sadd.s32 s3, s8;
	s8 =	sshll.u32 s25, $0x4  }
0x107: {  	[tilespmem:s12], [sflag:$0x1] =	stream.linear.gather [hbm4b:s5+s2], $0x80, $0x38;
	[tilespmem:$0x10400] =	vst v63  }
0x108: {  	s8 =	sand.u32 $0x1FFFFFF0, s8;
	s5 =	sadd.s32 $0x800, s22;
	s10 =	sshll.u32 s28, $0x4  }
0x109: {  	[tilespmem:s5], [sflag:$0x1] =	stream.linear.gather [hbm4b:s9+s2], $0x80, $0x38;
	[tilespmem:$0x10400] =	vst v63  }
0x10a: {  	s31 =	sand.u32 $0x1FFFFFF0, s24;
	s5 =	sand.u32 $0x1FFFFFF0, s10;
	s9 =	sld [smem:s20+$0x0]  }
0x10b: {  	[tilespmem:s17], [sflag:$0x1] =	stream.linear.gather [hbm4b:s0+s2], $0x80, $0x38;
	[tilespmem:$0x10400] =	vst v63  }
0x10c: {  	s0 =	sadd.s32 s3, s7;
	s7 =	sadd.s32 $0xB00, s22  }
0x10d: {  	s6 =	sadd.s32 s3, s6;
	s9 =	sshll.u32 s9, $0x4  }
0x10e: {  	[tilespmem:s14], [sflag:$0x1] =	stream.linear.gather [hbm4b:s1+s2], $0x80, $0x38;
	[tilespmem:$0x10400] =	vst v63  }
0x10f: {  	s24 =	sadd.s32 $0x1300, s22;
	s25 =	sadd.s32 $0x1280, s22;
	s1 =	sand.u32 $0x1FFFFFF0, s9  }
0x110: {  	[tilespmem:s16], [sflag:$0x1] =	stream.linear.gather [hbm4b:s0+s2], $0x80, $0x38;
	[tilespmem:$0x10400] =	vst v63  }
0x111: {  	s8 =	sadd.s32 s3, s8;
	s0 =	sadd.s32 s3, s26;
	s9 =	sld [smem:s20+$0xF]  }
0x112: {  	[tilespmem:s11], [sflag:$0x1] =	stream.linear.gather [hbm4b:s6+s2], $0x80, $0x38;
	[tilespmem:$0x10400] =	vst v63  }
0x113: {  	s5 =	sadd.s32 s3, s5;
	s6 =	sadd.s32 $0xB80, s22;
	s10 =	sld [smem:s20+$0x1]  }
0x114: {  	[tilespmem:s18], [sflag:$0x1] =	stream.linear.gather [hbm4b:s0+s2], $0x80, $0x38;
	[tilespmem:$0x10400] =	vst v63  }
0x115: {  	s0 =	sadd.s32 $0xC00, s22;
	s26 =	sshll.u32 s9, $0x4;
	s28 =	sld [smem:s20+$0xE]  }
0x116: {  	[tilespmem:s7], [sflag:$0x1] =	stream.linear.gather [hbm4b:s8+s2], $0x80, $0x38;
	[tilespmem:$0x10400] =	vst v63  }
0x117: {  	s1 =	sadd.s32 s3, s1;
	s7 =	sshll.u32 s10, $0x4;
	s8 =	sld [smem:s20+$0x2]  }
0x118: {  	[tilespmem:s6], [sflag:$0x1] =	stream.linear.gather [hbm4b:s5+s2], $0x80, $0x38;
	[tilespmem:$0x10400] =	vst v63  }
0x119: {  	s29 =	sadd.s32 $0x1180, s22;
	s5 =	sand.u32 $0x1FFFFFF0, s7;
	s30 =	sld [smem:s20+$0xD]  }
0x11a: {  	[tilespmem:s0], [sflag:$0x1] =	stream.linear.gather [hbm4b:s1+s2], $0x80, $0x38;
	[tilespmem:$0x10400] =	vst v63  }
0x11b: {  	s0 =	sadd.s32 s3, s5;
	s1 =	sshll.u32 s8, $0x4;
	s5 =	sld [smem:s20+$0x3]  }
0x11c: {  	[tilespmem:s23], [sflag:$0x1] =	stream.linear.gather [hbm4b:s0+s2], $0x80, $0x38;
	[tilespmem:$0x10400] =	vst v63  }
0x11d: {  	s1 =	sand.u32 $0x1FFFFFF0, s1;
	s0 =	sadd.s32 $0xD00, s22;
	s6 =	sld [smem:s20+$0xC]  }
0x11e: {  	s1 =	sadd.s32 s3, s1;
	s5 =	sshll.u32 s5, $0x4;
	s7 =	sld [smem:s20+$0x4]  }
0x11f: {  	[tilespmem:s0], [sflag:$0x1] =	stream.linear.gather [hbm4b:s1+s2], $0x80, $0x38;
	[tilespmem:$0x10400] =	vst v63  }
0x120: {  	s0 =	sand.u32 $0x1FFFFFF0, s5;
	s1 =	sld [smem:s20+$0x9];
	s5 =	sshll.u32 s6, $0x4  }
0x121: {  	s6 =	sadd.s32 $0xD80, s22;
	s0 =	sadd.s32 s3, s0;
	s7 =	sshll.u32 s7, $0x4  }
0x122: {  	[tilespmem:s6], [sflag:$0x1] =	stream.linear.gather [hbm4b:s0+s2], $0x80, $0x38;
	[tilespmem:$0x10400] =	vst v63  }
0x123: {  	s0 =	sand.u32 $0x1FFFFFF0, s7;
	s6 =	sld [smem:s20+$0x6];
	s1 =	sshll.u32 s1, $0x4  }
0x124: {  	s7 =	sadd.s32 $0xE00, s22;
	s0 =	sadd.s32 s3, s0;
	s8 =	sld [smem:s20+$0x7]  }
0x125: {  	[tilespmem:s7], [sflag:$0x1] =	stream.linear.gather [hbm4b:s0+s2], $0x80, $0x38;
	[tilespmem:$0x10400] =	vst v63  }
0x126: {  	s0 =	sadd.s32 $0xE80, s22;
	s7 =	sadd.s32 s3, s31;
	s6 =	sshll.u32 s6, $0x4  }
0x127: {  	[tilespmem:s0], [sflag:$0x1] =	stream.linear.gather [hbm4b:s7+s2], $0x80, $0x38;
	[tilespmem:$0x10400] =	vst v63  }
0x128: {  	s0 =	sand.u32 $0x1FFFFFF0, s6;
	s6 =	sshll.u32 s8, $0x4;
	s7 =	sld [smem:s20+$0x8]  }
0x129: {  	s8 =	sadd.s32 $0xF00, s22;
	s0 =	sadd.s32 s3, s0;
	s6 =	sand.u32 $0x1FFFFFF0, s6  }
0x12a: {  	[tilespmem:s8], [sflag:$0x1] =	stream.linear.gather [hbm4b:s0+s2], $0x80, $0x38;
	[tilespmem:$0x10400] =	vst v63  }
0x12b: {  	s6 =	sadd.s32 s3, s6;
	s0 =	sadd.s32 $0xF80, s22;
	s7 =	sshll.u32 s7, $0x4  }
0x12c: {  	[tilespmem:s0], [sflag:$0x1] =	stream.linear.gather [hbm4b:s6+s2], $0x80, $0x38;
	[tilespmem:$0x10400] =	vst v63  }
0x12d: {  	s1 =	sand.u32 $0x1FFFFFF0, s1;
	s0 =	sand.u32 $0x1FFFFFF0, s7;
	s6 =	sld [smem:s20+$0xA]  }
0x12e: {  	s7 =	sadd.s32 $0x1000, s22;
	s0 =	sadd.s32 s3, s0;
	s8 =	sld [smem:s20+$0xB]  }
0x12f: {  	[tilespmem:s7], [sflag:$0x1] =	stream.linear.gather [hbm4b:s0+s2], $0x80, $0x38;
	[tilespmem:$0x10400] =	vst v63  }
0x130: {  	s1 =	sadd.s32 s3, s1;
	s0 =	sadd.s32 $0x1080, s22;
	s6 =	sshll.u32 s6, $0x4  }
0x131: {  	[tilespmem:s0], [sflag:$0x1] =	stream.linear.gather [hbm4b:s1+s2], $0x80, $0x38;
	[tilespmem:$0x10400] =	vst v63  }
0x132: {  	s5 =	sand.u32 $0x1FFFFFF0, s5;
	s0 =	sand.u32 $0x1FFFFFF0, s6;
	s1 =	sshll.u32 s8, $0x4  }
0x133: {  	s6 =	sadd.s32 $0x1100, s22;
	s0 =	sadd.s32 s3, s0;
	s1 =	sand.u32 $0x1FFFFFF0, s1  }
0x134: {  	[tilespmem:s6], [sflag:$0x1] =	stream.linear.gather [hbm4b:s0+s2], $0x80, $0x38;
	[tilespmem:$0x10400] =	vst v63  }
0x135: {  	s0 =	sadd.s32 s3, s1;
	s1 =	sadd.s32 s3, s5;
	s5 =	sshll.u32 s30, $0x4  }
0x136: {  	[tilespmem:s29], [sflag:$0x1] =	stream.linear.gather [hbm4b:s0+s2], $0x80, $0x38;
	[tilespmem:$0x10400] =	vst v63  }
0x137: {  	s6 =	sshll.u32 s28, $0x4;
	s5 =	sand.u32 $0x1FFFFFF0, s5;
	s0 =	sadd.s32 $0x1200, s22  }
0x138: {  	[tilespmem:s0], [sflag:$0x1] =	stream.linear.gather [hbm4b:s1+s2], $0x80, $0x38;
	[tilespmem:$0x10400] =	vst v63  }
0x139: {  	s0 =	sadd.s32 s3, s5;
	s1 =	sand.u32 $0x1FFFFFF0, s6;
	s5 =	sand.u32 $0x1FFFFFF0, s26  }
0x13a: {  	[tilespmem:s25], [sflag:$0x1] =	stream.linear.gather [hbm4b:s0+s2], $0x80, $0x38;
	[tilespmem:$0x10400] =	vst v63  }
0x13b: {  	s5 =	sadd.s32 s3, s5;
	s0 =	sadd.s32 s3, s1;
	s1 =	sadd.s32 $0x1380, s22  }
0x13c: {  	[tilespmem:s24], [sflag:$0x1] =	stream.linear.gather [hbm4b:s0+s2], $0x80, $0x38;
	[tilespmem:$0x10400] =	vst v63  }
0x13d: {  	_ = 	snop  }
0x13e: {  	[tilespmem:s1], [sflag:$0x1] =	stream.linear.gather [hbm4b:s5+s2], $0x80, $0x38;
	[tilespmem:$0x10400] =	vst v63  }
0x13f: {  	_ =	swait.ge [sflag:s13], $0x80  }
0x140: {  	[sflag:s13] =	ssyncset.done $0x0  }
0x141: {  	[sflag:s13] =	ssyncadd.s32 $0xFFFFFF80  }
0x142: {  	_ =	swait.ge [sflag:s13], $0x80  }
0x143: {  	[sflag:s13] =	ssyncset.done $0x0  }
0x144: {  	[sflag:s13] =	ssyncadd.s32 $0xFFFFFF80  }
0x145: {  	_ =	swait.ge [sflag:s13], $0x80  }
0x146: {  	[sflag:s13] =	ssyncset.done $0x0  }
0x147: {  	[sflag:s13] =	ssyncadd.s32 $0xFFFFFF80  }
0x148: {  	_ =	swait.ge [sflag:s13], $0x80  }
0x149: {  	[sflag:s13] =	ssyncset.done $0x0  }
0x14a: {  	[sflag:s13] =	ssyncadd.s32 $0xFFFFFF80  }
0x14b: {  	_ =	swait.ge [sflag:s13], $0x80  }
0x14c: {  	[sflag:s13] =	ssyncset.done $0x0  }
0x14d: {  	[sflag:s13] =	ssyncadd.s32 $0xFFFFFF80  }
0x14e: {  	_ =	swait.ge [sflag:s13], $0x80  }
0x14f: {  	[sflag:s13] =	ssyncset.done $0x0  }
0x150: {  	[sflag:s13] =	ssyncadd.s32 $0xFFFFFF80  }
0x151: {  	_ =	swait.ge [sflag:s13], $0x80  }
0x152: {  	[sflag:s13] =	ssyncset.done $0x0  }
0x153: {  	[sflag:s13] =	ssyncadd.s32 $0xFFFFFF80  }
0x154: {  	_ =	swait.ge [sflag:s13], $0x80  }
0x155: {  	[sflag:s13] =	ssyncset.done $0x0  }
0x156: {  	[sflag:s13] =	ssyncadd.s32 $0xFFFFFF80  }
0x157: {  	_ =	swait.ge [sflag:s13], $0x80  }
0x158: {  	[sflag:s13] =	ssyncset.done $0x0  }
0x159: {  	[sflag:s13] =	ssyncadd.s32 $0xFFFFFF80  }
0x15a: {  	_ =	swait.ge [sflag:s13], $0x80  }
0x15b: {  	[sflag:s13] =	ssyncset.done $0x0  }
0x15c: {  	[sflag:s13] =	ssyncadd.s32 $0xFFFFFF80  }
0x15d: {  	_ =	swait.ge [sflag:s13], $0x80  }
0x15e: {  	[sflag:s13] =	ssyncset.done $0x0  }
0x15f: {  	[sflag:s13] =	ssyncadd.s32 $0xFFFFFF80  }
0x160: {  	_ =	swait.ge [sflag:s13], $0x80  }
0x161: {  	[sflag:s13] =	ssyncset.done $0x0  }
0x162: {  	[sflag:s13] =	ssyncadd.s32 $0xFFFFFF80  }
0x163: {  	_ =	swait.ge [sflag:s13], $0x80  }
0x164: {  	[sflag:s13] =	ssyncset.done $0x0  }
0x165: {  	[sflag:s13] =	ssyncadd.s32 $0xFFFFFF80  }
0x166: {  	_ =	swait.ge [sflag:s13], $0x80  }
0x167: {  	[sflag:s13] =	ssyncset.done $0x0  }
0x168: {  	[sflag:s13] =	ssyncadd.s32 $0xFFFFFF80  }
0x169: {  	_ =	swait.ge [sflag:s13], $0x80  }
0x16a: {  	[sflag:s13] =	ssyncset.done $0x0  }
0x16b: {  	[sflag:s13] =	ssyncadd.s32 $0xFFFFFF80  }
0x16c: {  	_ =	swait.ge [sflag:s13], $0x80  }
0x16d: {  	[sflag:s13] =	ssyncset.done $0x0  }
0x16e: {  	[sflag:s13] =	ssyncadd.s32 $0xFFFFFF80  }
0x16f: {  	_ =	swait.ge [sflag:s13], $0x80  }
0x170: {  	[sflag:s13] =	ssyncset.done $0x0  }
0x171: {  	[sflag:s13] =	ssyncadd.s32 $0xFFFFFF80  }
0x172: {  	_ =	swait.ge [sflag:s13], $0x80  }
0x173: {  	[sflag:s13] =	ssyncset.done $0x0  }
0x174: {  	[sflag:s13] =	ssyncadd.s32 $0xFFFFFF80  }
0x175: {  	_ =	swait.ge [sflag:s13], $0x80  }
0x176: {  	[sflag:s13] =	ssyncset.done $0x0  }
0x177: {  	[sflag:s13] =	ssyncadd.s32 $0xFFFFFF80  }
0x178: {  	_ =	swait.ge [sflag:s13], $0x80  }
0x179: {  	[sflag:s13] =	ssyncset.done $0x0  }
0x17a: {  	[sflag:s13] =	ssyncadd.s32 $0xFFFFFF80  }
0x17b: {  	_ =	swait.ge [sflag:s13], $0x80  }
0x17c: {  	[sflag:s13] =	ssyncset.done $0x0  }
0x17d: {  	[sflag:s13] =	ssyncadd.s32 $0xFFFFFF80  }
0x17e: {  	_ =	swait.ge [sflag:s13], $0x80  }
0x17f: {  	[sflag:s13] =	ssyncset.done $0x0  }
.Ltmp0:
0x180: {  	[sflag:s13] =	ssyncadd.s32 $0xFFFFFF80;
	(pc) =	sbr.rel @p0 .LBB2_2-.Ltmp0, $4  }
0x181: {  	_ =	swait.ge [sflag:s13], $0x80  }
0x182: {  	[sflag:s13] =	ssyncset.done $0x0  }
0x183: {  	[sflag:s13] =	ssyncadd.s32 $0xFFFFFF80  }
0x184: {  	_ =	swait.ge [sflag:s13], $0x80  }
0x185: {  	[sflag:s13] =	ssyncset.done $0x0  }
0x186: {  	[sflag:s13] =	ssyncadd.s32 $0xFFFFFF80  }
0x187: {  	_ =	swait.ge [sflag:s13], $0x80  }
0x188: {  	[sflag:s13] =	ssyncset.done $0x0  }
0x189: {  	[sflag:s13] =	ssyncadd.s32 $0xFFFFFF80  }
0x18a: {  	_ =	swait.ge [sflag:s13], $0x80  }
0x18b: {  	[sflag:s13] =	ssyncset.done $0x0  }
0x18c: {  	[sflag:s13] =	ssyncadd.s32 $0xFFFFFF80  }
0x18d: {  	_ =	swait.ge [sflag:s13], $0x80  }
0x18e: {  	[sflag:s13] =	ssyncset.done $0x0  }
0x18f: {  	[sflag:s13] =	ssyncadd.s32 $0xFFFFFF80  }
0x190: {  	_ =	swait.ge [sflag:s13], $0x80  }
0x191: {  	[sflag:s13] =	ssyncset.done $0x0  }
0x192: {  	[sflag:s13] =	ssyncadd.s32 $0xFFFFFF80  }
0x193: {  	_ =	swait.ge [sflag:s13], $0x80  }
0x194: {  	[sflag:s13] =	ssyncset.done $0x0  }
0x195: {  	[sflag:s13] =	ssyncadd.s32 $0xFFFFFF80  }
0x196: {  	_ =	swait.ge [sflag:s13], $0x80  }
0x197: {  	[sflag:s13] =	ssyncset.done $0x0  }
0x198: {  	[sflag:s13] =	ssyncadd.s32 $0xFFFFFF80  }
0x199: {  	_ =	swait.ge [sflag:s13], $0x80  }
0x19a: {  	[sflag:s13] =	ssyncset.done $0x0  }
0x19b: {  	[sflag:s13] =	ssyncadd.s32 $0xFFFFFF80  }
0x19c: {  	_ =	swait.ge [sflag:s13], $0x80  }
0x19d: {  	[sflag:s13] =	ssyncset.done $0x0  }
0x19e: {  	s1 =	simm.s32 $0x400;
	s0 =	rddreg [dreg:$0x6];
	[sflag:s13] =	ssyncadd.s32 $0xFFFFFF80  }
0x19f: {  	[hbm4b:s0+s2] =	stream.linear.scatter [tilespmem:s1], [sflag:$0x2], $0x10000, $0x38;
	[tilespmem:$0x10400] =	vst v63  }
0x1a0: {  	_ =	swait.ge [sflag:s15], $0x10000  }
0x1a1: {  	s19 =	sadd.s32 $0x1, s19;
	s31 =	rddreg [dreg:$0x7]  }
0x1a2: {  	p0 =	sne.s32 s19, s31  }
.Ltmp1:
0x1a3: {  	_ = 	snop;
	(pc) =	sbr.rel @p0 .LBB2_1-.Ltmp1, $3  }
0x1a4: {  	_ =	sdelay $0x1  }
0x1a5: {  	[sflag:s15] =	ssyncset.done $0x0  }
0x1a6: {  	[sflag:s15] =	ssyncadd.s32 $0xFFFF0000  }
0x1a7: {  	_ =	sfence.sel $0x180000  }
0x1a8: {  	[bflag:$0x0] =	sbarrier.arrive $0xFFFF  }
0x1a9: {  	_ =	strace $0x9000004A  }
0x1aa: {  	s0 =	stileid.u32;
	[bflag:$0x2] =	sbarrier.arrive $0xFFFF  }
0x1ab: {  	p0 =	sne.s32 s0, $0x0;
	s0 =	rddreg [dreg:$0x3]  }
0x1ac: {  	s0 =	sadd.s32 @!p0 $0x100000, s0  }
0x1ad: {  	[sflag:s0] =	ssyncadd.tile.s32 @!p0 $0x1;
	_ =	shalt  }
.Lfunc_end2:
_tile_overlayer_lowered:
.L_overlay_start_2:
0x1ae: {  	(tag) =	ssettag $0x2  }
0x1af: {  	s0 =	rddreg [dreg:$0x0];
	s2 =	stileid.u32  }
0x1b0: {  	s1 =	rddreg [dreg:$0x1];
	p0 =	sne.s32 s2, $0x0  }
0x1b1: {  	s3 =	rddreg [dreg:$0x2];
	[bflag:$0x3] =	sbarrier.arrive $0xFFFF;
	s2 =	simm.s32 @!p0 $0x1C02  }
0x1b2: {  	[timem:s3], [sflag:s2] =	dma.local @!p0 [hbm:s0], s1  }
0x1b3: {  	s0 =	simm.s32 @!p0 $0x2  }
0x1b4: {  	_ =	swait.ge @!p0 [sflag:s0], s1  }
0x1b5: {  	s1 =	ssub.s32 @!p0 $0x0, s1;
	[sflag:s0] =	ssyncset.done @!p0 $0x0  }
0x1b6: {  	[sflag:s0] =	ssyncadd.s32 @!p0 s1  }
0x1b7: {  	[bflag:$0x3] =	sbarrier.arrive $0xFFFF  }
0x1b8: {  	_ =	shalt  }

</sc_bundles>
